<compile_context>
chip_gen: v7x
topology: tpu7x:2x2x1
jax: 0.10.2.dev20260603
libtpu: 0.0.44.dev20260713+nightly
codegen_flags: <defaults>
</compile_context>

<pallas_src>
import functools

import jax
import jax.numpy as jnp
from jax import lax
from jax.experimental import pallas as pl
from jax.experimental.pallas import tpu as pltpu
from jax.experimental.pallas import tpu_sc as plsc

N_NODES = 10000
N_EDGES = 320000
D = 128
NC, NS, L = 2, 16, 16
NW = NC * NS
EPW = N_EDGES // NW
CHUNK = 80
NCHUNK = EPW // CHUNK
NGROUP = NCHUNK // 2

_mesh = plsc.VectorSubcoreMesh(
    core_axis_name="c", subcore_axis_name="s", num_cores=NC, num_subcores=NS
)


def _mm_body(x_ref, w_ref, b_ref, y1_ref, y2_ref):
    xb = x_ref[...]
    w = w_ref[...]
    dn = (((1,), (1,)), ((), ()))
    y1_ref[...] = (
        lax.dot_general(xb, w[:, :D], dn, preferred_element_type=jnp.float32)
        + b_ref[...]
    )
    y2_ref[...] = lax.dot_general(
        xb, w[:, D:], dn, preferred_element_type=jnp.float32
    )


def _matmuls(x, W, b):
    return pl.pallas_call(
        _mm_body,
        out_shape=(
            jax.ShapeDtypeStruct((N_NODES, D), jnp.float32),
            jax.ShapeDtypeStruct((N_NODES, D), jnp.float32),
        ),
    )(x, W, b.reshape(1, D))


def _acc_body(c1_hbm, c2_hbm, src_hbm, dst_hbm, acc_hbm,
              c1_v, c2_v, src_v, dst_v, vals_v, zero_v, acc_sh):
    cid = lax.axis_index("c")
    sid = lax.axis_index("s")
    wid = cid * NS + sid
    base = wid * EPW

    @pl.when(sid == 0)
    def _zero():
        def zloop(i, carry):
            zero_v[pl.ds(i * L, L)] = jnp.zeros((L,), jnp.float32)
            return carry
        lax.fori_loop(0, N_NODES // L, zloop, 0)
        pltpu.sync_copy(zero_v, acc_sh)

    pltpu.sync_copy(c1_hbm, c1_v)
    pltpu.sync_copy(c2_hbm, c2_v)
    pltpu.sync_copy(src_hbm.at[pl.ds(base, EPW)], src_v)
    pltpu.sync_copy(dst_hbm.at[pl.ds(base, EPW)], dst_v)

    def body(i, carry):
        s_idx = src_v[pl.ds(i * L, L)]
        d_idx = dst_v[pl.ds(i * L, L)]
        v1 = plsc.load_gather(c1_v, [s_idx])
        v2 = plsc.load_gather(c2_v, [d_idx])
        vals_v[pl.ds(i * L, L)] = jnp.maximum(v1 + v2, 0.0)
        return carry
    lax.fori_loop(0, EPW // L, body, 0)

    plsc.subcore_barrier()
    pltpu.sync_copy(vals_v, acc_sh.at[src_v], add=True)
    plsc.subcore_barrier()

    @pl.when(sid == 0)
    def _writeout():
        pltpu.sync_copy(acc_sh, acc_hbm.at[cid])


_acc_call = pl.kernel(
    _acc_body,
    out_type=jax.ShapeDtypeStruct((NC, N_NODES), jnp.float32),
    mesh=_mesh,
    scratch_types=[
        pltpu.VMEM((N_NODES,), jnp.float32),
        pltpu.VMEM((N_NODES,), jnp.float32),
        pltpu.VMEM((EPW,), jnp.int32),
        pltpu.VMEM((EPW,), jnp.int32),
        pltpu.VMEM((EPW,), jnp.float32),
        pltpu.VMEM((N_NODES,), jnp.float32),
        pltpu.VMEM_SHARED((N_NODES,), jnp.float32),
    ],
    compiler_params=pltpu.CompilerParams(needs_layout_passes=False),
)


def _edge_body(y1_hbm, y2_hbm, src_hbm, dst_hbm, accsum_hbm, out_hbm,
               src_v, dst_v, acc_v,
               r1a, r2a, oa, r1b, r2b, ob,
               semg_a, semg_b, semw_a, semw_b):
    cid = lax.axis_index("c")
    sid = lax.axis_index("s")
    wid = cid * NS + sid
    base = wid * EPW

    pltpu.sync_copy(src_hbm.at[pl.ds(base, EPW)], src_v)
    pltpu.sync_copy(dst_hbm.at[pl.ds(base, EPW)], dst_v)

    @pl.when(wid == 0)
    def _stage_acc():
        pltpu.sync_copy(accsum_hbm, acc_v.at[pl.ds(0, N_NODES)])

    slots = ((r1a, r2a, oa, semg_a, semw_a),
             (r1b, r2b, ob, semg_b, semw_b))

    def issue_gather(c, slot):
        r1, r2, _, semg, _ = slot
        off = c * CHUNK
        pltpu.async_copy(y1_hbm.at[src_v.at[pl.ds(off, CHUNK)]], r1, semg)
        pltpu.async_copy(y2_hbm.at[dst_v.at[pl.ds(off, CHUNK)]], r2, semg)

    def do_chunk(c, slot, nslot, issue_next, drain_write):
        r1, r2, o, semg, semw = slot
        if issue_next:
            issue_gather(c + 1, nslot)

        off = c * CHUNK
        pltpu.make_async_copy(
            y1_hbm.at[src_v.at[pl.ds(off, CHUNK)]], r1, semg).wait()
        pltpu.make_async_copy(
            y2_hbm.at[dst_v.at[pl.ds(off, CHUNK)]], r2, semg).wait()

        if drain_write:
            pltpu.make_async_copy(o, out_hbm.at[pl.ds(0, CHUNK)], semw).wait()

        @plsc.parallel_loop(0, CHUNK, unroll=4)
        def row_body(i):
            for k in range(D // (2 * L)):
                w1 = plsc.bitcast(r1[i, pl.ds(k * L, L)], jnp.bfloat16)
                w2 = plsc.bitcast(r2[i, pl.ds(k * L, L)], jnp.bfloat16)
                a1, b1 = plsc.unpack(w1, format=plsc.PackFormat.INTERLEAVED)
                a2, b2 = plsc.unpack(w2, format=plsc.PackFormat.INTERLEAVED)
                o[i, pl.ds(k * 2 * L, L)] = jnp.maximum(a1 + a2, 0.0)
                o[i, pl.ds(k * 2 * L + L, L)] = jnp.maximum(b1 + b2, 0.0)

        @pl.when(wid == 0)
        def _fix_col0():
            for j in range((CHUNK + L - 1) // L):
                valid = min(CHUNK - j * L, L)
                rows = lax.iota(jnp.int32, L) + j * L
                vals = acc_v[pl.ds(c * CHUNK + j * L, L)]
                if valid == L:
                    mask = None
                else:
                    mask = (lax.iota(jnp.int32, L)
                            < jnp.full((L,), valid, jnp.int32))
                plsc.addupdate_scatter(
                    o, [rows, jnp.zeros((L,), jnp.int32)], vals, mask=mask
                )

        pltpu.async_copy(o, out_hbm.at[pl.ds(base + c * CHUNK, CHUNK)], semw)

    issue_gather(0, slots[0])
    do_chunk(0, slots[0], slots[1], True, False)
    do_chunk(1, slots[1], slots[0], True, False)

    def group(g, carry):
        do_chunk(2 * g, slots[0], slots[1], True, True)
        do_chunk(2 * g + 1, slots[1], slots[0], True, True)
        return carry
    lax.fori_loop(1, (NCHUNK - 1) // 2, group, 0)

    do_chunk(NCHUNK - 1, slots[0], slots[1], False, True)

    pltpu.make_async_copy(oa, out_hbm.at[pl.ds(0, CHUNK)], semw_a).wait()
    pltpu.make_async_copy(ob, out_hbm.at[pl.ds(0, CHUNK)], semw_b).wait()


_edge_call = pl.kernel(
    _edge_body,
    out_type=jax.ShapeDtypeStruct((N_EDGES, D), jnp.float32),
    mesh=_mesh,
    scratch_types=[
        pltpu.VMEM((EPW,), jnp.int32),
        pltpu.VMEM((EPW,), jnp.int32),
        pltpu.VMEM((N_NODES + L,), jnp.float32),
        pltpu.VMEM((CHUNK, D // 2), jnp.int32),
        pltpu.VMEM((CHUNK, D // 2), jnp.int32),
        pltpu.VMEM((CHUNK, D), jnp.float32),
        pltpu.VMEM((CHUNK, D // 2), jnp.int32),
        pltpu.VMEM((CHUNK, D // 2), jnp.int32),
        pltpu.VMEM((CHUNK, D), jnp.float32),
        pltpu.SemaphoreType.DMA,
        pltpu.SemaphoreType.DMA,
        pltpu.SemaphoreType.DMA,
        pltpu.SemaphoreType.DMA,
    ],
    compiler_params=pltpu.CompilerParams(
        needs_layout_passes=False, use_tc_tiling_on_sc=False
    ),
)


def _to_interleaved_bf16(y):
    yp = y.reshape(N_NODES, D // (2 * L), 2, L).transpose(0, 1, 3, 2)
    yb = yp.reshape(N_NODES, D // 2, 2).astype(jnp.bfloat16)
    return lax.bitcast_convert_type(yb, jnp.int32)


def kernel(x, edge_index, W, b):
    src = edge_index[0]
    dst = edge_index[1]
    y1, y2 = _matmuls(x, W, b)
    c1 = y1[:, 0]
    c2 = y2[:, 0]
    acc2 = _acc_call(c1, c2, src, dst)
    accsum = acc2[0] + acc2[1]
    return _edge_call(_to_interleaved_bf16(y1), _to_interleaved_bf16(y2),
                      src, dst, accsum)

# --- scband reference (transcript-rebuilt; emitter-appended) ---
"""Pipeline reference for scband-graph-conv-layer-56049323213106 (READ-ONLY COPY).

The authoritative reference and input builder live on the scoring server;
editing this copy changes nothing except your own understanding.
"""

import jax, jax.numpy as jnp
import numpy as np

N_NODES = 10000
N_EDGES = 320000
D_FEAT = 128
IN_CH = 256
OUT_CH = 128


def setup_inputs(seed: int = 0) -> dict:
    key = jax.random.key(seed)
    k1, k2, k3, k4 = jax.random.split(key, 4)
    x = jax.random.normal(k1, (N_NODES, D_FEAT), dtype=jnp.float32)
    edge_index = jax.random.randint(k2, (2, N_EDGES), 0, N_NODES, dtype=jnp.int32)
    # nn.Linear(in_channels=256, out_channels=128): weight [out, in], bias [out]
    bound = 1.0 / np.sqrt(IN_CH)
    W = jax.random.uniform(k3, (OUT_CH, IN_CH), dtype=jnp.float32, minval=-bound, maxval=bound)
    b = jax.random.uniform(k4, (OUT_CH,), dtype=jnp.float32, minval=-bound, maxval=bound)
    return {"x": x, "edge_index": edge_index, "W": W, "b": b}


def reference(x, edge_index, W, b):
    src = edge_index[0]
    dst = edge_index[1]
    x_i = jnp.take(x, src, axis=0)  # [E, d]
    x_j = jnp.take(x, dst, axis=0)  # [E, d]
    x_ij = jnp.concatenate([x_i, x_j], axis=1)  # [E, 2d]
    h = x_ij @ W.T + b  # [E, out]
    h = jnp.maximum(h, 0.0)  # ReLU
    # torch.scatter_add(h, 0, src.unsqueeze(1), h): index has 1 column, so only
    # column 0 is updated: out = h.clone(); out[src[i], 0] += h[i, 0]
    out = h.at[src, 0].add(h[:, 0])
    return out

if __name__ == "__main__":
    import jax
    _d = setup_inputs()
    print(jax.jit(kernel)(*tuple(_d.values())))

</pallas_src>

<mosaic_0001>
#map = affine_map<(d0, d1) -> (0)>
#map1 = affine_map<(d0, d1) -> (0, 0)>
module attributes {stable_mosaic.version = 14 : i64} {
  func.func @_acc_body(%arg0: i32, %arg1: i32, %arg2: memref<10000xf32, #tpu.memory_space<hbm>>, %arg3: memref<10000xf32, #tpu.memory_space<hbm>>, %arg4: memref<320000xi32, #tpu.memory_space<hbm>>, %arg5: memref<320000xi32, #tpu.memory_space<hbm>>, %arg6: memref<2x10000xf32, #tpu.memory_space<hbm>>, %arg7: memref<10000xf32, #tpu.memory_space<vmem>>, %arg8: memref<10000xf32, #tpu.memory_space<vmem>>, %arg9: memref<10000xi32, #tpu.memory_space<vmem>>, %arg10: memref<10000xi32, #tpu.memory_space<vmem>>, %arg11: memref<10000xf32, #tpu.memory_space<vmem>>, %arg12: memref<10000xf32, #tpu.memory_space<vmem>>, %arg13: memref<10000xf32, #tpu.memory_space<vmem_shared>>) attributes {dimension_semantics = [#tpu.dimension_semantics<core_parallel>, #tpu.dimension_semantics<subcore_parallel>], iteration_bounds = array<i64: 2, 16>, scalar_prefetch = 0 : i64, scratch_operands = 7 : i64, tpu.core_type = #tpu.core_type<sc_vector_subcore>, window_params = [{transform_indices = #map}, {transform_indices = #map}, {transform_indices = #map}, {transform_indices = #map}, {transform_indices = #map1}]} {
    %mul3A = arith.constant 16 : i32
    %mul3A_0 = arith.muli %arg0, %mul3A : i32
    %add3A = arith.addi %mul3A_0, %arg1 : i32
    %mul3A_1 = arith.constant 10000 : i32
    %mul3A_2 = arith.muli %add3A, %mul3A_1 : i32
    %eq3A = arith.constant 0 : i32
    %eq3A_3 = arith.cmpi eq, %arg1, %eq3A : i32
    %convert_element_type3A = arith.extui %eq3A_3 : i1 to i32
    %cond3A = arith.constant 0 : i32
    %cond3A_4 = arith.cmpi ne, %convert_element_type3A, %cond3A : i32
    scf.if %cond3A_4 {
      %scan3A_16 = arith.constant 0 : i32
      %scan3A_17 = arith.constant 0 : i32
      %scan3A_18 = arith.constant 625 : i32
      %scan3A_19 = arith.addi %scan3A_17, %scan3A_18 : i32
      %scan3A_20 = arith.constant 1 : i32
      scf.for %scan3A_22 = %scan3A_17 to %scan3A_19 step %scan3A_20  : i32 {
        %broadcast_in_dim3A = arith.constant 0.000000e+00 : f32
        %broadcast_in_dim3A_23 = vector.broadcast %broadcast_in_dim3A : f32 to vector<16xf32>
        %mul3A_24 = arith.constant 16 : i32
        %mul3A_25 = arith.muli %scan3A_22, %mul3A_24 : i32
        %swap3A = arith.index_cast %mul3A_25 : i32 to index
        %swap3A_26 = tpu.vector_load %arg12[%swap3A] {strides = array<i32>} : memref<10000xf32, #tpu.memory_space<vmem>>, vector<16xf32>,
        tpu.vector_store %arg12[%swap3A], %broadcast_in_dim3A_23 {strides = array<i32>} : memref<10000xf32, #tpu.memory_space<vmem>>, vector<16xf32>,
      }
      %scan3A_21 = arith.constant 625 : i32
      "tpu.region"() ({
        %run_scoped3A = tpu.sem_alloc : memref<!tpu.dma_semaphore, #tpu.memory_space<semaphore_mem>>
        tpu.enqueue_dma source(%arg12 : memref<10000xf32, #tpu.memory_space<vmem>>) target(%arg13 : memref<10000xf32, #tpu.memory_space<vmem_shared>>) target_semaphore(%run_scoped3A : memref<!tpu.dma_semaphore, #tpu.memory_space<semaphore_mem>>)
        tpu.wait_dma2 semaphore(%run_scoped3A : memref<!tpu.dma_semaphore, #tpu.memory_space<semaphore_mem>>) src(%arg12 : memref<10000xf32, #tpu.memory_space<vmem>>) dst(%arg13 : memref<10000xf32, #tpu.memory_space<vmem_shared>>)
        tpu.yield
      }) : () -> ()
    } else {
    }
    "tpu.region"() ({
      %run_scoped3A = tpu.sem_alloc : memref<!tpu.dma_semaphore, #tpu.memory_space<semaphore_mem>>
      tpu.enqueue_dma source(%arg2 : memref<10000xf32, #tpu.memory_space<hbm>>) target(%arg7 : memref<10000xf32, #tpu.memory_space<vmem>>) target_semaphore(%run_scoped3A : memref<!tpu.dma_semaphore, #tpu.memory_space<semaphore_mem>>)
      tpu.wait_dma2 semaphore(%run_scoped3A : memref<!tpu.dma_semaphore, #tpu.memory_space<semaphore_mem>>) src(%arg2 : memref<10000xf32, #tpu.memory_space<hbm>>) dst(%arg7 : memref<10000xf32, #tpu.memory_space<vmem>>)
      tpu.yield
    }) : () -> ()
    "tpu.region"() ({
      %run_scoped3A = tpu.sem_alloc : memref<!tpu.dma_semaphore, #tpu.memory_space<semaphore_mem>>
      tpu.enqueue_dma source(%arg3 : memref<10000xf32, #tpu.memory_space<hbm>>) target(%arg8 : memref<10000xf32, #tpu.memory_space<vmem>>) target_semaphore(%run_scoped3A : memref<!tpu.dma_semaphore, #tpu.memory_space<semaphore_mem>>)
      tpu.wait_dma2 semaphore(%run_scoped3A : memref<!tpu.dma_semaphore, #tpu.memory_space<semaphore_mem>>) src(%arg3 : memref<10000xf32, #tpu.memory_space<hbm>>) dst(%arg8 : memref<10000xf32, #tpu.memory_space<vmem>>)
      tpu.yield
    }) : () -> ()
    "tpu.region"() ({
      %run_scoped3A = tpu.sem_alloc : memref<!tpu.dma_semaphore, #tpu.memory_space<semaphore_mem>>
      %dma_start3A = tpu.memref_slice %arg4[%mul3A_2] : memref<320000xi32, #tpu.memory_space<hbm>> -> memref<10000xi32, #tpu.memory_space<hbm>>
      %dma_start3A_16 = tpu.memref_slice %arg4[%mul3A_2] : memref<320000xi32, #tpu.memory_space<hbm>> -> memref<10000xi32, #tpu.memory_space<hbm>>
      tpu.enqueue_dma source(%dma_start3A_16 : memref<10000xi32, #tpu.memory_space<hbm>>) target(%arg9 : memref<10000xi32, #tpu.memory_space<vmem>>) target_semaphore(%run_scoped3A : memref<!tpu.dma_semaphore, #tpu.memory_space<semaphore_mem>>)
      %dma_wait3A = tpu.memref_slice %arg4[%mul3A_2] : memref<320000xi32, #tpu.memory_space<hbm>> -> memref<10000xi32, #tpu.memory_space<hbm>>
      %dma_wait3A_17 = tpu.memref_slice %arg4[%mul3A_2] : memref<320000xi32, #tpu.memory_space<hbm>> -> memref<10000xi32, #tpu.memory_space<hbm>>
      tpu.wait_dma2 semaphore(%run_scoped3A : memref<!tpu.dma_semaphore, #tpu.memory_space<semaphore_mem>>) src(%dma_wait3A_17 : memref<10000xi32, #tpu.memory_space<hbm>>) dst(%arg9 : memref<10000xi32, #tpu.memory_space<vmem>>)
      tpu.yield
    }) : () -> ()
    "tpu.region"() ({
      %run_scoped3A = tpu.sem_alloc : memref<!tpu.dma_semaphore, #tpu.memory_space<semaphore_mem>>
      %dma_start3A = tpu.memref_slice %arg5[%mul3A_2] : memref<320000xi32, #tpu.memory_space<hbm>> -> memref<10000xi32, #tpu.memory_space<hbm>>
      %dma_start3A_16 = tpu.memref_slice %arg5[%mul3A_2] : memref<320000xi32, #tpu.memory_space<hbm>> -> memref<10000xi32, #tpu.memory_space<hbm>>
      tpu.enqueue_dma source(%dma_start3A_16 : memref<10000xi32, #tpu.memory_space<hbm>>) target(%arg10 : memref<10000xi32, #tpu.memory_space<vmem>>) target_semaphore(%run_scoped3A : memref<!tpu.dma_semaphore, #tpu.memory_space<semaphore_mem>>)
      %dma_wait3A = tpu.memref_slice %arg5[%mul3A_2] : memref<320000xi32, #tpu.memory_space<hbm>> -> memref<10000xi32, #tpu.memory_space<hbm>>
      %dma_wait3A_17 = tpu.memref_slice %arg5[%mul3A_2] : memref<320000xi32, #tpu.memory_space<hbm>> -> memref<10000xi32, #tpu.memory_space<hbm>>
      tpu.wait_dma2 semaphore(%run_scoped3A : memref<!tpu.dma_semaphore, #tpu.memory_space<semaphore_mem>>) src(%dma_wait3A_17 : memref<10000xi32, #tpu.memory_space<hbm>>) dst(%arg10 : memref<10000xi32, #tpu.memory_space<vmem>>)
      tpu.yield
    }) : () -> ()
    %scan3A = arith.constant 0 : i32
    %scan3A_5 = arith.constant 0 : i32
    %scan3A_6 = arith.constant 625 : i32
    %scan3A_7 = arith.addi %scan3A_5, %scan3A_6 : i32
    %scan3A_8 = arith.constant 1 : i32
    scf.for %scan3A_16 = %scan3A_5 to %scan3A_7 step %scan3A_8  : i32 {
      %mul3A_17 = arith.constant 16 : i32
      %mul3A_18 = arith.muli %scan3A_16, %mul3A_17 : i32
      %get3A = arith.index_cast %mul3A_18 : i32 to index
      %get3A_19 = tpu.vector_load %arg9[%get3A] {strides = array<i32>} : memref<10000xi32, #tpu.memory_space<vmem>>, vector<16xi32>,
      %mul3A_20 = arith.constant 16 : i32
      %mul3A_21 = arith.muli %scan3A_16, %mul3A_20 : i32
      %get3A_22 = arith.index_cast %mul3A_21 : i32 to index
      %get3A_23 = tpu.vector_load %arg10[%get3A_22] {strides = array<i32>} : memref<10000xi32, #tpu.memory_space<vmem>>, vector<16xi32>,
      %gather3A = tpu.vector_load_idx %arg7[%get3A_19] : memref<10000xf32, #tpu.memory_space<vmem>>[vector<16xi32>], vector<16xf32>,
      %gather3A_24 = tpu.vector_load_idx %arg8[%get3A_23] : memref<10000xf32, #tpu.memory_space<vmem>>[vector<16xi32>], vector<16xf32>,
      %add3A_25 = arith.addf %gather3A, %gather3A_24 : vector<16xf32>
      %max3A = arith.constant 0.000000e+00 : f32
      %max3A_26 = vector.broadcast %max3A : f32 to vector<16xf32>
      %max3A_27 = arith.maximumf %add3A_25, %max3A_26 : vector<16xf32>
      %mul3A_28 = arith.constant 16 : i32
      %mul3A_29 = arith.muli %scan3A_16, %mul3A_28 : i32
      %swap3A = arith.index_cast %mul3A_29 : i32 to index
      %swap3A_30 = tpu.vector_load %arg11[%swap3A] {strides = array<i32>} : memref<10000xf32, #tpu.memory_space<vmem>>, vector<16xf32>,
      tpu.vector_store %arg11[%swap3A], %max3A_27 {strides = array<i32>} : memref<10000xf32, #tpu.memory_space<vmem>>, vector<16xf32>,
    }
    %scan3A_9 = arith.constant 625 : i32
    %barrier3A = arith.constant 0 : index
    tpu.barrier barrier_id(%barrier3A)
    "tpu.region"() ({
      %run_scoped3A = tpu.sem_alloc : memref<!tpu.dma_semaphore, #tpu.memory_space<semaphore_mem>>
      %dma_start3A = arith.constant 0 : i32
      %dma_start3A_16 = tpu.memref_slice %arg13[%dma_start3A] : memref<10000xf32, #tpu.memory_space<vmem_shared>> -> memref<10000xf32, #tpu.memory_space<vmem_shared>>
      tpu.enqueue_indirect_dma source(%arg11 : memref<10000xf32, #tpu.memory_space<vmem>>) target(%dma_start3A_16 : memref<10000xf32, #tpu.memory_space<vmem_shared>>) offsets(%arg9 : memref<10000xi32, #tpu.memory_space<vmem>>) semaphore(%run_scoped3A : memref<!tpu.dma_semaphore, #tpu.memory_space<semaphore_mem>>) {add = true}
      %dma_wait3A = arith.constant 0 : i32
      %dma_wait3A_17 = tpu.memref_slice %arg13[%dma_wait3A] : memref<10000xf32, #tpu.memory_space<vmem_shared>> -> memref<10000xf32, #tpu.memory_space<vmem_shared>>
      tpu.wait_indirect_dma semaphore(%run_scoped3A : memref<!tpu.dma_semaphore, #tpu.memory_space<semaphore_mem>>) src(%arg11 : memref<10000xf32, #tpu.memory_space<vmem>>) dst(%dma_wait3A_17 : memref<10000xf32, #tpu.memory_space<vmem_shared>>)
      tpu.yield
    }) : () -> ()
    %barrier3A_10 = arith.constant 0 : index
    tpu.barrier barrier_id(%barrier3A_10)
    %eq3A_11 = arith.constant 0 : i32
    %eq3A_12 = arith.cmpi eq, %arg1, %eq3A_11 : i32
    %convert_element_type3A_13 = arith.extui %eq3A_12 : i1 to i32
    %cond3A_14 = arith.constant 0 : i32
    %cond3A_15 = arith.cmpi ne, %convert_element_type3A_13, %cond3A_14 : i32
    scf.if %cond3A_15 {
      "tpu.region"() ({
        %run_scoped3A = tpu.sem_alloc : memref<!tpu.dma_semaphore, #tpu.memory_space<semaphore_mem>>
        %dma_start3A = arith.constant 0 : i32
        %dma_start3A_16 = tpu.memref_slice %arg6[%arg0, %dma_start3A] : memref<2x10000xf32, #tpu.memory_space<hbm>> -> memref<1x10000xf32, #tpu.memory_space<hbm>>
        %dma_start3A_17 = tpu.memref_squeeze %dma_start3A_16 : memref<1x10000xf32, #tpu.memory_space<hbm>> -> memref<10000xf32, #tpu.memory_space<hbm>>
        tpu.enqueue_dma source(%arg13 : memref<10000xf32, #tpu.memory_space<vmem_shared>>) target(%dma_start3A_17 : memref<10000xf32, #tpu.memory_space<hbm>>) target_semaphore(%run_scoped3A : memref<!tpu.dma_semaphore, #tpu.memory_space<semaphore_mem>>)
        %dma_wait3A = arith.constant 0 : i32
        %dma_wait3A_18 = tpu.memref_slice %arg6[%arg0, %dma_wait3A] : memref<2x10000xf32, #tpu.memory_space<hbm>> -> memref<1x10000xf32, #tpu.memory_space<hbm>>
        %dma_wait3A_19 = tpu.memref_squeeze %dma_wait3A_18 : memref<1x10000xf32, #tpu.memory_space<hbm>> -> memref<10000xf32, #tpu.memory_space<hbm>>
        tpu.wait_dma2 semaphore(%run_scoped3A : memref<!tpu.dma_semaphore, #tpu.memory_space<semaphore_mem>>) src(%arg13 : memref<10000xf32, #tpu.memory_space<vmem_shared>>) dst(%dma_wait3A_19 : memref<10000xf32, #tpu.memory_space<hbm>>)
        tpu.yield
      }) : () -> ()
    } else {
    }
    return
  }
}

#map = affine_map<(d0, d1) -> (0, 0)>
#map1 = affine_map<(d0, d1) -> (0)>
module attributes {stable_mosaic.version = 14 : i64} {
  func.func @_edge_body(%arg0: i32, %arg1: i32, %arg2: memref<10000x64xi32, #tpu.memory_space<hbm>>, %arg3: memref<10000x64xi32, #tpu.memory_space<hbm>>, %arg4: memref<320000xi32, #tpu.memory_space<hbm>>, %arg5: memref<320000xi32, #tpu.memory_space<hbm>>, %arg6: memref<10000xf32, #tpu.memory_space<hbm>>, %arg7: memref<320000x128xf32, #tpu.memory_space<hbm>>, %arg8: memref<10000xi32, #tpu.memory_space<vmem>>, %arg9: memref<10000xi32, #tpu.memory_space<vmem>>, %arg10: memref<10016xf32, #tpu.memory_space<vmem>>, %arg11: memref<80x64xi32, #tpu.memory_space<vmem>>, %arg12: memref<80x64xi32, #tpu.memory_space<vmem>>, %arg13: memref<80x128xf32, #tpu.memory_space<vmem>>, %arg14: memref<80x64xi32, #tpu.memory_space<vmem>>, %arg15: memref<80x64xi32, #tpu.memory_space<vmem>>, %arg16: memref<80x128xf32, #tpu.memory_space<vmem>>, %arg17: memref<!tpu.dma_semaphore, #tpu.memory_space<semaphore_mem>>, %arg18: memref<!tpu.dma_semaphore, #tpu.memory_space<semaphore_mem>>, %arg19: memref<!tpu.dma_semaphore, #tpu.memory_space<semaphore_mem>>, %arg20: memref<!tpu.dma_semaphore, #tpu.memory_space<semaphore_mem>>) attributes {dimension_semantics = [#tpu.dimension_semantics<core_parallel>, #tpu.dimension_semantics<subcore_parallel>], iteration_bounds = array<i64: 2, 16>, scalar_prefetch = 0 : i64, scratch_operands = 13 : i64, tpu.core_type = #tpu.core_type<sc_vector_subcore>, window_params = [{transform_indices = #map}, {transform_indices = #map}, {transform_indices = #map1}, {transform_indices = #map1}, {transform_indices = #map1}, {transform_indices = #map}]} {
    %mul3A = arith.constant 16 : i32
    %mul3A_0 = arith.muli %arg0, %mul3A : i32
    %add3A = arith.addi %mul3A_0, %arg1 : i32
    %mul3A_1 = arith.constant 10000 : i32
    %mul3A_2 = arith.muli %add3A, %mul3A_1 : i32
    "tpu.region"() ({
      %run_scoped3A = tpu.sem_alloc : memref<!tpu.dma_semaphore, #tpu.memory_space<semaphore_mem>>
      %dma_start3A_127 = tpu.memref_slice %arg4[%mul3A_2] : memref<320000xi32, #tpu.memory_space<hbm>> -> memref<10000xi32, #tpu.memory_space<hbm>>
      %dma_start3A_128 = tpu.memref_slice %arg4[%mul3A_2] : memref<320000xi32, #tpu.memory_space<hbm>> -> memref<10000xi32, #tpu.memory_space<hbm>>
      tpu.enqueue_dma source(%dma_start3A_128 : memref<10000xi32, #tpu.memory_space<hbm>>) target(%arg8 : memref<10000xi32, #tpu.memory_space<vmem>>) target_semaphore(%run_scoped3A : memref<!tpu.dma_semaphore, #tpu.memory_space<semaphore_mem>>)
      %dma_wait3A_129 = tpu.memref_slice %arg4[%mul3A_2] : memref<320000xi32, #tpu.memory_space<hbm>> -> memref<10000xi32, #tpu.memory_space<hbm>>
      %dma_wait3A_130 = tpu.memref_slice %arg4[%mul3A_2] : memref<320000xi32, #tpu.memory_space<hbm>> -> memref<10000xi32, #tpu.memory_space<hbm>>
      tpu.wait_dma2 semaphore(%run_scoped3A : memref<!tpu.dma_semaphore, #tpu.memory_space<semaphore_mem>>) src(%dma_wait3A_130 : memref<10000xi32, #tpu.memory_space<hbm>>) dst(%arg8 : memref<10000xi32, #tpu.memory_space<vmem>>)
      tpu.yield
    }) : () -> ()
    "tpu.region"() ({
      %run_scoped3A = tpu.sem_alloc : memref<!tpu.dma_semaphore, #tpu.memory_space<semaphore_mem>>
      %dma_start3A_127 = tpu.memref_slice %arg5[%mul3A_2] : memref<320000xi32, #tpu.memory_space<hbm>> -> memref<10000xi32, #tpu.memory_space<hbm>>
      %dma_start3A_128 = tpu.memref_slice %arg5[%mul3A_2] : memref<320000xi32, #tpu.memory_space<hbm>> -> memref<10000xi32, #tpu.memory_space<hbm>>
      tpu.enqueue_dma source(%dma_start3A_128 : memref<10000xi32, #tpu.memory_space<hbm>>) target(%arg9 : memref<10000xi32, #tpu.memory_space<vmem>>) target_semaphore(%run_scoped3A : memref<!tpu.dma_semaphore, #tpu.memory_space<semaphore_mem>>)
      %dma_wait3A_129 = tpu.memref_slice %arg5[%mul3A_2] : memref<320000xi32, #tpu.memory_space<hbm>> -> memref<10000xi32, #tpu.memory_space<hbm>>
      %dma_wait3A_130 = tpu.memref_slice %arg5[%mul3A_2] : memref<320000xi32, #tpu.memory_space<hbm>> -> memref<10000xi32, #tpu.memory_space<hbm>>
      tpu.wait_dma2 semaphore(%run_scoped3A : memref<!tpu.dma_semaphore, #tpu.memory_space<semaphore_mem>>) src(%dma_wait3A_130 : memref<10000xi32, #tpu.memory_space<hbm>>) dst(%arg9 : memref<10000xi32, #tpu.memory_space<vmem>>)
      tpu.yield
    }) : () -> ()
    %eq3A = arith.constant 0 : i32
    %eq3A_3 = arith.cmpi eq, %add3A, %eq3A : i32
    %convert_element_type3A = arith.extui %eq3A_3 : i1 to i32
    %cond3A = arith.constant 0 : i32
    %cond3A_4 = arith.cmpi ne, %convert_element_type3A, %cond3A : i32
    scf.if %cond3A_4 {
      "tpu.region"() ({
        %run_scoped3A = tpu.sem_alloc : memref<!tpu.dma_semaphore, #tpu.memory_space<semaphore_mem>>
        %dma_start3A_127 = arith.constant 0 : i32
        %dma_start3A_128 = tpu.memref_slice %arg10[%dma_start3A_127] : memref<10016xf32, #tpu.memory_space<vmem>> -> memref<10000xf32, #tpu.memory_space<vmem>>
        %dma_start3A_129 = arith.constant 0 : i32
        %dma_start3A_130 = tpu.memref_slice %arg10[%dma_start3A_129] : memref<10016xf32, #tpu.memory_space<vmem>> -> memref<10000xf32, #tpu.memory_space<vmem>>
        tpu.enqueue_dma source(%arg6 : memref<10000xf32, #tpu.memory_space<hbm>>) target(%dma_start3A_130 : memref<10000xf32, #tpu.memory_space<vmem>>) target_semaphore(%run_scoped3A : memref<!tpu.dma_semaphore, #tpu.memory_space<semaphore_mem>>)
        %dma_wait3A_131 = arith.constant 0 : i32
        %dma_wait3A_132 = tpu.memref_slice %arg10[%dma_wait3A_131] : memref<10016xf32, #tpu.memory_space<vmem>> -> memref<10000xf32, #tpu.memory_space<vmem>>
        %dma_wait3A_133 = arith.constant 0 : i32
        %dma_wait3A_134 = tpu.memref_slice %arg10[%dma_wait3A_133] : memref<10016xf32, #tpu.memory_space<vmem>> -> memref<10000xf32, #tpu.memory_space<vmem>>
        tpu.wait_dma2 semaphore(%run_scoped3A : memref<!tpu.dma_semaphore, #tpu.memory_space<semaphore_mem>>) src(%arg6 : memref<10000xf32, #tpu.memory_space<hbm>>) dst(%dma_wait3A_134 : memref<10000xf32, #tpu.memory_space<vmem>>)
        tpu.yield
      }) : () -> ()
    } else {
    }
    %dma_start3A = arith.constant 0 : i32
    %dma_start3A_5 = tpu.memref_slice %arg8[%dma_start3A] : memref<10000xi32, #tpu.memory_space<vmem>> -> memref<80xi32, #tpu.memory_space<vmem>>
    %dma_start3A_6 = arith.constant 0 : i32
    %dma_start3A_7 = arith.constant 0 : i32
    %dma_start3A_8 = tpu.memref_slice %arg2[%dma_start3A_6, %dma_start3A_7] : memref<10000x64xi32, #tpu.memory_space<hbm>> -> memref<10000x64xi32, #tpu.memory_space<hbm>>
    tpu.enqueue_indirect_dma source(%dma_start3A_8 : memref<10000x64xi32, #tpu.memory_space<hbm>>) target(%arg11 : memref<80x64xi32, #tpu.memory_space<vmem>>) offsets(%dma_start3A_5 : memref<80xi32, #tpu.memory_space<vmem>>) semaphore(%arg17 : memref<!tpu.dma_semaphore, #tpu.memory_space<semaphore_mem>>)
    %dma_start3A_9 = arith.constant 0 : i32
    %dma_start3A_10 = tpu.memref_slice %arg9[%dma_start3A_9] : memref<10000xi32, #tpu.memory_space<vmem>> -> memref<80xi32, #tpu.memory_space<vmem>>
    %dma_start3A_11 = arith.constant 0 : i32
    %dma_start3A_12 = arith.constant 0 : i32
    %dma_start3A_13 = tpu.memref_slice %arg3[%dma_start3A_11, %dma_start3A_12] : memref<10000x64xi32, #tpu.memory_space<hbm>> -> memref<10000x64xi32, #tpu.memory_space<hbm>>
    tpu.enqueue_indirect_dma source(%dma_start3A_13 : memref<10000x64xi32, #tpu.memory_space<hbm>>) target(%arg12 : memref<80x64xi32, #tpu.memory_space<vmem>>) offsets(%dma_start3A_10 : memref<80xi32, #tpu.memory_space<vmem>>) semaphore(%arg17 : memref<!tpu.dma_semaphore, #tpu.memory_space<semaphore_mem>>)
    %dma_start3A_14 = arith.constant 80 : i32
    %dma_start3A_15 = tpu.memref_slice %arg8[%dma_start3A_14] : memref<10000xi32, #tpu.memory_space<vmem>> -> memref<80xi32, #tpu.memory_space<vmem>>
    %dma_start3A_16 = arith.constant 0 : i32
    %dma_start3A_17 = arith.constant 0 : i32
    %dma_start3A_18 = tpu.memref_slice %arg2[%dma_start3A_16, %dma_start3A_17] : memref<10000x64xi32, #tpu.memory_space<hbm>> -> memref<10000x64xi32, #tpu.memory_space<hbm>>
    tpu.enqueue_indirect_dma source(%dma_start3A_18 : memref<10000x64xi32, #tpu.memory_space<hbm>>) target(%arg14 : memref<80x64xi32, #tpu.memory_space<vmem>>) offsets(%dma_start3A_15 : memref<80xi32, #tpu.memory_space<vmem>>) semaphore(%arg18 : memref<!tpu.dma_semaphore, #tpu.memory_space<semaphore_mem>>)
    %dma_start3A_19 = arith.constant 80 : i32
    %dma_start3A_20 = tpu.memref_slice %arg9[%dma_start3A_19] : memref<10000xi32, #tpu.memory_space<vmem>> -> memref<80xi32, #tpu.memory_space<vmem>>
    %dma_start3A_21 = arith.constant 0 : i32
    %dma_start3A_22 = arith.constant 0 : i32
    %dma_start3A_23 = tpu.memref_slice %arg3[%dma_start3A_21, %dma_start3A_22] : memref<10000x64xi32, #tpu.memory_space<hbm>> -> memref<10000x64xi32, #tpu.memory_space<hbm>>
    tpu.enqueue_indirect_dma source(%dma_start3A_23 : memref<10000x64xi32, #tpu.memory_space<hbm>>) target(%arg15 : memref<80x64xi32, #tpu.memory_space<vmem>>) offsets(%dma_start3A_20 : memref<80xi32, #tpu.memory_space<vmem>>) semaphore(%arg18 : memref<!tpu.dma_semaphore, #tpu.memory_space<semaphore_mem>>)
    %dma_wait3A = arith.constant 0 : i32
    %dma_wait3A_24 = tpu.memref_slice %arg8[%dma_wait3A] : memref<10000xi32, #tpu.memory_space<vmem>> -> memref<80xi32, #tpu.memory_space<vmem>>
    %dma_wait3A_25 = arith.constant 0 : i32
    %dma_wait3A_26 = arith.constant 0 : i32
    %dma_wait3A_27 = tpu.memref_slice %arg2[%dma_wait3A_25, %dma_wait3A_26] : memref<10000x64xi32, #tpu.memory_space<hbm>> -> memref<10000x64xi32, #tpu.memory_space<hbm>>
    tpu.wait_indirect_dma semaphore(%arg17 : memref<!tpu.dma_semaphore, #tpu.memory_space<semaphore_mem>>) src(%dma_wait3A_27 : memref<10000x64xi32, #tpu.memory_space<hbm>>) dst(%arg11 : memref<80x64xi32, #tpu.memory_space<vmem>>)
    %dma_wait3A_28 = arith.constant 0 : i32
    %dma_wait3A_29 = tpu.memref_slice %arg9[%dma_wait3A_28] : memref<10000xi32, #tpu.memory_space<vmem>> -> memref<80xi32, #tpu.memory_space<vmem>>
    %dma_wait3A_30 = arith.constant 0 : i32
    %dma_wait3A_31 = arith.constant 0 : i32
    %dma_wait3A_32 = tpu.memref_slice %arg3[%dma_wait3A_30, %dma_wait3A_31] : memref<10000x64xi32, #tpu.memory_space<hbm>> -> memref<10000x64xi32, #tpu.memory_space<hbm>>
    tpu.wait_indirect_dma semaphore(%arg17 : memref<!tpu.dma_semaphore, #tpu.memory_space<semaphore_mem>>) src(%dma_wait3A_32 : memref<10000x64xi32, #tpu.memory_space<hbm>>) dst(%arg12 : memref<80x64xi32, #tpu.memory_space<vmem>>)
    %parallel_loop3A = arith.constant 0 : i32
    %parallel_loop3A_33 = arith.constant 80 : i32
    %parallel_loop3A_34 = arith.constant 1 : i32
    scf.for %parallel_loop3A_127 = %parallel_loop3A to %parallel_loop3A_33 step %parallel_loop3A_34  : i32 {
      %parallel_loop3A_128 = arith.index_cast %parallel_loop3A_127 : i32 to index
      %parallel_loop3A_129 = arith.constant 0 : index
      %parallel_loop3A_130 = tpu.vector_load %arg11[%parallel_loop3A_128, %parallel_loop3A_129] {strides = array<i32>} : memref<80x64xi32, #tpu.memory_space<vmem>>, vector<16xi32>,
      %parallel_loop3A_131 = vector.bitcast %parallel_loop3A_130 : vector<16xi32> to vector<32xbf16>
      %parallel_loop3A_132 = arith.index_cast %parallel_loop3A_127 : i32 to index
      %parallel_loop3A_133 = arith.constant 0 : index
      %parallel_loop3A_134 = tpu.vector_load %arg12[%parallel_loop3A_132, %parallel_loop3A_133] {strides = array<i32>} : memref<80x64xi32, #tpu.memory_space<vmem>>, vector<16xi32>,
      %parallel_loop3A_135 = vector.bitcast %parallel_loop3A_134 : vector<16xi32> to vector<32xbf16>
      %parallel_loop3A_136 = tpu.unpack_subelements %parallel_loop3A_131, 0 {pack_format = #tpu.pack_format<interleaved>} : vector<32xbf16> -> vector<16xf32>
      %parallel_loop3A_137 = tpu.unpack_subelements %parallel_loop3A_131, 1 {pack_format = #tpu.pack_format<interleaved>} : vector<32xbf16> -> vector<16xf32>
      %parallel_loop3A_138 = tpu.unpack_subelements %parallel_loop3A_135, 0 {pack_format = #tpu.pack_format<interleaved>} : vector<32xbf16> -> vector<16xf32>
      %parallel_loop3A_139 = tpu.unpack_subelements %parallel_loop3A_135, 1 {pack_format = #tpu.pack_format<interleaved>} : vector<32xbf16> -> vector<16xf32>
      %parallel_loop3A_140 = arith.addf %parallel_loop3A_136, %parallel_loop3A_138 : vector<16xf32>
      %parallel_loop3A_141 = arith.constant 0.000000e+00 : f32
      %parallel_loop3A_142 = vector.broadcast %parallel_loop3A_141 : f32 to vector<16xf32>
      %parallel_loop3A_143 = arith.maximumf %parallel_loop3A_140, %parallel_loop3A_142 : vector<16xf32>
      %parallel_loop3A_144 = arith.index_cast %parallel_loop3A_127 : i32 to index
      %parallel_loop3A_145 = arith.constant 0 : index
      %parallel_loop3A_146 = tpu.vector_load %arg13[%parallel_loop3A_144, %parallel_loop3A_145] {strides = array<i32>} : memref<80x128xf32, #tpu.memory_space<vmem>>, vector<16xf32>,
      tpu.vector_store %arg13[%parallel_loop3A_144, %parallel_loop3A_145], %parallel_loop3A_143 {strides = array<i32>} : memref<80x128xf32, #tpu.memory_space<vmem>>, vector<16xf32>,
      %parallel_loop3A_147 = arith.addf %parallel_loop3A_137, %parallel_loop3A_139 : vector<16xf32>
      %parallel_loop3A_148 = arith.constant 0.000000e+00 : f32
      %parallel_loop3A_149 = vector.broadcast %parallel_loop3A_148 : f32 to vector<16xf32>
      %parallel_loop3A_150 = arith.maximumf %parallel_loop3A_147, %parallel_loop3A_149 : vector<16xf32>
      %parallel_loop3A_151 = arith.index_cast %parallel_loop3A_127 : i32 to index
      %parallel_loop3A_152 = arith.constant 16 : index
      %parallel_loop3A_153 = tpu.vector_load %arg13[%parallel_loop3A_151, %parallel_loop3A_152] {strides = array<i32>} : memref<80x128xf32, #tpu.memory_space<vmem>>, vector<16xf32>,
      tpu.vector_store %arg13[%parallel_loop3A_151, %parallel_loop3A_152], %parallel_loop3A_150 {strides = array<i32>} : memref<80x128xf32, #tpu.memory_space<vmem>>, vector<16xf32>,
      %parallel_loop3A_154 = arith.index_cast %parallel_loop3A_127 : i32 to index
      %parallel_loop3A_155 = arith.constant 16 : index
      %parallel_loop3A_156 = tpu.vector_load %arg11[%parallel_loop3A_154, %parallel_loop3A_155] {strides = array<i32>} : memref<80x64xi32, #tpu.memory_space<vmem>>, vector<16xi32>,
      %parallel_loop3A_157 = vector.bitcast %parallel_loop3A_156 : vector<16xi32> to vector<32xbf16>
      %parallel_loop3A_158 = arith.index_cast %parallel_loop3A_127 : i32 to index
      %parallel_loop3A_159 = arith.constant 16 : index
      %parallel_loop3A_160 = tpu.vector_load %arg12[%parallel_loop3A_158, %parallel_loop3A_159] {strides = array<i32>} : memref<80x64xi32, #tpu.memory_space<vmem>>, vector<16xi32>,
      %parallel_loop3A_161 = vector.bitcast %parallel_loop3A_160 : vector<16xi32> to vector<32xbf16>
      %parallel_loop3A_162 = tpu.unpack_subelements %parallel_loop3A_157, 0 {pack_format = #tpu.pack_format<interleaved>} : vector<32xbf16> -> vector<16xf32>
      %parallel_loop3A_163 = tpu.unpack_subelements %parallel_loop3A_157, 1 {pack_format = #tpu.pack_format<interleaved>} : vector<32xbf16> -> vector<16xf32>
      %parallel_loop3A_164 = tpu.unpack_subelements %parallel_loop3A_161, 0 {pack_format = #tpu.pack_format<interleaved>} : vector<32xbf16> -> vector<16xf32>
      %parallel_loop3A_165 = tpu.unpack_subelements %parallel_loop3A_161, 1 {pack_format = #tpu.pack_format<interleaved>} : vector<32xbf16> -> vector<16xf32>
      %parallel_loop3A_166 = arith.addf %parallel_loop3A_162, %parallel_loop3A_164 : vector<16xf32>
      %parallel_loop3A_167 = arith.constant 0.000000e+00 : f32
      %parallel_loop3A_168 = vector.broadcast %parallel_loop3A_167 : f32 to vector<16xf32>
      %parallel_loop3A_169 = arith.maximumf %parallel_loop3A_166, %parallel_loop3A_168 : vector<16xf32>
      %parallel_loop3A_170 = arith.index_cast %parallel_loop3A_127 : i32 to index
      %parallel_loop3A_171 = arith.constant 32 : index
      %parallel_loop3A_172 = tpu.vector_load %arg13[%parallel_loop3A_170, %parallel_loop3A_171] {strides = array<i32>} : memref<80x128xf32, #tpu.memory_space<vmem>>, vector<16xf32>,
      tpu.vector_store %arg13[%parallel_loop3A_170, %parallel_loop3A_171], %parallel_loop3A_169 {strides = array<i32>} : memref<80x128xf32, #tpu.memory_space<vmem>>, vector<16xf32>,
      %parallel_loop3A_173 = arith.addf %parallel_loop3A_163, %parallel_loop3A_165 : vector<16xf32>
      %parallel_loop3A_174 = arith.constant 0.000000e+00 : f32
      %parallel_loop3A_175 = vector.broadcast %parallel_loop3A_174 : f32 to vector<16xf32>
      %parallel_loop3A_176 = arith.maximumf %parallel_loop3A_173, %parallel_loop3A_175 : vector<16xf32>
      %parallel_loop3A_177 = arith.index_cast %parallel_loop3A_127 : i32 to index
      %parallel_loop3A_178 = arith.constant 48 : index
      %parallel_loop3A_179 = tpu.vector_load %arg13[%parallel_loop3A_177, %parallel_loop3A_178] {strides = array<i32>} : memref<80x128xf32, #tpu.memory_space<vmem>>, vector<16xf32>,
      tpu.vector_store %arg13[%parallel_loop3A_177, %parallel_loop3A_178], %parallel_loop3A_176 {strides = array<i32>} : memref<80x128xf32, #tpu.memory_space<vmem>>, vector<16xf32>,
      %parallel_loop3A_180 = arith.index_cast %parallel_loop3A_127 : i32 to index
      %parallel_loop3A_181 = arith.constant 32 : index
      %parallel_loop3A_182 = tpu.vector_load %arg11[%parallel_loop3A_180, %parallel_loop3A_181] {strides = array<i32>} : memref<80x64xi32, #tpu.memory_space<vmem>>, vector<16xi32>,
      %parallel_loop3A_183 = vector.bitcast %parallel_loop3A_182 : vector<16xi32> to vector<32xbf16>
      %parallel_loop3A_184 = arith.index_cast %parallel_loop3A_127 : i32 to index
      %parallel_loop3A_185 = arith.constant 32 : index
      %parallel_loop3A_186 = tpu.vector_load %arg12[%parallel_loop3A_184, %parallel_loop3A_185] {strides = array<i32>} : memref<80x64xi32, #tpu.memory_space<vmem>>, vector<16xi32>,
      %parallel_loop3A_187 = vector.bitcast %parallel_loop3A_186 : vector<16xi32> to vector<32xbf16>
      %parallel_loop3A_188 = tpu.unpack_subelements %parallel_loop3A_183, 0 {pack_format = #tpu.pack_format<interleaved>} : vector<32xbf16> -> vector<16xf32>
      %parallel_loop3A_189 = tpu.unpack_subelements %parallel_loop3A_183, 1 {pack_format = #tpu.pack_format<interleaved>} : vector<32xbf16> -> vector<16xf32>
      %parallel_loop3A_190 = tpu.unpack_subelements %parallel_loop3A_187, 0 {pack_format = #tpu.pack_format<interleaved>} : vector<32xbf16> -> vector<16xf32>
      %parallel_loop3A_191 = tpu.unpack_subelements %parallel_loop3A_187, 1 {pack_format = #tpu.pack_format<interleaved>} : vector<32xbf16> -> vector<16xf32>
      %parallel_loop3A_192 = arith.addf %parallel_loop3A_188, %parallel_loop3A_190 : vector<16xf32>
      %parallel_loop3A_193 = arith.constant 0.000000e+00 : f32
      %parallel_loop3A_194 = vector.broadcast %parallel_loop3A_193 : f32 to vector<16xf32>
      %parallel_loop3A_195 = arith.maximumf %parallel_loop3A_192, %parallel_loop3A_194 : vector<16xf32>
      %parallel_loop3A_196 = arith.index_cast %parallel_loop3A_127 : i32 to index
      %parallel_loop3A_197 = arith.constant 64 : index
      %parallel_loop3A_198 = tpu.vector_load %arg13[%parallel_loop3A_196, %parallel_loop3A_197] {strides = array<i32>} : memref<80x128xf32, #tpu.memory_space<vmem>>, vector<16xf32>,
      tpu.vector_store %arg13[%parallel_loop3A_196, %parallel_loop3A_197], %parallel_loop3A_195 {strides = array<i32>} : memref<80x128xf32, #tpu.memory_space<vmem>>, vector<16xf32>,
      %parallel_loop3A_199 = arith.addf %parallel_loop3A_189, %parallel_loop3A_191 : vector<16xf32>
      %parallel_loop3A_200 = arith.constant 0.000000e+00 : f32
      %parallel_loop3A_201 = vector.broadcast %parallel_loop3A_200 : f32 to vector<16xf32>
      %parallel_loop3A_202 = arith.maximumf %parallel_loop3A_199, %parallel_loop3A_201 : vector<16xf32>
      %parallel_loop3A_203 = arith.index_cast %parallel_loop3A_127 : i32 to index
      %parallel_loop3A_204 = arith.constant 80 : index
      %parallel_loop3A_205 = tpu.vector_load %arg13[%parallel_loop3A_203, %parallel_loop3A_204] {strides = array<i32>} : memref<80x128xf32, #tpu.memory_space<vmem>>, vector<16xf32>,
      tpu.vector_store %arg13[%parallel_loop3A_203, %parallel_loop3A_204], %parallel_loop3A_202 {strides = array<i32>} : memref<80x128xf32, #tpu.memory_space<vmem>>, vector<16xf32>,
      %parallel_loop3A_206 = arith.index_cast %parallel_loop3A_127 : i32 to index
      %parallel_loop3A_207 = arith.constant 48 : index
      %parallel_loop3A_208 = tpu.vector_load %arg11[%parallel_loop3A_206, %parallel_loop3A_207] {strides = array<i32>} : memref<80x64xi32, #tpu.memory_space<vmem>>, vector<16xi32>,
      %parallel_loop3A_209 = vector.bitcast %parallel_loop3A_208 : vector<16xi32> to vector<32xbf16>
      %parallel_loop3A_210 = arith.index_cast %parallel_loop3A_127 : i32 to index
      %parallel_loop3A_211 = arith.constant 48 : index
      %parallel_loop3A_212 = tpu.vector_load %arg12[%parallel_loop3A_210, %parallel_loop3A_211] {strides = array<i32>} : memref<80x64xi32, #tpu.memory_space<vmem>>, vector<16xi32>,
      %parallel_loop3A_213 = vector.bitcast %parallel_loop3A_212 : vector<16xi32> to vector<32xbf16>
      %parallel_loop3A_214 = tpu.unpack_subelements %parallel_loop3A_209, 0 {pack_format = #tpu.pack_format<interleaved>} : vector<32xbf16> -> vector<16xf32>
      %parallel_loop3A_215 = tpu.unpack_subelements %parallel_loop3A_209, 1 {pack_format = #tpu.pack_format<interleaved>} : vector<32xbf16> -> vector<16xf32>
      %parallel_loop3A_216 = tpu.unpack_subelements %parallel_loop3A_213, 0 {pack_format = #tpu.pack_format<interleaved>} : vector<32xbf16> -> vector<16xf32>
      %parallel_loop3A_217 = tpu.unpack_subelements %parallel_loop3A_213, 1 {pack_format = #tpu.pack_format<interleaved>} : vector<32xbf16> -> vector<16xf32>
      %parallel_loop3A_218 = arith.addf %parallel_loop3A_214, %parallel_loop3A_216 : vector<16xf32>
      %parallel_loop3A_219 = arith.constant 0.000000e+00 : f32
      %parallel_loop3A_220 = vector.broadcast %parallel_loop3A_219 : f32 to vector<16xf32>
      %parallel_loop3A_221 = arith.maximumf %parallel_loop3A_218, %parallel_loop3A_220 : vector<16xf32>
      %parallel_loop3A_222 = arith.index_cast %parallel_loop3A_127 : i32 to index
      %parallel_loop3A_223 = arith.constant 96 : index
      %parallel_loop3A_224 = tpu.vector_load %arg13[%parallel_loop3A_222, %parallel_loop3A_223] {strides = array<i32>} : memref<80x128xf32, #tpu.memory_space<vmem>>, vector<16xf32>,
      tpu.vector_store %arg13[%parallel_loop3A_222, %parallel_loop3A_223], %parallel_loop3A_221 {strides = array<i32>} : memref<80x128xf32, #tpu.memory_space<vmem>>, vector<16xf32>,
      %parallel_loop3A_225 = arith.addf %parallel_loop3A_215, %parallel_loop3A_217 : vector<16xf32>
      %parallel_loop3A_226 = arith.constant 0.000000e+00 : f32
      %parallel_loop3A_227 = vector.broadcast %parallel_loop3A_226 : f32 to vector<16xf32>
      %parallel_loop3A_228 = arith.maximumf %parallel_loop3A_225, %parallel_loop3A_227 : vector<16xf32>
      %parallel_loop3A_229 = arith.index_cast %parallel_loop3A_127 : i32 to index
      %parallel_loop3A_230 = arith.constant 112 : index
      %parallel_loop3A_231 = tpu.vector_load %arg13[%parallel_loop3A_229, %parallel_loop3A_230] {strides = array<i32>} : memref<80x128xf32, #tpu.memory_space<vmem>>, vector<16xf32>,
      tpu.vector_store %arg13[%parallel_loop3A_229, %parallel_loop3A_230], %parallel_loop3A_228 {strides = array<i32>} : memref<80x128xf32, #tpu.memory_space<vmem>>, vector<16xf32>,
    } {sc.loop_unroll_factor = 4 : i64, sc.parallel_access}
    %eq3A_35 = arith.constant 0 : i32
    %eq3A_36 = arith.cmpi eq, %add3A, %eq3A_35 : i32
    %convert_element_type3A_37 = arith.extui %eq3A_36 : i1 to i32
    %cond3A_38 = arith.constant 0 : i32
    %cond3A_39 = arith.cmpi ne, %convert_element_type3A_37, %cond3A_38 : i32
    scf.if %cond3A_39 {
      %iota3A = tpu.iota {dimensions = array<i32: 0>} : vector<16xi32>
      %add3A_127 = arith.constant 0 : i32
      %add3A_128 = vector.broadcast %add3A_127 : i32 to vector<16xi32>
      %add3A_129 = arith.addi %iota3A, %add3A_128 : vector<16xi32>
      %get3A = arith.constant 0 : index
      %get3A_130 = tpu.vector_load %arg10[%get3A] {strides = array<i32>} : memref<10016xf32, #tpu.memory_space<vmem>>, vector<16xf32>,
      %broadcast_in_dim3A = arith.constant 0 : i32
      %broadcast_in_dim3A_131 = vector.broadcast %broadcast_in_dim3A : i32 to vector<16xi32>
      tpu.vector_store_idx %arg13[%add3A_129, %broadcast_in_dim3A_131], %get3A_130 {add = true} : memref<80x128xf32, #tpu.memory_space<vmem>>[vector<16xi32>, vector<16xi32>], vector<16xf32>,
      %iota3A_132 = tpu.iota {dimensions = array<i32: 0>} : vector<16xi32>
      %add3A_133 = arith.constant 16 : i32
      %add3A_134 = vector.broadcast %add3A_133 : i32 to vector<16xi32>
      %add3A_135 = arith.addi %iota3A_132, %add3A_134 : vector<16xi32>
      %get3A_136 = arith.constant 16 : index
      %get3A_137 = tpu.vector_load %arg10[%get3A_136] {strides = array<i32>} : memref<10016xf32, #tpu.memory_space<vmem>>, vector<16xf32>,
      %broadcast_in_dim3A_138 = arith.constant 0 : i32
      %broadcast_in_dim3A_139 = vector.broadcast %broadcast_in_dim3A_138 : i32 to vector<16xi32>
      tpu.vector_store_idx %arg13[%add3A_135, %broadcast_in_dim3A_139], %get3A_137 {add = true} : memref<80x128xf32, #tpu.memory_space<vmem>>[vector<16xi32>, vector<16xi32>], vector<16xf32>,
      %iota3A_140 = tpu.iota {dimensions = array<i32: 0>} : vector<16xi32>
      %add3A_141 = arith.constant 32 : i32
      %add3A_142 = vector.broadcast %add3A_141 : i32 to vector<16xi32>
      %add3A_143 = arith.addi %iota3A_140, %add3A_142 : vector<16xi32>
      %get3A_144 = arith.constant 32 : index
      %get3A_145 = tpu.vector_load %arg10[%get3A_144] {strides = array<i32>} : memref<10016xf32, #tpu.memory_space<vmem>>, vector<16xf32>,
      %broadcast_in_dim3A_146 = arith.constant 0 : i32
      %broadcast_in_dim3A_147 = vector.broadcast %broadcast_in_dim3A_146 : i32 to vector<16xi32>
      tpu.vector_store_idx %arg13[%add3A_143, %broadcast_in_dim3A_147], %get3A_145 {add = true} : memref<80x128xf32, #tpu.memory_space<vmem>>[vector<16xi32>, vector<16xi32>], vector<16xf32>,
      %iota3A_148 = tpu.iota {dimensions = array<i32: 0>} : vector<16xi32>
      %add3A_149 = arith.constant 48 : i32
      %add3A_150 = vector.broadcast %add3A_149 : i32 to vector<16xi32>
      %add3A_151 = arith.addi %iota3A_148, %add3A_150 : vector<16xi32>
      %get3A_152 = arith.constant 48 : index
      %get3A_153 = tpu.vector_load %arg10[%get3A_152] {strides = array<i32>} : memref<10016xf32, #tpu.memory_space<vmem>>, vector<16xf32>,
      %broadcast_in_dim3A_154 = arith.constant 0 : i32
      %broadcast_in_dim3A_155 = vector.broadcast %broadcast_in_dim3A_154 : i32 to vector<16xi32>
      tpu.vector_store_idx %arg13[%add3A_151, %broadcast_in_dim3A_155], %get3A_153 {add = true} : memref<80x128xf32, #tpu.memory_space<vmem>>[vector<16xi32>, vector<16xi32>], vector<16xf32>,
      %iota3A_156 = tpu.iota {dimensions = array<i32: 0>} : vector<16xi32>
      %add3A_157 = arith.constant 64 : i32
      %add3A_158 = vector.broadcast %add3A_157 : i32 to vector<16xi32>
      %add3A_159 = arith.addi %iota3A_156, %add3A_158 : vector<16xi32>
      %get3A_160 = arith.constant 64 : index
      %get3A_161 = tpu.vector_load %arg10[%get3A_160] {strides = array<i32>} : memref<10016xf32, #tpu.memory_space<vmem>>, vector<16xf32>,
      %broadcast_in_dim3A_162 = arith.constant 0 : i32
      %broadcast_in_dim3A_163 = vector.broadcast %broadcast_in_dim3A_162 : i32 to vector<16xi32>
      tpu.vector_store_idx %arg13[%add3A_159, %broadcast_in_dim3A_163], %get3A_161 {add = true} : memref<80x128xf32, #tpu.memory_space<vmem>>[vector<16xi32>, vector<16xi32>], vector<16xf32>,
    } else {
    }
    %add3A_40 = arith.constant 0 : i32
    %add3A_41 = arith.addi %mul3A_2, %add3A_40 : i32
    %dma_start3A_42 = arith.constant 0 : i32
    %dma_start3A_43 = tpu.memref_slice %arg7[%add3A_41, %dma_start3A_42] : memref<320000x128xf32, #tpu.memory_space<hbm>> -> memref<80x128xf32, #tpu.memory_space<hbm>>
    %dma_start3A_44 = arith.constant 0 : i32
    %dma_start3A_45 = tpu.memref_slice %arg7[%add3A_41, %dma_start3A_44] : memref<320000x128xf32, #tpu.memory_space<hbm>> -> memref<80x128xf32, #tpu.memory_space<hbm>>
    tpu.enqueue_dma source(%arg13 : memref<80x128xf32, #tpu.memory_space<vmem>>) target(%dma_start3A_45 : memref<80x128xf32, #tpu.memory_space<hbm>>) target_semaphore(%arg19 : memref<!tpu.dma_semaphore, #tpu.memory_space<semaphore_mem>>)
    %dma_start3A_46 = arith.constant 160 : i32
    %dma_start3A_47 = tpu.memref_slice %arg8[%dma_start3A_46] : memref<10000xi32, #tpu.memory_space<vmem>> -> memref<80xi32, #tpu.memory_space<vmem>>
    %dma_start3A_48 = arith.constant 0 : i32
    %dma_start3A_49 = arith.constant 0 : i32
    %dma_start3A_50 = tpu.memref_slice %arg2[%dma_start3A_48, %dma_start3A_49] : memref<10000x64xi32, #tpu.memory_space<hbm>> -> memref<10000x64xi32, #tpu.memory_space<hbm>>
    tpu.enqueue_indirect_dma source(%dma_start3A_50 : memref<10000x64xi32, #tpu.memory_space<hbm>>) target(%arg11 : memref<80x64xi32, #tpu.memory_space<vmem>>) offsets(%dma_start3A_47 : memref<80xi32, #tpu.memory_space<vmem>>) semaphore(%arg17 : memref<!tpu.dma_semaphore, #tpu.memory_space<semaphore_mem>>)
    %dma_start3A_51 = arith.constant 160 : i32
    %dma_start3A_52 = tpu.memref_slice %arg9[%dma_start3A_51] : memref<10000xi32, #tpu.memory_space<vmem>> -> memref<80xi32, #tpu.memory_space<vmem>>
    %dma_start3A_53 = arith.constant 0 : i32
    %dma_start3A_54 = arith.constant 0 : i32
    %dma_start3A_55 = tpu.memref_slice %arg3[%dma_start3A_53, %dma_start3A_54] : memref<10000x64xi32, #tpu.memory_space<hbm>> -> memref<10000x64xi32, #tpu.memory_space<hbm>>
    tpu.enqueue_indirect_dma source(%dma_start3A_55 : memref<10000x64xi32, #tpu.memory_space<hbm>>) target(%arg12 : memref<80x64xi32, #tpu.memory_space<vmem>>) offsets(%dma_start3A_52 : memref<80xi32, #tpu.memory_space<vmem>>) semaphore(%arg17 : memref<!tpu.dma_semaphore, #tpu.memory_space<semaphore_mem>>)
    %dma_wait3A_56 = arith.constant 80 : i32
    %dma_wait3A_57 = tpu.memref_slice %arg8[%dma_wait3A_56] : memref<10000xi32, #tpu.memory_space<vmem>> -> memref<80xi32, #tpu.memory_space<vmem>>
    %dma_wait3A_58 = arith.constant 0 : i32
    %dma_wait3A_59 = arith.constant 0 : i32
    %dma_wait3A_60 = tpu.memref_slice %arg2[%dma_wait3A_58, %dma_wait3A_59] : memref<10000x64xi32, #tpu.memory_space<hbm>> -> memref<10000x64xi32, #tpu.memory_space<hbm>>
    tpu.wait_indirect_dma semaphore(%arg18 : memref<!tpu.dma_semaphore, #tpu.memory_space<semaphore_mem>>) src(%dma_wait3A_60 : memref<10000x64xi32, #tpu.memory_space<hbm>>) dst(%arg14 : memref<80x64xi32, #tpu.memory_space<vmem>>)
    %dma_wait3A_61 = arith.constant 80 : i32
    %dma_wait3A_62 = tpu.memref_slice %arg9[%dma_wait3A_61] : memref<10000xi32, #tpu.memory_space<vmem>> -> memref<80xi32, #tpu.memory_space<vmem>>
    %dma_wait3A_63 = arith.constant 0 : i32
    %dma_wait3A_64 = arith.constant 0 : i32
    %dma_wait3A_65 = tpu.memref_slice %arg3[%dma_wait3A_63, %dma_wait3A_64] : memref<10000x64xi32, #tpu.memory_space<hbm>> -> memref<10000x64xi32, #tpu.memory_space<hbm>>
    tpu.wait_indirect_dma semaphore(%arg18 : memref<!tpu.dma_semaphore, #tpu.memory_space<semaphore_mem>>) src(%dma_wait3A_65 : memref<10000x64xi32, #tpu.memory_space<hbm>>) dst(%arg15 : memref<80x64xi32, #tpu.memory_space<vmem>>)
    %parallel_loop3A_66 = arith.constant 0 : i32
    %parallel_loop3A_67 = arith.constant 80 : i32
    %parallel_loop3A_68 = arith.constant 1 : i32
    scf.for %parallel_loop3A_127 = %parallel_loop3A_66 to %parallel_loop3A_67 step %parallel_loop3A_68  : i32 {
      %parallel_loop3A_128 = arith.index_cast %parallel_loop3A_127 : i32 to index
      %parallel_loop3A_129 = arith.constant 0 : index
      %parallel_loop3A_130 = tpu.vector_load %arg14[%parallel_loop3A_128, %parallel_loop3A_129] {strides = array<i32>} : memref<80x64xi32, #tpu.memory_space<vmem>>, vector<16xi32>,
      %parallel_loop3A_131 = vector.bitcast %parallel_loop3A_130 : vector<16xi32> to vector<32xbf16>
      %parallel_loop3A_132 = arith.index_cast %parallel_loop3A_127 : i32 to index
      %parallel_loop3A_133 = arith.constant 0 : index
      %parallel_loop3A_134 = tpu.vector_load %arg15[%parallel_loop3A_132, %parallel_loop3A_133] {strides = array<i32>} : memref<80x64xi32, #tpu.memory_space<vmem>>, vector<16xi32>,
      %parallel_loop3A_135 = vector.bitcast %parallel_loop3A_134 : vector<16xi32> to vector<32xbf16>
      %parallel_loop3A_136 = tpu.unpack_subelements %parallel_loop3A_131, 0 {pack_format = #tpu.pack_format<interleaved>} : vector<32xbf16> -> vector<16xf32>
      %parallel_loop3A_137 = tpu.unpack_subelements %parallel_loop3A_131, 1 {pack_format = #tpu.pack_format<interleaved>} : vector<32xbf16> -> vector<16xf32>
      %parallel_loop3A_138 = tpu.unpack_subelements %parallel_loop3A_135, 0 {pack_format = #tpu.pack_format<interleaved>} : vector<32xbf16> -> vector<16xf32>
      %parallel_loop3A_139 = tpu.unpack_subelements %parallel_loop3A_135, 1 {pack_format = #tpu.pack_format<interleaved>} : vector<32xbf16> -> vector<16xf32>
      %parallel_loop3A_140 = arith.addf %parallel_loop3A_136, %parallel_loop3A_138 : vector<16xf32>
      %parallel_loop3A_141 = arith.constant 0.000000e+00 : f32
      %parallel_loop3A_142 = vector.broadcast %parallel_loop3A_141 : f32 to vector<16xf32>
      %parallel_loop3A_143 = arith.maximumf %parallel_loop3A_140, %parallel_loop3A_142 : vector<16xf32>
      %parallel_loop3A_144 = arith.index_cast %parallel_loop3A_127 : i32 to index
      %parallel_loop3A_145 = arith.constant 0 : index
      %parallel_loop3A_146 = tpu.vector_load %arg16[%parallel_loop3A_144, %parallel_loop3A_145] {strides = array<i32>} : memref<80x128xf32, #tpu.memory_space<vmem>>, vector<16xf32>,
      tpu.vector_store %arg16[%parallel_loop3A_144, %parallel_loop3A_145], %parallel_loop3A_143 {strides = array<i32>} : memref<80x128xf32, #tpu.memory_space<vmem>>, vector<16xf32>,
      %parallel_loop3A_147 = arith.addf %parallel_loop3A_137, %parallel_loop3A_139 : vector<16xf32>
      %parallel_loop3A_148 = arith.constant 0.000000e+00 : f32
      %parallel_loop3A_149 = vector.broadcast %parallel_loop3A_148 : f32 to vector<16xf32>
      %parallel_loop3A_150 = arith.maximumf %parallel_loop3A_147, %parallel_loop3A_149 : vector<16xf32>
      %parallel_loop3A_151 = arith.index_cast %parallel_loop3A_127 : i32 to index
      %parallel_loop3A_152 = arith.constant 16 : index
      %parallel_loop3A_153 = tpu.vector_load %arg16[%parallel_loop3A_151, %parallel_loop3A_152] {strides = array<i32>} : memref<80x128xf32, #tpu.memory_space<vmem>>, vector<16xf32>,
      tpu.vector_store %arg16[%parallel_loop3A_151, %parallel_loop3A_152], %parallel_loop3A_150 {strides = array<i32>} : memref<80x128xf32, #tpu.memory_space<vmem>>, vector<16xf32>,
      %parallel_loop3A_154 = arith.index_cast %parallel_loop3A_127 : i32 to index
      %parallel_loop3A_155 = arith.constant 16 : index
      %parallel_loop3A_156 = tpu.vector_load %arg14[%parallel_loop3A_154, %parallel_loop3A_155] {strides = array<i32>} : memref<80x64xi32, #tpu.memory_space<vmem>>, vector<16xi32>,
      %parallel_loop3A_157 = vector.bitcast %parallel_loop3A_156 : vector<16xi32> to vector<32xbf16>
      %parallel_loop3A_158 = arith.index_cast %parallel_loop3A_127 : i32 to index
      %parallel_loop3A_159 = arith.constant 16 : index
      %parallel_loop3A_160 = tpu.vector_load %arg15[%parallel_loop3A_158, %parallel_loop3A_159] {strides = array<i32>} : memref<80x64xi32, #tpu.memory_space<vmem>>, vector<16xi32>,
      %parallel_loop3A_161 = vector.bitcast %parallel_loop3A_160 : vector<16xi32> to vector<32xbf16>
      %parallel_loop3A_162 = tpu.unpack_subelements %parallel_loop3A_157, 0 {pack_format = #tpu.pack_format<interleaved>} : vector<32xbf16> -> vector<16xf32>
      %parallel_loop3A_163 = tpu.unpack_subelements %parallel_loop3A_157, 1 {pack_format = #tpu.pack_format<interleaved>} : vector<32xbf16> -> vector<16xf32>
      %parallel_loop3A_164 = tpu.unpack_subelements %parallel_loop3A_161, 0 {pack_format = #tpu.pack_format<interleaved>} : vector<32xbf16> -> vector<16xf32>
      %parallel_loop3A_165 = tpu.unpack_subelements %parallel_loop3A_161, 1 {pack_format = #tpu.pack_format<interleaved>} : vector<32xbf16> -> vector<16xf32>
      %parallel_loop3A_166 = arith.addf %parallel_loop3A_162, %parallel_loop3A_164 : vector<16xf32>
      %parallel_loop3A_167 = arith.constant 0.000000e+00 : f32
      %parallel_loop3A_168 = vector.broadcast %parallel_loop3A_167 : f32 to vector<16xf32>
      %parallel_loop3A_169 = arith.maximumf %parallel_loop3A_166, %parallel_loop3A_168 : vector<16xf32>
      %parallel_loop3A_170 = arith.index_cast %parallel_loop3A_127 : i32 to index
      %parallel_loop3A_171 = arith.constant 32 : index
      %parallel_loop3A_172 = tpu.vector_load %arg16[%parallel_loop3A_170, %parallel_loop3A_171] {strides = array<i32>} : memref<80x128xf32, #tpu.memory_space<vmem>>, vector<16xf32>,
      tpu.vector_store %arg16[%parallel_loop3A_170, %parallel_loop3A_171], %parallel_loop3A_169 {strides = array<i32>} : memref<80x128xf32, #tpu.memory_space<vmem>>, vector<16xf32>,
      %parallel_loop3A_173 = arith.addf %parallel_loop3A_163, %parallel_loop3A_165 : vector<16xf32>
      %parallel_loop3A_174 = arith.constant 0.000000e+00 : f32
      %parallel_loop3A_175 = vector.broadcast %parallel_loop3A_174 : f32 to vector<16xf32>
      %parallel_loop3A_176 = arith.maximumf %parallel_loop3A_173, %parallel_loop3A_175 : vector<16xf32>
      %parallel_loop3A_177 = arith.index_cast %parallel_loop3A_127 : i32 to index
      %parallel_loop3A_178 = arith.constant 48 : index
      %parallel_loop3A_179 = tpu.vector_load %arg16[%parallel_loop3A_177, %parallel_loop3A_178] {strides = array<i32>} : memref<80x128xf32, #tpu.memory_space<vmem>>, vector<16xf32>,
      tpu.vector_store %arg16[%parallel_loop3A_177, %parallel_loop3A_178], %parallel_loop3A_176 {strides = array<i32>} : memref<80x128xf32, #tpu.memory_space<vmem>>, vector<16xf32>,
      %parallel_loop3A_180 = arith.index_cast %parallel_loop3A_127 : i32 to index
      %parallel_loop3A_181 = arith.constant 32 : index
      %parallel_loop3A_182 = tpu.vector_load %arg14[%parallel_loop3A_180, %parallel_loop3A_181] {strides = array<i32>} : memref<80x64xi32, #tpu.memory_space<vmem>>, vector<16xi32>,
      %parallel_loop3A_183 = vector.bitcast %parallel_loop3A_182 : vector<16xi32> to vector<32xbf16>
      %parallel_loop3A_184 = arith.index_cast %parallel_loop3A_127 : i32 to index
      %parallel_loop3A_185 = arith.constant 32 : index
      %parallel_loop3A_186 = tpu.vector_load %arg15[%parallel_loop3A_184, %parallel_loop3A_185] {strides = array<i32>} : memref<80x64xi32, #tpu.memory_space<vmem>>, vector<16xi32>,
      %parallel_loop3A_187 = vector.bitcast %parallel_loop3A_186 : vector<16xi32> to vector<32xbf16>
      %parallel_loop3A_188 = tpu.unpack_subelements %parallel_loop3A_183, 0 {pack_format = #tpu.pack_format<interleaved>} : vector<32xbf16> -> vector<16xf32>
      %parallel_loop3A_189 = tpu.unpack_subelements %parallel_loop3A_183, 1 {pack_format = #tpu.pack_format<interleaved>} : vector<32xbf16> -> vector<16xf32>
      %parallel_loop3A_190 = tpu.unpack_subelements %parallel_loop3A_187, 0 {pack_format = #tpu.pack_format<interleaved>} : vector<32xbf16> -> vector<16xf32>
      %parallel_loop3A_191 = tpu.unpack_subelements %parallel_loop3A_187, 1 {pack_format = #tpu.pack_format<interleaved>} : vector<32xbf16> -> vector<16xf32>
      %parallel_loop3A_192 = arith.addf %parallel_loop3A_188, %parallel_loop3A_190 : vector<16xf32>
      %parallel_loop3A_193 = arith.constant 0.000000e+00 : f32
      %parallel_loop3A_194 = vector.broadcast %parallel_loop3A_193 : f32 to vector<16xf32>
      %parallel_loop3A_195 = arith.maximumf %parallel_loop3A_192, %parallel_loop3A_194 : vector<16xf32>
      %parallel_loop3A_196 = arith.index_cast %parallel_loop3A_127 : i32 to index
      %parallel_loop3A_197 = arith.constant 64 : index
      %parallel_loop3A_198 = tpu.vector_load %arg16[%parallel_loop3A_196, %parallel_loop3A_197] {strides = array<i32>} : memref<80x128xf32, #tpu.memory_space<vmem>>, vector<16xf32>,
      tpu.vector_store %arg16[%parallel_loop3A_196, %parallel_loop3A_197], %parallel_loop3A_195 {strides = array<i32>} : memref<80x128xf32, #tpu.memory_space<vmem>>, vector<16xf32>,
      %parallel_loop3A_199 = arith.addf %parallel_loop3A_189, %parallel_loop3A_191 : vector<16xf32>
      %parallel_loop3A_200 = arith.constant 0.000000e+00 : f32
      %parallel_loop3A_201 = vector.broadcast %parallel_loop3A_200 : f32 to vector<16xf32>
      %parallel_loop3A_202 = arith.maximumf %parallel_loop3A_199, %parallel_loop3A_201 : vector<16xf32>
      %parallel_loop3A_203 = arith.index_cast %parallel_loop3A_127 : i32 to index
      %parallel_loop3A_204 = arith.constant 80 : index
      %parallel_loop3A_205 = tpu.vector_load %arg16[%parallel_loop3A_203, %parallel_loop3A_204] {strides = array<i32>} : memref<80x128xf32, #tpu.memory_space<vmem>>, vector<16xf32>,
      tpu.vector_store %arg16[%parallel_loop3A_203, %parallel_loop3A_204], %parallel_loop3A_202 {strides = array<i32>} : memref<80x128xf32, #tpu.memory_space<vmem>>, vector<16xf32>,
      %parallel_loop3A_206 = arith.index_cast %parallel_loop3A_127 : i32 to index
      %parallel_loop3A_207 = arith.constant 48 : index
      %parallel_loop3A_208 = tpu.vector_load %arg14[%parallel_loop3A_206, %parallel_loop3A_207] {strides = array<i32>} : memref<80x64xi32, #tpu.memory_space<vmem>>, vector<16xi32>,
      %parallel_loop3A_209 = vector.bitcast %parallel_loop3A_208 : vector<16xi32> to vector<32xbf16>
      %parallel_loop3A_210 = arith.index_cast %parallel_loop3A_127 : i32 to index
      %parallel_loop3A_211 = arith.constant 48 : index
      %parallel_loop3A_212 = tpu.vector_load %arg15[%parallel_loop3A_210, %parallel_loop3A_211] {strides = array<i32>} : memref<80x64xi32, #tpu.memory_space<vmem>>, vector<16xi32>,
      %parallel_loop3A_213 = vector.bitcast %parallel_loop3A_212 : vector<16xi32> to vector<32xbf16>
      %parallel_loop3A_214 = tpu.unpack_subelements %parallel_loop3A_209, 0 {pack_format = #tpu.pack_format<interleaved>} : vector<32xbf16> -> vector<16xf32>
      %parallel_loop3A_215 = tpu.unpack_subelements %parallel_loop3A_209, 1 {pack_format = #tpu.pack_format<interleaved>} : vector<32xbf16> -> vector<16xf32>
      %parallel_loop3A_216 = tpu.unpack_subelements %parallel_loop3A_213, 0 {pack_format = #tpu.pack_format<interleaved>} : vector<32xbf16> -> vector<16xf32>
      %parallel_loop3A_217 = tpu.unpack_subelements %parallel_loop3A_213, 1 {pack_format = #tpu.pack_format<interleaved>} : vector<32xbf16> -> vector<16xf32>
      %parallel_loop3A_218 = arith.addf %parallel_loop3A_214, %parallel_loop3A_216 : vector<16xf32>
      %parallel_loop3A_219 = arith.constant 0.000000e+00 : f32
      %parallel_loop3A_220 = vector.broadcast %parallel_loop3A_219 : f32 to vector<16xf32>
      %parallel_loop3A_221 = arith.maximumf %parallel_loop3A_218, %parallel_loop3A_220 : vector<16xf32>
      %parallel_loop3A_222 = arith.index_cast %parallel_loop3A_127 : i32 to index
      %parallel_loop3A_223 = arith.constant 96 : index
      %parallel_loop3A_224 = tpu.vector_load %arg16[%parallel_loop3A_222, %parallel_loop3A_223] {strides = array<i32>} : memref<80x128xf32, #tpu.memory_space<vmem>>, vector<16xf32>,
      tpu.vector_store %arg16[%parallel_loop3A_222, %parallel_loop3A_223], %parallel_loop3A_221 {strides = array<i32>} : memref<80x128xf32, #tpu.memory_space<vmem>>, vector<16xf32>,
      %parallel_loop3A_225 = arith.addf %parallel_loop3A_215, %parallel_loop3A_217 : vector<16xf32>
      %parallel_loop3A_226 = arith.constant 0.000000e+00 : f32
      %parallel_loop3A_227 = vector.broadcast %parallel_loop3A_226 : f32 to vector<16xf32>
      %parallel_loop3A_228 = arith.maximumf %parallel_loop3A_225, %parallel_loop3A_227 : vector<16xf32>
      %parallel_loop3A_229 = arith.index_cast %parallel_loop3A_127 : i32 to index
      %parallel_loop3A_230 = arith.constant 112 : index
      %parallel_loop3A_231 = tpu.vector_load %arg16[%parallel_loop3A_229, %parallel_loop3A_230] {strides = array<i32>} : memref<80x128xf32, #tpu.memory_space<vmem>>, vector<16xf32>,
      tpu.vector_store %arg16[%parallel_loop3A_229, %parallel_loop3A_230], %parallel_loop3A_228 {strides = array<i32>} : memref<80x128xf32, #tpu.memory_space<vmem>>, vector<16xf32>,
    } {sc.loop_unroll_factor = 4 : i64, sc.parallel_access}
    %eq3A_69 = arith.constant 0 : i32
    %eq3A_70 = arith.cmpi eq, %add3A, %eq3A_69 : i32
    %convert_element_type3A_71 = arith.extui %eq3A_70 : i1 to i32
    %cond3A_72 = arith.constant 0 : i32
    %cond3A_73 = arith.cmpi ne, %convert_element_type3A_71, %cond3A_72 : i32
    scf.if %cond3A_73 {
      %iota3A = tpu.iota {dimensions = array<i32: 0>} : vector<16xi32>
      %add3A_127 = arith.constant 0 : i32
      %add3A_128 = vector.broadcast %add3A_127 : i32 to vector<16xi32>
      %add3A_129 = arith.addi %iota3A, %add3A_128 : vector<16xi32>
      %get3A = arith.constant 80 : index
      %get3A_130 = tpu.vector_load %arg10[%get3A] {strides = array<i32>} : memref<10016xf32, #tpu.memory_space<vmem>>, vector<16xf32>,
      %broadcast_in_dim3A = arith.constant 0 : i32
      %broadcast_in_dim3A_131 = vector.broadcast %broadcast_in_dim3A : i32 to vector<16xi32>
      tpu.vector_store_idx %arg16[%add3A_129, %broadcast_in_dim3A_131], %get3A_130 {add = true} : memref<80x128xf32, #tpu.memory_space<vmem>>[vector<16xi32>, vector<16xi32>], vector<16xf32>,
      %iota3A_132 = tpu.iota {dimensions = array<i32: 0>} : vector<16xi32>
      %add3A_133 = arith.constant 16 : i32
      %add3A_134 = vector.broadcast %add3A_133 : i32 to vector<16xi32>
      %add3A_135 = arith.addi %iota3A_132, %add3A_134 : vector<16xi32>
      %get3A_136 = arith.constant 96 : index
      %get3A_137 = tpu.vector_load %arg10[%get3A_136] {strides = array<i32>} : memref<10016xf32, #tpu.memory_space<vmem>>, vector<16xf32>,
      %broadcast_in_dim3A_138 = arith.constant 0 : i32
      %broadcast_in_dim3A_139 = vector.broadcast %broadcast_in_dim3A_138 : i32 to vector<16xi32>
      tpu.vector_store_idx %arg16[%add3A_135, %broadcast_in_dim3A_139], %get3A_137 {add = true} : memref<80x128xf32, #tpu.memory_space<vmem>>[vector<16xi32>, vector<16xi32>], vector<16xf32>,
      %iota3A_140 = tpu.iota {dimensions = array<i32: 0>} : vector<16xi32>
      %add3A_141 = arith.constant 32 : i32
      %add3A_142 = vector.broadcast %add3A_141 : i32 to vector<16xi32>
      %add3A_143 = arith.addi %iota3A_140, %add3A_142 : vector<16xi32>
      %get3A_144 = arith.constant 112 : index
      %get3A_145 = tpu.vector_load %arg10[%get3A_144] {strides = array<i32>} : memref<10016xf32, #tpu.memory_space<vmem>>, vector<16xf32>,
      %broadcast_in_dim3A_146 = arith.constant 0 : i32
      %broadcast_in_dim3A_147 = vector.broadcast %broadcast_in_dim3A_146 : i32 to vector<16xi32>
      tpu.vector_store_idx %arg16[%add3A_143, %broadcast_in_dim3A_147], %get3A_145 {add = true} : memref<80x128xf32, #tpu.memory_space<vmem>>[vector<16xi32>, vector<16xi32>], vector<16xf32>,
      %iota3A_148 = tpu.iota {dimensions = array<i32: 0>} : vector<16xi32>
      %add3A_149 = arith.constant 48 : i32
      %add3A_150 = vector.broadcast %add3A_149 : i32 to vector<16xi32>
      %add3A_151 = arith.addi %iota3A_148, %add3A_150 : vector<16xi32>
      %get3A_152 = arith.constant 128 : index
      %get3A_153 = tpu.vector_load %arg10[%get3A_152] {strides = array<i32>} : memref<10016xf32, #tpu.memory_space<vmem>>, vector<16xf32>,
      %broadcast_in_dim3A_154 = arith.constant 0 : i32
      %broadcast_in_dim3A_155 = vector.broadcast %broadcast_in_dim3A_154 : i32 to vector<16xi32>
      tpu.vector_store_idx %arg16[%add3A_151, %broadcast_in_dim3A_155], %get3A_153 {add = true} : memref<80x128xf32, #tpu.memory_space<vmem>>[vector<16xi32>, vector<16xi32>], vector<16xf32>,
      %iota3A_156 = tpu.iota {dimensions = array<i32: 0>} : vector<16xi32>
      %add3A_157 = arith.constant 64 : i32
      %add3A_158 = vector.broadcast %add3A_157 : i32 to vector<16xi32>
      %add3A_159 = arith.addi %iota3A_156, %add3A_158 : vector<16xi32>
      %get3A_160 = arith.constant 144 : index
      %get3A_161 = tpu.vector_load %arg10[%get3A_160] {strides = array<i32>} : memref<10016xf32, #tpu.memory_space<vmem>>, vector<16xf32>,
      %broadcast_in_dim3A_162 = arith.constant 0 : i32
      %broadcast_in_dim3A_163 = vector.broadcast %broadcast_in_dim3A_162 : i32 to vector<16xi32>
      tpu.vector_store_idx %arg16[%add3A_159, %broadcast_in_dim3A_163], %get3A_161 {add = true} : memref<80x128xf32, #tpu.memory_space<vmem>>[vector<16xi32>, vector<16xi32>], vector<16xf32>,
    } else {
    }
    %add3A_74 = arith.constant 80 : i32
    %add3A_75 = arith.addi %mul3A_2, %add3A_74 : i32
    %dma_start3A_76 = arith.constant 0 : i32
    %dma_start3A_77 = tpu.memref_slice %arg7[%add3A_75, %dma_start3A_76] : memref<320000x128xf32, #tpu.memory_space<hbm>> -> memref<80x128xf32, #tpu.memory_space<hbm>>
    %dma_start3A_78 = arith.constant 0 : i32
    %dma_start3A_79 = tpu.memref_slice %arg7[%add3A_75, %dma_start3A_78] : memref<320000x128xf32, #tpu.memory_space<hbm>> -> memref<80x128xf32, #tpu.memory_space<hbm>>
    tpu.enqueue_dma source(%arg16 : memref<80x128xf32, #tpu.memory_space<vmem>>) target(%dma_start3A_79 : memref<80x128xf32, #tpu.memory_space<hbm>>) target_semaphore(%arg20 : memref<!tpu.dma_semaphore, #tpu.memory_space<semaphore_mem>>)
    %scan3A = arith.constant 0 : i32
    %scan3A_80 = arith.constant 1 : i32
    %scan3A_81 = arith.constant 61 : i32
    %scan3A_82 = arith.addi %scan3A_80, %scan3A_81 : i32
    %scan3A_83 = arith.constant 1 : i32
    scf.for %scan3A_127 = %scan3A_80 to %scan3A_82 step %scan3A_83  : i32 {
      %mul3A_128 = arith.constant 2 : i32
      %mul3A_129 = arith.muli %mul3A_128, %scan3A_127 : i32
      %add3A_130 = arith.constant 1 : i32
      %add3A_131 = arith.addi %mul3A_129, %add3A_130 : i32
      %mul3A_132 = arith.constant 80 : i32
      %mul3A_133 = arith.muli %add3A_131, %mul3A_132 : i32
      %dma_start3A_134 = tpu.memref_slice %arg8[%mul3A_133] : memref<10000xi32, #tpu.memory_space<vmem>> -> memref<80xi32, #tpu.memory_space<vmem>>
      %dma_start3A_135 = arith.constant 0 : i32
      %dma_start3A_136 = arith.constant 0 : i32
      %dma_start3A_137 = tpu.memref_slice %arg2[%dma_start3A_135, %dma_start3A_136] : memref<10000x64xi32, #tpu.memory_space<hbm>> -> memref<10000x64xi32, #tpu.memory_space<hbm>>
      tpu.enqueue_indirect_dma source(%dma_start3A_137 : memref<10000x64xi32, #tpu.memory_space<hbm>>) target(%arg14 : memref<80x64xi32, #tpu.memory_space<vmem>>) offsets(%dma_start3A_134 : memref<80xi32, #tpu.memory_space<vmem>>) semaphore(%arg18 : memref<!tpu.dma_semaphore, #tpu.memory_space<semaphore_mem>>)
      %dma_start3A_138 = tpu.memref_slice %arg9[%mul3A_133] : memref<10000xi32, #tpu.memory_space<vmem>> -> memref<80xi32, #tpu.memory_space<vmem>>
      %dma_start3A_139 = arith.constant 0 : i32
      %dma_start3A_140 = arith.constant 0 : i32
      %dma_start3A_141 = tpu.memref_slice %arg3[%dma_start3A_139, %dma_start3A_140] : memref<10000x64xi32, #tpu.memory_space<hbm>> -> memref<10000x64xi32, #tpu.memory_space<hbm>>
      tpu.enqueue_indirect_dma source(%dma_start3A_141 : memref<10000x64xi32, #tpu.memory_space<hbm>>) target(%arg15 : memref<80x64xi32, #tpu.memory_space<vmem>>) offsets(%dma_start3A_138 : memref<80xi32, #tpu.memory_space<vmem>>) semaphore(%arg18 : memref<!tpu.dma_semaphore, #tpu.memory_space<semaphore_mem>>)
      %mul3A_142 = arith.constant 80 : i32
      %mul3A_143 = arith.muli %mul3A_129, %mul3A_142 : i32
      %dma_wait3A_144 = tpu.memref_slice %arg8[%mul3A_143] : memref<10000xi32, #tpu.memory_space<vmem>> -> memref<80xi32, #tpu.memory_space<vmem>>
      %dma_wait3A_145 = arith.constant 0 : i32
      %dma_wait3A_146 = arith.constant 0 : i32
      %dma_wait3A_147 = tpu.memref_slice %arg2[%dma_wait3A_145, %dma_wait3A_146] : memref<10000x64xi32, #tpu.memory_space<hbm>> -> memref<10000x64xi32, #tpu.memory_space<hbm>>
      tpu.wait_indirect_dma semaphore(%arg17 : memref<!tpu.dma_semaphore, #tpu.memory_space<semaphore_mem>>) src(%dma_wait3A_147 : memref<10000x64xi32, #tpu.memory_space<hbm>>) dst(%arg11 : memref<80x64xi32, #tpu.memory_space<vmem>>)
      %dma_wait3A_148 = tpu.memref_slice %arg9[%mul3A_143] : memref<10000xi32, #tpu.memory_space<vmem>> -> memref<80xi32, #tpu.memory_space<vmem>>
      %dma_wait3A_149 = arith.constant 0 : i32
      %dma_wait3A_150 = arith.constant 0 : i32
      %dma_wait3A_151 = tpu.memref_slice %arg3[%dma_wait3A_149, %dma_wait3A_150] : memref<10000x64xi32, #tpu.memory_space<hbm>> -> memref<10000x64xi32, #tpu.memory_space<hbm>>
      tpu.wait_indirect_dma semaphore(%arg17 : memref<!tpu.dma_semaphore, #tpu.memory_space<semaphore_mem>>) src(%dma_wait3A_151 : memref<10000x64xi32, #tpu.memory_space<hbm>>) dst(%arg12 : memref<80x64xi32, #tpu.memory_space<vmem>>)
      %dma_wait3A_152 = arith.constant 0 : i32
      %dma_wait3A_153 = arith.constant 0 : i32
      %dma_wait3A_154 = tpu.memref_slice %arg7[%dma_wait3A_152, %dma_wait3A_153] : memref<320000x128xf32, #tpu.memory_space<hbm>> -> memref<80x128xf32, #tpu.memory_space<hbm>>
      %dma_wait3A_155 = arith.constant 0 : i32
      %dma_wait3A_156 = arith.constant 0 : i32
      %dma_wait3A_157 = tpu.memref_slice %arg7[%dma_wait3A_155, %dma_wait3A_156] : memref<320000x128xf32, #tpu.memory_space<hbm>> -> memref<80x128xf32, #tpu.memory_space<hbm>>
      tpu.wait_dma2 semaphore(%arg19 : memref<!tpu.dma_semaphore, #tpu.memory_space<semaphore_mem>>) src(%arg13 : memref<80x128xf32, #tpu.memory_space<vmem>>) dst(%dma_wait3A_157 : memref<80x128xf32, #tpu.memory_space<hbm>>)
      %parallel_loop3A_158 = arith.constant 0 : i32
      %parallel_loop3A_159 = arith.constant 80 : i32
      %parallel_loop3A_160 = arith.constant 1 : i32
      scf.for %parallel_loop3A_220 = %parallel_loop3A_158 to %parallel_loop3A_159 step %parallel_loop3A_160  : i32 {
        %parallel_loop3A_221 = arith.index_cast %parallel_loop3A_220 : i32 to index
        %parallel_loop3A_222 = arith.constant 0 : index
        %parallel_loop3A_223 = tpu.vector_load %arg11[%parallel_loop3A_221, %parallel_loop3A_222] {strides = array<i32>} : memref<80x64xi32, #tpu.memory_space<vmem>>, vector<16xi32>,
        %parallel_loop3A_224 = vector.bitcast %parallel_loop3A_223 : vector<16xi32> to vector<32xbf16>
        %parallel_loop3A_225 = arith.index_cast %parallel_loop3A_220 : i32 to index
        %parallel_loop3A_226 = arith.constant 0 : index
        %parallel_loop3A_227 = tpu.vector_load %arg12[%parallel_loop3A_225, %parallel_loop3A_226] {strides = array<i32>} : memref<80x64xi32, #tpu.memory_space<vmem>>, vector<16xi32>,
        %parallel_loop3A_228 = vector.bitcast %parallel_loop3A_227 : vector<16xi32> to vector<32xbf16>
        %parallel_loop3A_229 = tpu.unpack_subelements %parallel_loop3A_224, 0 {pack_format = #tpu.pack_format<interleaved>} : vector<32xbf16> -> vector<16xf32>
        %parallel_loop3A_230 = tpu.unpack_subelements %parallel_loop3A_224, 1 {pack_format = #tpu.pack_format<interleaved>} : vector<32xbf16> -> vector<16xf32>
        %parallel_loop3A_231 = tpu.unpack_subelements %parallel_loop3A_228, 0 {pack_format = #tpu.pack_format<interleaved>} : vector<32xbf16> -> vector<16xf32>
        %parallel_loop3A_232 = tpu.unpack_subelements %parallel_loop3A_228, 1 {pack_format = #tpu.pack_format<interleaved>} : vector<32xbf16> -> vector<16xf32>
        %parallel_loop3A_233 = arith.addf %parallel_loop3A_229, %parallel_loop3A_231 : vector<16xf32>
        %parallel_loop3A_234 = arith.constant 0.000000e+00 : f32
        %parallel_loop3A_235 = vector.broadcast %parallel_loop3A_234 : f32 to vector<16xf32>
        %parallel_loop3A_236 = arith.maximumf %parallel_loop3A_233, %parallel_loop3A_235 : vector<16xf32>
        %parallel_loop3A_237 = arith.index_cast %parallel_loop3A_220 : i32 to index
        %parallel_loop3A_238 = arith.constant 0 : index
        %parallel_loop3A_239 = tpu.vector_load %arg13[%parallel_loop3A_237, %parallel_loop3A_238] {strides = array<i32>} : memref<80x128xf32, #tpu.memory_space<vmem>>, vector<16xf32>,
        tpu.vector_store %arg13[%parallel_loop3A_237, %parallel_loop3A_238], %parallel_loop3A_236 {strides = array<i32>} : memref<80x128xf32, #tpu.memory_space<vmem>>, vector<16xf32>,
        %parallel_loop3A_240 = arith.addf %parallel_loop3A_230, %parallel_loop3A_232 : vector<16xf32>
        %parallel_loop3A_241 = arith.constant 0.000000e+00 : f32
        %parallel_loop3A_242 = vector.broadcast %parallel_loop3A_241 : f32 to vector<16xf32>
        %parallel_loop3A_243 = arith.maximumf %parallel_loop3A_240, %parallel_loop3A_242 : vector<16xf32>
        %parallel_loop3A_244 = arith.index_cast %parallel_loop3A_220 : i32 to index
        %parallel_loop3A_245 = arith.constant 16 : index
        %parallel_loop3A_246 = tpu.vector_load %arg13[%parallel_loop3A_244, %parallel_loop3A_245] {strides = array<i32>} : memref<80x128xf32, #tpu.memory_space<vmem>>, vector<16xf32>,
        tpu.vector_store %arg13[%parallel_loop3A_244, %parallel_loop3A_245], %parallel_loop3A_243 {strides = array<i32>} : memref<80x128xf32, #tpu.memory_space<vmem>>, vector<16xf32>,
        %parallel_loop3A_247 = arith.index_cast %parallel_loop3A_220 : i32 to index
        %parallel_loop3A_248 = arith.constant 16 : index
        %parallel_loop3A_249 = tpu.vector_load %arg11[%parallel_loop3A_247, %parallel_loop3A_248] {strides = array<i32>} : memref<80x64xi32, #tpu.memory_space<vmem>>, vector<16xi32>,
        %parallel_loop3A_250 = vector.bitcast %parallel_loop3A_249 : vector<16xi32> to vector<32xbf16>
        %parallel_loop3A_251 = arith.index_cast %parallel_loop3A_220 : i32 to index
        %parallel_loop3A_252 = arith.constant 16 : index
        %parallel_loop3A_253 = tpu.vector_load %arg12[%parallel_loop3A_251, %parallel_loop3A_252] {strides = array<i32>} : memref<80x64xi32, #tpu.memory_space<vmem>>, vector<16xi32>,
        %parallel_loop3A_254 = vector.bitcast %parallel_loop3A_253 : vector<16xi32> to vector<32xbf16>
        %parallel_loop3A_255 = tpu.unpack_subelements %parallel_loop3A_250, 0 {pack_format = #tpu.pack_format<interleaved>} : vector<32xbf16> -> vector<16xf32>
        %parallel_loop3A_256 = tpu.unpack_subelements %parallel_loop3A_250, 1 {pack_format = #tpu.pack_format<interleaved>} : vector<32xbf16> -> vector<16xf32>
        %parallel_loop3A_257 = tpu.unpack_subelements %parallel_loop3A_254, 0 {pack_format = #tpu.pack_format<interleaved>} : vector<32xbf16> -> vector<16xf32>
        %parallel_loop3A_258 = tpu.unpack_subelements %parallel_loop3A_254, 1 {pack_format = #tpu.pack_format<interleaved>} : vector<32xbf16> -> vector<16xf32>
        %parallel_loop3A_259 = arith.addf %parallel_loop3A_255, %parallel_loop3A_257 : vector<16xf32>
        %parallel_loop3A_260 = arith.constant 0.000000e+00 : f32
        %parallel_loop3A_261 = vector.broadcast %parallel_loop3A_260 : f32 to vector<16xf32>
        %parallel_loop3A_262 = arith.maximumf %parallel_loop3A_259, %parallel_loop3A_261 : vector<16xf32>
        %parallel_loop3A_263 = arith.index_cast %parallel_loop3A_220 : i32 to index
        %parallel_loop3A_264 = arith.constant 32 : index
        %parallel_loop3A_265 = tpu.vector_load %arg13[%parallel_loop3A_263, %parallel_loop3A_264] {strides = array<i32>} : memref<80x128xf32, #tpu.memory_space<vmem>>, vector<16xf32>,
        tpu.vector_store %arg13[%parallel_loop3A_263, %parallel_loop3A_264], %parallel_loop3A_262 {strides = array<i32>} : memref<80x128xf32, #tpu.memory_space<vmem>>, vector<16xf32>,
        %parallel_loop3A_266 = arith.addf %parallel_loop3A_256, %parallel_loop3A_258 : vector<16xf32>
        %parallel_loop3A_267 = arith.constant 0.000000e+00 : f32
        %parallel_loop3A_268 = vector.broadcast %parallel_loop3A_267 : f32 to vector<16xf32>
        %parallel_loop3A_269 = arith.maximumf %parallel_loop3A_266, %parallel_loop3A_268 : vector<16xf32>
        %parallel_loop3A_270 = arith.index_cast %parallel_loop3A_220 : i32 to index
        %parallel_loop3A_271 = arith.constant 48 : index
        %parallel_loop3A_272 = tpu.vector_load %arg13[%parallel_loop3A_270, %parallel_loop3A_271] {strides = array<i32>} : memref<80x128xf32, #tpu.memory_space<vmem>>, vector<16xf32>,
        tpu.vector_store %arg13[%parallel_loop3A_270, %parallel_loop3A_271], %parallel_loop3A_269 {strides = array<i32>} : memref<80x128xf32, #tpu.memory_space<vmem>>, vector<16xf32>,
        %parallel_loop3A_273 = arith.index_cast %parallel_loop3A_220 : i32 to index
        %parallel_loop3A_274 = arith.constant 32 : index
        %parallel_loop3A_275 = tpu.vector_load %arg11[%parallel_loop3A_273, %parallel_loop3A_274] {strides = array<i32>} : memref<80x64xi32, #tpu.memory_space<vmem>>, vector<16xi32>,
        %parallel_loop3A_276 = vector.bitcast %parallel_loop3A_275 : vector<16xi32> to vector<32xbf16>
        %parallel_loop3A_277 = arith.index_cast %parallel_loop3A_220 : i32 to index
        %parallel_loop3A_278 = arith.constant 32 : index
        %parallel_loop3A_279 = tpu.vector_load %arg12[%parallel_loop3A_277, %parallel_loop3A_278] {strides = array<i32>} : memref<80x64xi32, #tpu.memory_space<vmem>>, vector<16xi32>,
        %parallel_loop3A_280 = vector.bitcast %parallel_loop3A_279 : vector<16xi32> to vector<32xbf16>
        %parallel_loop3A_281 = tpu.unpack_subelements %parallel_loop3A_276, 0 {pack_format = #tpu.pack_format<interleaved>} : vector<32xbf16> -> vector<16xf32>
        %parallel_loop3A_282 = tpu.unpack_subelements %parallel_loop3A_276, 1 {pack_format = #tpu.pack_format<interleaved>} : vector<32xbf16> -> vector<16xf32>
        %parallel_loop3A_283 = tpu.unpack_subelements %parallel_loop3A_280, 0 {pack_format = #tpu.pack_format<interleaved>} : vector<32xbf16> -> vector<16xf32>
        %parallel_loop3A_284 = tpu.unpack_subelements %parallel_loop3A_280, 1 {pack_format = #tpu.pack_format<interleaved>} : vector<32xbf16> -> vector<16xf32>
        %parallel_loop3A_285 = arith.addf %parallel_loop3A_281, %parallel_loop3A_283 : vector<16xf32>
        %parallel_loop3A_286 = arith.constant 0.000000e+00 : f32
        %parallel_loop3A_287 = vector.broadcast %parallel_loop3A_286 : f32 to vector<16xf32>
        %parallel_loop3A_288 = arith.maximumf %parallel_loop3A_285, %parallel_loop3A_287 : vector<16xf32>
        %parallel_loop3A_289 = arith.index_cast %parallel_loop3A_220 : i32 to index
        %parallel_loop3A_290 = arith.constant 64 : index
        %parallel_loop3A_291 = tpu.vector_load %arg13[%parallel_loop3A_289, %parallel_loop3A_290] {strides = array<i32>} : memref<80x128xf32, #tpu.memory_space<vmem>>, vector<16xf32>,
        tpu.vector_store %arg13[%parallel_loop3A_289, %parallel_loop3A_290], %parallel_loop3A_288 {strides = array<i32>} : memref<80x128xf32, #tpu.memory_space<vmem>>, vector<16xf32>,
        %parallel_loop3A_292 = arith.addf %parallel_loop3A_282, %parallel_loop3A_284 : vector<16xf32>
        %parallel_loop3A_293 = arith.constant 0.000000e+00 : f32
        %parallel_loop3A_294 = vector.broadcast %parallel_loop3A_293 : f32 to vector<16xf32>
        %parallel_loop3A_295 = arith.maximumf %parallel_loop3A_292, %parallel_loop3A_294 : vector<16xf32>
        %parallel_loop3A_296 = arith.index_cast %parallel_loop3A_220 : i32 to index
        %parallel_loop3A_297 = arith.constant 80 : index
        %parallel_loop3A_298 = tpu.vector_load %arg13[%parallel_loop3A_296, %parallel_loop3A_297] {strides = array<i32>} : memref<80x128xf32, #tpu.memory_space<vmem>>, vector<16xf32>,
        tpu.vector_store %arg13[%parallel_loop3A_296, %parallel_loop3A_297], %parallel_loop3A_295 {strides = array<i32>} : memref<80x128xf32, #tpu.memory_space<vmem>>, vector<16xf32>,
        %parallel_loop3A_299 = arith.index_cast %parallel_loop3A_220 : i32 to index
        %parallel_loop3A_300 = arith.constant 48 : index
        %parallel_loop3A_301 = tpu.vector_load %arg11[%parallel_loop3A_299, %parallel_loop3A_300] {strides = array<i32>} : memref<80x64xi32, #tpu.memory_space<vmem>>, vector<16xi32>,
        %parallel_loop3A_302 = vector.bitcast %parallel_loop3A_301 : vector<16xi32> to vector<32xbf16>
        %parallel_loop3A_303 = arith.index_cast %parallel_loop3A_220 : i32 to index
        %parallel_loop3A_304 = arith.constant 48 : index
        %parallel_loop3A_305 = tpu.vector_load %arg12[%parallel_loop3A_303, %parallel_loop3A_304] {strides = array<i32>} : memref<80x64xi32, #tpu.memory_space<vmem>>, vector<16xi32>,
        %parallel_loop3A_306 = vector.bitcast %parallel_loop3A_305 : vector<16xi32> to vector<32xbf16>
        %parallel_loop3A_307 = tpu.unpack_subelements %parallel_loop3A_302, 0 {pack_format = #tpu.pack_format<interleaved>} : vector<32xbf16> -> vector<16xf32>
        %parallel_loop3A_308 = tpu.unpack_subelements %parallel_loop3A_302, 1 {pack_format = #tpu.pack_format<interleaved>} : vector<32xbf16> -> vector<16xf32>
        %parallel_loop3A_309 = tpu.unpack_subelements %parallel_loop3A_306, 0 {pack_format = #tpu.pack_format<interleaved>} : vector<32xbf16> -> vector<16xf32>
        %parallel_loop3A_310 = tpu.unpack_subelements %parallel_loop3A_306, 1 {pack_format = #tpu.pack_format<interleaved>} : vector<32xbf16> -> vector<16xf32>
        %parallel_loop3A_311 = arith.addf %parallel_loop3A_307, %parallel_loop3A_309 : vector<16xf32>
        %parallel_loop3A_312 = arith.constant 0.000000e+00 : f32
        %parallel_loop3A_313 = vector.broadcast %parallel_loop3A_312 : f32 to vector<16xf32>
        %parallel_loop3A_314 = arith.maximumf %parallel_loop3A_311, %parallel_loop3A_313 : vector<16xf32>
        %parallel_loop3A_315 = arith.index_cast %parallel_loop3A_220 : i32 to index
        %parallel_loop3A_316 = arith.constant 96 : index
        %parallel_loop3A_317 = tpu.vector_load %arg13[%parallel_loop3A_315, %parallel_loop3A_316] {strides = array<i32>} : memref<80x128xf32, #tpu.memory_space<vmem>>, vector<16xf32>,
        tpu.vector_store %arg13[%parallel_loop3A_315, %parallel_loop3A_316], %parallel_loop3A_314 {strides = array<i32>} : memref<80x128xf32, #tpu.memory_space<vmem>>, vector<16xf32>,
        %parallel_loop3A_318 = arith.addf %parallel_loop3A_308, %parallel_loop3A_310 : vector<16xf32>
        %parallel_loop3A_319 = arith.constant 0.000000e+00 : f32
        %parallel_loop3A_320 = vector.broadcast %parallel_loop3A_319 : f32 to vector<16xf32>
        %parallel_loop3A_321 = arith.maximumf %parallel_loop3A_318, %parallel_loop3A_320 : vector<16xf32>
        %parallel_loop3A_322 = arith.index_cast %parallel_loop3A_220 : i32 to index
        %parallel_loop3A_323 = arith.constant 112 : index
        %parallel_loop3A_324 = tpu.vector_load %arg13[%parallel_loop3A_322, %parallel_loop3A_323] {strides = array<i32>} : memref<80x128xf32, #tpu.memory_space<vmem>>, vector<16xf32>,
        tpu.vector_store %arg13[%parallel_loop3A_322, %parallel_loop3A_323], %parallel_loop3A_321 {strides = array<i32>} : memref<80x128xf32, #tpu.memory_space<vmem>>, vector<16xf32>,
      } {sc.loop_unroll_factor = 4 : i64, sc.parallel_access}
      %eq3A_161 = arith.constant 0 : i32
      %eq3A_162 = arith.cmpi eq, %add3A, %eq3A_161 : i32
      %convert_element_type3A_163 = arith.extui %eq3A_162 : i1 to i32
      %cond3A_164 = arith.constant 0 : i32
      %cond3A_165 = arith.cmpi ne, %convert_element_type3A_163, %cond3A_164 : i32
      scf.if %cond3A_165 {
        %iota3A = tpu.iota {dimensions = array<i32: 0>} : vector<16xi32>
        %add3A_220 = arith.constant 0 : i32
        %add3A_221 = vector.broadcast %add3A_220 : i32 to vector<16xi32>
        %add3A_222 = arith.addi %iota3A, %add3A_221 : vector<16xi32>
        %mul3A_223 = arith.constant 80 : i32
        %mul3A_224 = arith.muli %mul3A_129, %mul3A_223 : i32
        %add3A_225 = arith.constant 0 : i32
        %add3A_226 = arith.addi %mul3A_224, %add3A_225 : i32
        %get3A = arith.index_cast %add3A_226 : i32 to index
        %get3A_227 = tpu.vector_load %arg10[%get3A] {strides = array<i32>} : memref<10016xf32, #tpu.memory_space<vmem>>, vector<16xf32>,
        %broadcast_in_dim3A = arith.constant 0 : i32
        %broadcast_in_dim3A_228 = vector.broadcast %broadcast_in_dim3A : i32 to vector<16xi32>
        tpu.vector_store_idx %arg13[%add3A_222, %broadcast_in_dim3A_228], %get3A_227 {add = true} : memref<80x128xf32, #tpu.memory_space<vmem>>[vector<16xi32>, vector<16xi32>], vector<16xf32>,
        %iota3A_229 = tpu.iota {dimensions = array<i32: 0>} : vector<16xi32>
        %add3A_230 = arith.constant 16 : i32
        %add3A_231 = vector.broadcast %add3A_230 : i32 to vector<16xi32>
        %add3A_232 = arith.addi %iota3A_229, %add3A_231 : vector<16xi32>
        %mul3A_233 = arith.constant 80 : i32
        %mul3A_234 = arith.muli %mul3A_129, %mul3A_233 : i32
        %add3A_235 = arith.constant 16 : i32
        %add3A_236 = arith.addi %mul3A_234, %add3A_235 : i32
        %get3A_237 = arith.index_cast %add3A_236 : i32 to index
        %get3A_238 = tpu.vector_load %arg10[%get3A_237] {strides = array<i32>} : memref<10016xf32, #tpu.memory_space<vmem>>, vector<16xf32>,
        %broadcast_in_dim3A_239 = arith.constant 0 : i32
        %broadcast_in_dim3A_240 = vector.broadcast %broadcast_in_dim3A_239 : i32 to vector<16xi32>
        tpu.vector_store_idx %arg13[%add3A_232, %broadcast_in_dim3A_240], %get3A_238 {add = true} : memref<80x128xf32, #tpu.memory_space<vmem>>[vector<16xi32>, vector<16xi32>], vector<16xf32>,
        %iota3A_241 = tpu.iota {dimensions = array<i32: 0>} : vector<16xi32>
        %add3A_242 = arith.constant 32 : i32
        %add3A_243 = vector.broadcast %add3A_242 : i32 to vector<16xi32>
        %add3A_244 = arith.addi %iota3A_241, %add3A_243 : vector<16xi32>
        %mul3A_245 = arith.constant 80 : i32
        %mul3A_246 = arith.muli %mul3A_129, %mul3A_245 : i32
        %add3A_247 = arith.constant 32 : i32
        %add3A_248 = arith.addi %mul3A_246, %add3A_247 : i32
        %get3A_249 = arith.index_cast %add3A_248 : i32 to index
        %get3A_250 = tpu.vector_load %arg10[%get3A_249] {strides = array<i32>} : memref<10016xf32, #tpu.memory_space<vmem>>, vector<16xf32>,
        %broadcast_in_dim3A_251 = arith.constant 0 : i32
        %broadcast_in_dim3A_252 = vector.broadcast %broadcast_in_dim3A_251 : i32 to vector<16xi32>
        tpu.vector_store_idx %arg13[%add3A_244, %broadcast_in_dim3A_252], %get3A_250 {add = true} : memref<80x128xf32, #tpu.memory_space<vmem>>[vector<16xi32>, vector<16xi32>], vector<16xf32>,
        %iota3A_253 = tpu.iota {dimensions = array<i32: 0>} : vector<16xi32>
        %add3A_254 = arith.constant 48 : i32
        %add3A_255 = vector.broadcast %add3A_254 : i32 to vector<16xi32>
        %add3A_256 = arith.addi %iota3A_253, %add3A_255 : vector<16xi32>
        %mul3A_257 = arith.constant 80 : i32
        %mul3A_258 = arith.muli %mul3A_129, %mul3A_257 : i32
        %add3A_259 = arith.constant 48 : i32
        %add3A_260 = arith.addi %mul3A_258, %add3A_259 : i32
        %get3A_261 = arith.index_cast %add3A_260 : i32 to index
        %get3A_262 = tpu.vector_load %arg10[%get3A_261] {strides = array<i32>} : memref<10016xf32, #tpu.memory_space<vmem>>, vector<16xf32>,
        %broadcast_in_dim3A_263 = arith.constant 0 : i32
        %broadcast_in_dim3A_264 = vector.broadcast %broadcast_in_dim3A_263 : i32 to vector<16xi32>
        tpu.vector_store_idx %arg13[%add3A_256, %broadcast_in_dim3A_264], %get3A_262 {add = true} : memref<80x128xf32, #tpu.memory_space<vmem>>[vector<16xi32>, vector<16xi32>], vector<16xf32>,
        %iota3A_265 = tpu.iota {dimensions = array<i32: 0>} : vector<16xi32>
        %add3A_266 = arith.constant 64 : i32
        %add3A_267 = vector.broadcast %add3A_266 : i32 to vector<16xi32>
        %add3A_268 = arith.addi %iota3A_265, %add3A_267 : vector<16xi32>
        %mul3A_269 = arith.constant 80 : i32
        %mul3A_270 = arith.muli %mul3A_129, %mul3A_269 : i32
        %add3A_271 = arith.constant 64 : i32
        %add3A_272 = arith.addi %mul3A_270, %add3A_271 : i32
        %get3A_273 = arith.index_cast %add3A_272 : i32 to index
        %get3A_274 = tpu.vector_load %arg10[%get3A_273] {strides = array<i32>} : memref<10016xf32, #tpu.memory_space<vmem>>, vector<16xf32>,
        %broadcast_in_dim3A_275 = arith.constant 0 : i32
        %broadcast_in_dim3A_276 = vector.broadcast %broadcast_in_dim3A_275 : i32 to vector<16xi32>
        tpu.vector_store_idx %arg13[%add3A_268, %broadcast_in_dim3A_276], %get3A_274 {add = true} : memref<80x128xf32, #tpu.memory_space<vmem>>[vector<16xi32>, vector<16xi32>], vector<16xf32>,
      } else {
      }
      %mul3A_166 = arith.constant 80 : i32
      %mul3A_167 = arith.muli %mul3A_129, %mul3A_166 : i32
      %add3A_168 = arith.addi %mul3A_2, %mul3A_167 : i32
      %dma_start3A_169 = arith.constant 0 : i32
      %dma_start3A_170 = tpu.memref_slice %arg7[%add3A_168, %dma_start3A_169] : memref<320000x128xf32, #tpu.memory_space<hbm>> -> memref<80x128xf32, #tpu.memory_space<hbm>>
      %dma_start3A_171 = arith.constant 0 : i32
      %dma_start3A_172 = tpu.memref_slice %arg7[%add3A_168, %dma_start3A_171] : memref<320000x128xf32, #tpu.memory_space<hbm>> -> memref<80x128xf32, #tpu.memory_space<hbm>>
      tpu.enqueue_dma source(%arg13 : memref<80x128xf32, #tpu.memory_space<vmem>>) target(%dma_start3A_172 : memref<80x128xf32, #tpu.memory_space<hbm>>) target_semaphore(%arg19 : memref<!tpu.dma_semaphore, #tpu.memory_space<semaphore_mem>>)
      %mul3A_173 = arith.constant 2 : i32
      %mul3A_174 = arith.muli %mul3A_173, %scan3A_127 : i32
      %add3A_175 = arith.constant 1 : i32
      %add3A_176 = arith.addi %mul3A_174, %add3A_175 : i32
      %add3A_177 = arith.constant 1 : i32
      %add3A_178 = arith.addi %add3A_176, %add3A_177 : i32
      %mul3A_179 = arith.constant 80 : i32
      %mul3A_180 = arith.muli %add3A_178, %mul3A_179 : i32
      %dma_start3A_181 = tpu.memref_slice %arg8[%mul3A_180] : memref<10000xi32, #tpu.memory_space<vmem>> -> memref<80xi32, #tpu.memory_space<vmem>>
      %dma_start3A_182 = arith.constant 0 : i32
      %dma_start3A_183 = arith.constant 0 : i32
      %dma_start3A_184 = tpu.memref_slice %arg2[%dma_start3A_182, %dma_start3A_183] : memref<10000x64xi32, #tpu.memory_space<hbm>> -> memref<10000x64xi32, #tpu.memory_space<hbm>>
      tpu.enqueue_indirect_dma source(%dma_start3A_184 : memref<10000x64xi32, #tpu.memory_space<hbm>>) target(%arg11 : memref<80x64xi32, #tpu.memory_space<vmem>>) offsets(%dma_start3A_181 : memref<80xi32, #tpu.memory_space<vmem>>) semaphore(%arg17 : memref<!tpu.dma_semaphore, #tpu.memory_space<semaphore_mem>>)
      %dma_start3A_185 = tpu.memref_slice %arg9[%mul3A_180] : memref<10000xi32, #tpu.memory_space<vmem>> -> memref<80xi32, #tpu.memory_space<vmem>>
      %dma_start3A_186 = arith.constant 0 : i32
      %dma_start3A_187 = arith.constant 0 : i32
      %dma_start3A_188 = tpu.memref_slice %arg3[%dma_start3A_186, %dma_start3A_187] : memref<10000x64xi32, #tpu.memory_space<hbm>> -> memref<10000x64xi32, #tpu.memory_space<hbm>>
      tpu.enqueue_indirect_dma source(%dma_start3A_188 : memref<10000x64xi32, #tpu.memory_space<hbm>>) target(%arg12 : memref<80x64xi32, #tpu.memory_space<vmem>>) offsets(%dma_start3A_185 : memref<80xi32, #tpu.memory_space<vmem>>) semaphore(%arg17 : memref<!tpu.dma_semaphore, #tpu.memory_space<semaphore_mem>>)
      %mul3A_189 = arith.constant 80 : i32
      %mul3A_190 = arith.muli %add3A_176, %mul3A_189 : i32
      %dma_wait3A_191 = tpu.memref_slice %arg8[%mul3A_190] : memref<10000xi32, #tpu.memory_space<vmem>> -> memref<80xi32, #tpu.memory_space<vmem>>
      %dma_wait3A_192 = arith.constant 0 : i32
      %dma_wait3A_193 = arith.constant 0 : i32
      %dma_wait3A_194 = tpu.memref_slice %arg2[%dma_wait3A_192, %dma_wait3A_193] : memref<10000x64xi32, #tpu.memory_space<hbm>> -> memref<10000x64xi32, #tpu.memory_space<hbm>>
      tpu.wait_indirect_dma semaphore(%arg18 : memref<!tpu.dma_semaphore, #tpu.memory_space<semaphore_mem>>) src(%dma_wait3A_194 : memref<10000x64xi32, #tpu.memory_space<hbm>>) dst(%arg14 : memref<80x64xi32, #tpu.memory_space<vmem>>)
      %dma_wait3A_195 = tpu.memref_slice %arg9[%mul3A_190] : memref<10000xi32, #tpu.memory_space<vmem>> -> memref<80xi32, #tpu.memory_space<vmem>>
      %dma_wait3A_196 = arith.constant 0 : i32
      %dma_wait3A_197 = arith.constant 0 : i32
      %dma_wait3A_198 = tpu.memref_slice %arg3[%dma_wait3A_196, %dma_wait3A_197] : memref<10000x64xi32, #tpu.memory_space<hbm>> -> memref<10000x64xi32, #tpu.memory_space<hbm>>
      tpu.wait_indirect_dma semaphore(%arg18 : memref<!tpu.dma_semaphore, #tpu.memory_space<semaphore_mem>>) src(%dma_wait3A_198 : memref<10000x64xi32, #tpu.memory_space<hbm>>) dst(%arg15 : memref<80x64xi32, #tpu.memory_space<vmem>>)
      %dma_wait3A_199 = arith.constant 0 : i32
      %dma_wait3A_200 = arith.constant 0 : i32
      %dma_wait3A_201 = tpu.memref_slice %arg7[%dma_wait3A_199, %dma_wait3A_200] : memref<320000x128xf32, #tpu.memory_space<hbm>> -> memref<80x128xf32, #tpu.memory_space<hbm>>
      %dma_wait3A_202 = arith.constant 0 : i32
      %dma_wait3A_203 = arith.constant 0 : i32
      %dma_wait3A_204 = tpu.memref_slice %arg7[%dma_wait3A_202, %dma_wait3A_203] : memref<320000x128xf32, #tpu.memory_space<hbm>> -> memref<80x128xf32, #tpu.memory_space<hbm>>
      tpu.wait_dma2 semaphore(%arg20 : memref<!tpu.dma_semaphore, #tpu.memory_space<semaphore_mem>>) src(%arg16 : memref<80x128xf32, #tpu.memory_space<vmem>>) dst(%dma_wait3A_204 : memref<80x128xf32, #tpu.memory_space<hbm>>)
      %parallel_loop3A_205 = arith.constant 0 : i32
      %parallel_loop3A_206 = arith.constant 80 : i32
      %parallel_loop3A_207 = arith.constant 1 : i32
      scf.for %parallel_loop3A_220 = %parallel_loop3A_205 to %parallel_loop3A_206 step %parallel_loop3A_207  : i32 {
        %parallel_loop3A_221 = arith.index_cast %parallel_loop3A_220 : i32 to index
        %parallel_loop3A_222 = arith.constant 0 : index
        %parallel_loop3A_223 = tpu.vector_load %arg14[%parallel_loop3A_221, %parallel_loop3A_222] {strides = array<i32>} : memref<80x64xi32, #tpu.memory_space<vmem>>, vector<16xi32>,
        %parallel_loop3A_224 = vector.bitcast %parallel_loop3A_223 : vector<16xi32> to vector<32xbf16>
        %parallel_loop3A_225 = arith.index_cast %parallel_loop3A_220 : i32 to index
        %parallel_loop3A_226 = arith.constant 0 : index
        %parallel_loop3A_227 = tpu.vector_load %arg15[%parallel_loop3A_225, %parallel_loop3A_226] {strides = array<i32>} : memref<80x64xi32, #tpu.memory_space<vmem>>, vector<16xi32>,
        %parallel_loop3A_228 = vector.bitcast %parallel_loop3A_227 : vector<16xi32> to vector<32xbf16>
        %parallel_loop3A_229 = tpu.unpack_subelements %parallel_loop3A_224, 0 {pack_format = #tpu.pack_format<interleaved>} : vector<32xbf16> -> vector<16xf32>
        %parallel_loop3A_230 = tpu.unpack_subelements %parallel_loop3A_224, 1 {pack_format = #tpu.pack_format<interleaved>} : vector<32xbf16> -> vector<16xf32>
        %parallel_loop3A_231 = tpu.unpack_subelements %parallel_loop3A_228, 0 {pack_format = #tpu.pack_format<interleaved>} : vector<32xbf16> -> vector<16xf32>
        %parallel_loop3A_232 = tpu.unpack_subelements %parallel_loop3A_228, 1 {pack_format = #tpu.pack_format<interleaved>} : vector<32xbf16> -> vector<16xf32>
        %parallel_loop3A_233 = arith.addf %parallel_loop3A_229, %parallel_loop3A_231 : vector<16xf32>
        %parallel_loop3A_234 = arith.constant 0.000000e+00 : f32
        %parallel_loop3A_235 = vector.broadcast %parallel_loop3A_234 : f32 to vector<16xf32>
        %parallel_loop3A_236 = arith.maximumf %parallel_loop3A_233, %parallel_loop3A_235 : vector<16xf32>
        %parallel_loop3A_237 = arith.index_cast %parallel_loop3A_220 : i32 to index
        %parallel_loop3A_238 = arith.constant 0 : index
        %parallel_loop3A_239 = tpu.vector_load %arg16[%parallel_loop3A_237, %parallel_loop3A_238] {strides = array<i32>} : memref<80x128xf32, #tpu.memory_space<vmem>>, vector<16xf32>,
        tpu.vector_store %arg16[%parallel_loop3A_237, %parallel_loop3A_238], %parallel_loop3A_236 {strides = array<i32>} : memref<80x128xf32, #tpu.memory_space<vmem>>, vector<16xf32>,
        %parallel_loop3A_240 = arith.addf %parallel_loop3A_230, %parallel_loop3A_232 : vector<16xf32>
        %parallel_loop3A_241 = arith.constant 0.000000e+00 : f32
        %parallel_loop3A_242 = vector.broadcast %parallel_loop3A_241 : f32 to vector<16xf32>
        %parallel_loop3A_243 = arith.maximumf %parallel_loop3A_240, %parallel_loop3A_242 : vector<16xf32>
        %parallel_loop3A_244 = arith.index_cast %parallel_loop3A_220 : i32 to index
        %parallel_loop3A_245 = arith.constant 16 : index
        %parallel_loop3A_246 = tpu.vector_load %arg16[%parallel_loop3A_244, %parallel_loop3A_245] {strides = array<i32>} : memref<80x128xf32, #tpu.memory_space<vmem>>, vector<16xf32>,
        tpu.vector_store %arg16[%parallel_loop3A_244, %parallel_loop3A_245], %parallel_loop3A_243 {strides = array<i32>} : memref<80x128xf32, #tpu.memory_space<vmem>>, vector<16xf32>,
        %parallel_loop3A_247 = arith.index_cast %parallel_loop3A_220 : i32 to index
        %parallel_loop3A_248 = arith.constant 16 : index
        %parallel_loop3A_249 = tpu.vector_load %arg14[%parallel_loop3A_247, %parallel_loop3A_248] {strides = array<i32>} : memref<80x64xi32, #tpu.memory_space<vmem>>, vector<16xi32>,
        %parallel_loop3A_250 = vector.bitcast %parallel_loop3A_249 : vector<16xi32> to vector<32xbf16>
        %parallel_loop3A_251 = arith.index_cast %parallel_loop3A_220 : i32 to index
        %parallel_loop3A_252 = arith.constant 16 : index
        %parallel_loop3A_253 = tpu.vector_load %arg15[%parallel_loop3A_251, %parallel_loop3A_252] {strides = array<i32>} : memref<80x64xi32, #tpu.memory_space<vmem>>, vector<16xi32>,
        %parallel_loop3A_254 = vector.bitcast %parallel_loop3A_253 : vector<16xi32> to vector<32xbf16>
        %parallel_loop3A_255 = tpu.unpack_subelements %parallel_loop3A_250, 0 {pack_format = #tpu.pack_format<interleaved>} : vector<32xbf16> -> vector<16xf32>
        %parallel_loop3A_256 = tpu.unpack_subelements %parallel_loop3A_250, 1 {pack_format = #tpu.pack_format<interleaved>} : vector<32xbf16> -> vector<16xf32>
        %parallel_loop3A_257 = tpu.unpack_subelements %parallel_loop3A_254, 0 {pack_format = #tpu.pack_format<interleaved>} : vector<32xbf16> -> vector<16xf32>
        %parallel_loop3A_258 = tpu.unpack_subelements %parallel_loop3A_254, 1 {pack_format = #tpu.pack_format<interleaved>} : vector<32xbf16> -> vector<16xf32>
        %parallel_loop3A_259 = arith.addf %parallel_loop3A_255, %parallel_loop3A_257 : vector<16xf32>
        %parallel_loop3A_260 = arith.constant 0.000000e+00 : f32
        %parallel_loop3A_261 = vector.broadcast %parallel_loop3A_260 : f32 to vector<16xf32>
        %parallel_loop3A_262 = arith.maximumf %parallel_loop3A_259, %parallel_loop3A_261 : vector<16xf32>
        %parallel_loop3A_263 = arith.index_cast %parallel_loop3A_220 : i32 to index
        %parallel_loop3A_264 = arith.constant 32 : index
        %parallel_loop3A_265 = tpu.vector_load %arg16[%parallel_loop3A_263, %parallel_loop3A_264] {strides = array<i32>} : memref<80x128xf32, #tpu.memory_space<vmem>>, vector<16xf32>,
        tpu.vector_store %arg16[%parallel_loop3A_263, %parallel_loop3A_264], %parallel_loop3A_262 {strides = array<i32>} : memref<80x128xf32, #tpu.memory_space<vmem>>, vector<16xf32>,
        %parallel_loop3A_266 = arith.addf %parallel_loop3A_256, %parallel_loop3A_258 : vector<16xf32>
        %parallel_loop3A_267 = arith.constant 0.000000e+00 : f32
        %parallel_loop3A_268 = vector.broadcast %parallel_loop3A_267 : f32 to vector<16xf32>
        %parallel_loop3A_269 = arith.maximumf %parallel_loop3A_266, %parallel_loop3A_268 : vector<16xf32>
        %parallel_loop3A_270 = arith.index_cast %parallel_loop3A_220 : i32 to index
        %parallel_loop3A_271 = arith.constant 48 : index
        %parallel_loop3A_272 = tpu.vector_load %arg16[%parallel_loop3A_270, %parallel_loop3A_271] {strides = array<i32>} : memref<80x128xf32, #tpu.memory_space<vmem>>, vector<16xf32>,
        tpu.vector_store %arg16[%parallel_loop3A_270, %parallel_loop3A_271], %parallel_loop3A_269 {strides = array<i32>} : memref<80x128xf32, #tpu.memory_space<vmem>>, vector<16xf32>,
        %parallel_loop3A_273 = arith.index_cast %parallel_loop3A_220 : i32 to index
        %parallel_loop3A_274 = arith.constant 32 : index
        %parallel_loop3A_275 = tpu.vector_load %arg14[%parallel_loop3A_273, %parallel_loop3A_274] {strides = array<i32>} : memref<80x64xi32, #tpu.memory_space<vmem>>, vector<16xi32>,
        %parallel_loop3A_276 = vector.bitcast %parallel_loop3A_275 : vector<16xi32> to vector<32xbf16>
        %parallel_loop3A_277 = arith.index_cast %parallel_loop3A_220 : i32 to index
        %parallel_loop3A_278 = arith.constant 32 : index
        %parallel_loop3A_279 = tpu.vector_load %arg15[%parallel_loop3A_277, %parallel_loop3A_278] {strides = array<i32>} : memref<80x64xi32, #tpu.memory_space<vmem>>, vector<16xi32>,
        %parallel_loop3A_280 = vector.bitcast %parallel_loop3A_279 : vector<16xi32> to vector<32xbf16>
        %parallel_loop3A_281 = tpu.unpack_subelements %parallel_loop3A_276, 0 {pack_format = #tpu.pack_format<interleaved>} : vector<32xbf16> -> vector<16xf32>
        %parallel_loop3A_282 = tpu.unpack_subelements %parallel_loop3A_276, 1 {pack_format = #tpu.pack_format<interleaved>} : vector<32xbf16> -> vector<16xf32>
        %parallel_loop3A_283 = tpu.unpack_subelements %parallel_loop3A_280, 0 {pack_format = #tpu.pack_format<interleaved>} : vector<32xbf16> -> vector<16xf32>
        %parallel_loop3A_284 = tpu.unpack_subelements %parallel_loop3A_280, 1 {pack_format = #tpu.pack_format<interleaved>} : vector<32xbf16> -> vector<16xf32>
        %parallel_loop3A_285 = arith.addf %parallel_loop3A_281, %parallel_loop3A_283 : vector<16xf32>
        %parallel_loop3A_286 = arith.constant 0.000000e+00 : f32
        %parallel_loop3A_287 = vector.broadcast %parallel_loop3A_286 : f32 to vector<16xf32>
        %parallel_loop3A_288 = arith.maximumf %parallel_loop3A_285, %parallel_loop3A_287 : vector<16xf32>
        %parallel_loop3A_289 = arith.index_cast %parallel_loop3A_220 : i32 to index
        %parallel_loop3A_290 = arith.constant 64 : index
        %parallel_loop3A_291 = tpu.vector_load %arg16[%parallel_loop3A_289, %parallel_loop3A_290] {strides = array<i32>} : memref<80x128xf32, #tpu.memory_space<vmem>>, vector<16xf32>,
        tpu.vector_store %arg16[%parallel_loop3A_289, %parallel_loop3A_290], %parallel_loop3A_288 {strides = array<i32>} : memref<80x128xf32, #tpu.memory_space<vmem>>, vector<16xf32>,
        %parallel_loop3A_292 = arith.addf %parallel_loop3A_282, %parallel_loop3A_284 : vector<16xf32>
        %parallel_loop3A_293 = arith.constant 0.000000e+00 : f32
        %parallel_loop3A_294 = vector.broadcast %parallel_loop3A_293 : f32 to vector<16xf32>
        %parallel_loop3A_295 = arith.maximumf %parallel_loop3A_292, %parallel_loop3A_294 : vector<16xf32>
        %parallel_loop3A_296 = arith.index_cast %parallel_loop3A_220 : i32 to index
        %parallel_loop3A_297 = arith.constant 80 : index
        %parallel_loop3A_298 = tpu.vector_load %arg16[%parallel_loop3A_296, %parallel_loop3A_297] {strides = array<i32>} : memref<80x128xf32, #tpu.memory_space<vmem>>, vector<16xf32>,
        tpu.vector_store %arg16[%parallel_loop3A_296, %parallel_loop3A_297], %parallel_loop3A_295 {strides = array<i32>} : memref<80x128xf32, #tpu.memory_space<vmem>>, vector<16xf32>,
        %parallel_loop3A_299 = arith.index_cast %parallel_loop3A_220 : i32 to index
        %parallel_loop3A_300 = arith.constant 48 : index
        %parallel_loop3A_301 = tpu.vector_load %arg14[%parallel_loop3A_299, %parallel_loop3A_300] {strides = array<i32>} : memref<80x64xi32, #tpu.memory_space<vmem>>, vector<16xi32>,
        %parallel_loop3A_302 = vector.bitcast %parallel_loop3A_301 : vector<16xi32> to vector<32xbf16>
        %parallel_loop3A_303 = arith.index_cast %parallel_loop3A_220 : i32 to index
        %parallel_loop3A_304 = arith.constant 48 : index
        %parallel_loop3A_305 = tpu.vector_load %arg15[%parallel_loop3A_303, %parallel_loop3A_304] {strides = array<i32>} : memref<80x64xi32, #tpu.memory_space<vmem>>, vector<16xi32>,
        %parallel_loop3A_306 = vector.bitcast %parallel_loop3A_305 : vector<16xi32> to vector<32xbf16>
        %parallel_loop3A_307 = tpu.unpack_subelements %parallel_loop3A_302, 0 {pack_format = #tpu.pack_format<interleaved>} : vector<32xbf16> -> vector<16xf32>
        %parallel_loop3A_308 = tpu.unpack_subelements %parallel_loop3A_302, 1 {pack_format = #tpu.pack_format<interleaved>} : vector<32xbf16> -> vector<16xf32>
        %parallel_loop3A_309 = tpu.unpack_subelements %parallel_loop3A_306, 0 {pack_format = #tpu.pack_format<interleaved>} : vector<32xbf16> -> vector<16xf32>
        %parallel_loop3A_310 = tpu.unpack_subelements %parallel_loop3A_306, 1 {pack_format = #tpu.pack_format<interleaved>} : vector<32xbf16> -> vector<16xf32>
        %parallel_loop3A_311 = arith.addf %parallel_loop3A_307, %parallel_loop3A_309 : vector<16xf32>
        %parallel_loop3A_312 = arith.constant 0.000000e+00 : f32
        %parallel_loop3A_313 = vector.broadcast %parallel_loop3A_312 : f32 to vector<16xf32>
        %parallel_loop3A_314 = arith.maximumf %parallel_loop3A_311, %parallel_loop3A_313 : vector<16xf32>
        %parallel_loop3A_315 = arith.index_cast %parallel_loop3A_220 : i32 to index
        %parallel_loop3A_316 = arith.constant 96 : index
        %parallel_loop3A_317 = tpu.vector_load %arg16[%parallel_loop3A_315, %parallel_loop3A_316] {strides = array<i32>} : memref<80x128xf32, #tpu.memory_space<vmem>>, vector<16xf32>,
        tpu.vector_store %arg16[%parallel_loop3A_315, %parallel_loop3A_316], %parallel_loop3A_314 {strides = array<i32>} : memref<80x128xf32, #tpu.memory_space<vmem>>, vector<16xf32>,
        %parallel_loop3A_318 = arith.addf %parallel_loop3A_308, %parallel_loop3A_310 : vector<16xf32>
        %parallel_loop3A_319 = arith.constant 0.000000e+00 : f32
        %parallel_loop3A_320 = vector.broadcast %parallel_loop3A_319 : f32 to vector<16xf32>
        %parallel_loop3A_321 = arith.maximumf %parallel_loop3A_318, %parallel_loop3A_320 : vector<16xf32>
        %parallel_loop3A_322 = arith.index_cast %parallel_loop3A_220 : i32 to index
        %parallel_loop3A_323 = arith.constant 112 : index
        %parallel_loop3A_324 = tpu.vector_load %arg16[%parallel_loop3A_322, %parallel_loop3A_323] {strides = array<i32>} : memref<80x128xf32, #tpu.memory_space<vmem>>, vector<16xf32>,
        tpu.vector_store %arg16[%parallel_loop3A_322, %parallel_loop3A_323], %parallel_loop3A_321 {strides = array<i32>} : memref<80x128xf32, #tpu.memory_space<vmem>>, vector<16xf32>,
      } {sc.loop_unroll_factor = 4 : i64, sc.parallel_access}
      %eq3A_208 = arith.constant 0 : i32
      %eq3A_209 = arith.cmpi eq, %add3A, %eq3A_208 : i32
      %convert_element_type3A_210 = arith.extui %eq3A_209 : i1 to i32
      %cond3A_211 = arith.constant 0 : i32
      %cond3A_212 = arith.cmpi ne, %convert_element_type3A_210, %cond3A_211 : i32
      scf.if %cond3A_212 {
        %iota3A = tpu.iota {dimensions = array<i32: 0>} : vector<16xi32>
        %add3A_220 = arith.constant 0 : i32
        %add3A_221 = vector.broadcast %add3A_220 : i32 to vector<16xi32>
        %add3A_222 = arith.addi %iota3A, %add3A_221 : vector<16xi32>
        %mul3A_223 = arith.constant 80 : i32
        %mul3A_224 = arith.muli %add3A_176, %mul3A_223 : i32
        %add3A_225 = arith.constant 0 : i32
        %add3A_226 = arith.addi %mul3A_224, %add3A_225 : i32
        %get3A = arith.index_cast %add3A_226 : i32 to index
        %get3A_227 = tpu.vector_load %arg10[%get3A] {strides = array<i32>} : memref<10016xf32, #tpu.memory_space<vmem>>, vector<16xf32>,
        %broadcast_in_dim3A = arith.constant 0 : i32
        %broadcast_in_dim3A_228 = vector.broadcast %broadcast_in_dim3A : i32 to vector<16xi32>
        tpu.vector_store_idx %arg16[%add3A_222, %broadcast_in_dim3A_228], %get3A_227 {add = true} : memref<80x128xf32, #tpu.memory_space<vmem>>[vector<16xi32>, vector<16xi32>], vector<16xf32>,
        %iota3A_229 = tpu.iota {dimensions = array<i32: 0>} : vector<16xi32>
        %add3A_230 = arith.constant 16 : i32
        %add3A_231 = vector.broadcast %add3A_230 : i32 to vector<16xi32>
        %add3A_232 = arith.addi %iota3A_229, %add3A_231 : vector<16xi32>
        %mul3A_233 = arith.constant 80 : i32
        %mul3A_234 = arith.muli %add3A_176, %mul3A_233 : i32
        %add3A_235 = arith.constant 16 : i32
        %add3A_236 = arith.addi %mul3A_234, %add3A_235 : i32
        %get3A_237 = arith.index_cast %add3A_236 : i32 to index
        %get3A_238 = tpu.vector_load %arg10[%get3A_237] {strides = array<i32>} : memref<10016xf32, #tpu.memory_space<vmem>>, vector<16xf32>,
        %broadcast_in_dim3A_239 = arith.constant 0 : i32
        %broadcast_in_dim3A_240 = vector.broadcast %broadcast_in_dim3A_239 : i32 to vector<16xi32>
        tpu.vector_store_idx %arg16[%add3A_232, %broadcast_in_dim3A_240], %get3A_238 {add = true} : memref<80x128xf32, #tpu.memory_space<vmem>>[vector<16xi32>, vector<16xi32>], vector<16xf32>,
        %iota3A_241 = tpu.iota {dimensions = array<i32: 0>} : vector<16xi32>
        %add3A_242 = arith.constant 32 : i32
        %add3A_243 = vector.broadcast %add3A_242 : i32 to vector<16xi32>
        %add3A_244 = arith.addi %iota3A_241, %add3A_243 : vector<16xi32>
        %mul3A_245 = arith.constant 80 : i32
        %mul3A_246 = arith.muli %add3A_176, %mul3A_245 : i32
        %add3A_247 = arith.constant 32 : i32
        %add3A_248 = arith.addi %mul3A_246, %add3A_247 : i32
        %get3A_249 = arith.index_cast %add3A_248 : i32 to index
        %get3A_250 = tpu.vector_load %arg10[%get3A_249] {strides = array<i32>} : memref<10016xf32, #tpu.memory_space<vmem>>, vector<16xf32>,
        %broadcast_in_dim3A_251 = arith.constant 0 : i32
        %broadcast_in_dim3A_252 = vector.broadcast %broadcast_in_dim3A_251 : i32 to vector<16xi32>
        tpu.vector_store_idx %arg16[%add3A_244, %broadcast_in_dim3A_252], %get3A_250 {add = true} : memref<80x128xf32, #tpu.memory_space<vmem>>[vector<16xi32>, vector<16xi32>], vector<16xf32>,
        %iota3A_253 = tpu.iota {dimensions = array<i32: 0>} : vector<16xi32>
        %add3A_254 = arith.constant 48 : i32
        %add3A_255 = vector.broadcast %add3A_254 : i32 to vector<16xi32>
        %add3A_256 = arith.addi %iota3A_253, %add3A_255 : vector<16xi32>
        %mul3A_257 = arith.constant 80 : i32
        %mul3A_258 = arith.muli %add3A_176, %mul3A_257 : i32
        %add3A_259 = arith.constant 48 : i32
        %add3A_260 = arith.addi %mul3A_258, %add3A_259 : i32
        %get3A_261 = arith.index_cast %add3A_260 : i32 to index
        %get3A_262 = tpu.vector_load %arg10[%get3A_261] {strides = array<i32>} : memref<10016xf32, #tpu.memory_space<vmem>>, vector<16xf32>,
        %broadcast_in_dim3A_263 = arith.constant 0 : i32
        %broadcast_in_dim3A_264 = vector.broadcast %broadcast_in_dim3A_263 : i32 to vector<16xi32>
        tpu.vector_store_idx %arg16[%add3A_256, %broadcast_in_dim3A_264], %get3A_262 {add = true} : memref<80x128xf32, #tpu.memory_space<vmem>>[vector<16xi32>, vector<16xi32>], vector<16xf32>,
        %iota3A_265 = tpu.iota {dimensions = array<i32: 0>} : vector<16xi32>
        %add3A_266 = arith.constant 64 : i32
        %add3A_267 = vector.broadcast %add3A_266 : i32 to vector<16xi32>
        %add3A_268 = arith.addi %iota3A_265, %add3A_267 : vector<16xi32>
        %mul3A_269 = arith.constant 80 : i32
        %mul3A_270 = arith.muli %add3A_176, %mul3A_269 : i32
        %add3A_271 = arith.constant 64 : i32
        %add3A_272 = arith.addi %mul3A_270, %add3A_271 : i32
        %get3A_273 = arith.index_cast %add3A_272 : i32 to index
        %get3A_274 = tpu.vector_load %arg10[%get3A_273] {strides = array<i32>} : memref<10016xf32, #tpu.memory_space<vmem>>, vector<16xf32>,
        %broadcast_in_dim3A_275 = arith.constant 0 : i32
        %broadcast_in_dim3A_276 = vector.broadcast %broadcast_in_dim3A_275 : i32 to vector<16xi32>
        tpu.vector_store_idx %arg16[%add3A_268, %broadcast_in_dim3A_276], %get3A_274 {add = true} : memref<80x128xf32, #tpu.memory_space<vmem>>[vector<16xi32>, vector<16xi32>], vector<16xf32>,
      } else {
      }
      %mul3A_213 = arith.constant 80 : i32
      %mul3A_214 = arith.muli %add3A_176, %mul3A_213 : i32
      %add3A_215 = arith.addi %mul3A_2, %mul3A_214 : i32
      %dma_start3A_216 = arith.constant 0 : i32
      %dma_start3A_217 = tpu.memref_slice %arg7[%add3A_215, %dma_start3A_216] : memref<320000x128xf32, #tpu.memory_space<hbm>> -> memref<80x128xf32, #tpu.memory_space<hbm>>
      %dma_start3A_218 = arith.constant 0 : i32
      %dma_start3A_219 = tpu.memref_slice %arg7[%add3A_215, %dma_start3A_218] : memref<320000x128xf32, #tpu.memory_space<hbm>> -> memref<80x128xf32, #tpu.memory_space<hbm>>
      tpu.enqueue_dma source(%arg16 : memref<80x128xf32, #tpu.memory_space<vmem>>) target(%dma_start3A_219 : memref<80x128xf32, #tpu.memory_space<hbm>>) target_semaphore(%arg20 : memref<!tpu.dma_semaphore, #tpu.memory_space<semaphore_mem>>)
    }
    %scan3A_84 = arith.constant 61 : i32
    %dma_wait3A_85 = arith.constant 9920 : i32
    %dma_wait3A_86 = tpu.memref_slice %arg8[%dma_wait3A_85] : memref<10000xi32, #tpu.memory_space<vmem>> -> memref<80xi32, #tpu.memory_space<vmem>>
    %dma_wait3A_87 = arith.constant 0 : i32
    %dma_wait3A_88 = arith.constant 0 : i32
    %dma_wait3A_89 = tpu.memref_slice %arg2[%dma_wait3A_87, %dma_wait3A_88] : memref<10000x64xi32, #tpu.memory_space<hbm>> -> memref<10000x64xi32, #tpu.memory_space<hbm>>
    tpu.wait_indirect_dma semaphore(%arg17 : memref<!tpu.dma_semaphore, #tpu.memory_space<semaphore_mem>>) src(%dma_wait3A_89 : memref<10000x64xi32, #tpu.memory_space<hbm>>) dst(%arg11 : memref<80x64xi32, #tpu.memory_space<vmem>>)
    %dma_wait3A_90 = arith.constant 9920 : i32
    %dma_wait3A_91 = tpu.memref_slice %arg9[%dma_wait3A_90] : memref<10000xi32, #tpu.memory_space<vmem>> -> memref<80xi32, #tpu.memory_space<vmem>>
    %dma_wait3A_92 = arith.constant 0 : i32
    %dma_wait3A_93 = arith.constant 0 : i32
    %dma_wait3A_94 = tpu.memref_slice %arg3[%dma_wait3A_92, %dma_wait3A_93] : memref<10000x64xi32, #tpu.memory_space<hbm>> -> memref<10000x64xi32, #tpu.memory_space<hbm>>
    tpu.wait_indirect_dma semaphore(%arg17 : memref<!tpu.dma_semaphore, #tpu.memory_space<semaphore_mem>>) src(%dma_wait3A_94 : memref<10000x64xi32, #tpu.memory_space<hbm>>) dst(%arg12 : memref<80x64xi32, #tpu.memory_space<vmem>>)
    %dma_wait3A_95 = arith.constant 0 : i32
    %dma_wait3A_96 = arith.constant 0 : i32
    %dma_wait3A_97 = tpu.memref_slice %arg7[%dma_wait3A_95, %dma_wait3A_96] : memref<320000x128xf32, #tpu.memory_space<hbm>> -> memref<80x128xf32, #tpu.memory_space<hbm>>
    %dma_wait3A_98 = arith.constant 0 : i32
    %dma_wait3A_99 = arith.constant 0 : i32
    %dma_wait3A_100 = tpu.memref_slice %arg7[%dma_wait3A_98, %dma_wait3A_99] : memref<320000x128xf32, #tpu.memory_space<hbm>> -> memref<80x128xf32, #tpu.memory_space<hbm>>
    tpu.wait_dma2 semaphore(%arg19 : memref<!tpu.dma_semaphore, #tpu.memory_space<semaphore_mem>>) src(%arg13 : memref<80x128xf32, #tpu.memory_space<vmem>>) dst(%dma_wait3A_100 : memref<80x128xf32, #tpu.memory_space<hbm>>)
    %parallel_loop3A_101 = arith.constant 0 : i32
    %parallel_loop3A_102 = arith.constant 80 : i32
    %parallel_loop3A_103 = arith.constant 1 : i32
    scf.for %parallel_loop3A_127 = %parallel_loop3A_101 to %parallel_loop3A_102 step %parallel_loop3A_103  : i32 {
      %parallel_loop3A_128 = arith.index_cast %parallel_loop3A_127 : i32 to index
      %parallel_loop3A_129 = arith.constant 0 : index
      %parallel_loop3A_130 = tpu.vector_load %arg11[%parallel_loop3A_128, %parallel_loop3A_129] {strides = array<i32>} : memref<80x64xi32, #tpu.memory_space<vmem>>, vector<16xi32>,
      %parallel_loop3A_131 = vector.bitcast %parallel_loop3A_130 : vector<16xi32> to vector<32xbf16>
      %parallel_loop3A_132 = arith.index_cast %parallel_loop3A_127 : i32 to index
      %parallel_loop3A_133 = arith.constant 0 : index
      %parallel_loop3A_134 = tpu.vector_load %arg12[%parallel_loop3A_132, %parallel_loop3A_133] {strides = array<i32>} : memref<80x64xi32, #tpu.memory_space<vmem>>, vector<16xi32>,
      %parallel_loop3A_135 = vector.bitcast %parallel_loop3A_134 : vector<16xi32> to vector<32xbf16>
      %parallel_loop3A_136 = tpu.unpack_subelements %parallel_loop3A_131, 0 {pack_format = #tpu.pack_format<interleaved>} : vector<32xbf16> -> vector<16xf32>
      %parallel_loop3A_137 = tpu.unpack_subelements %parallel_loop3A_131, 1 {pack_format = #tpu.pack_format<interleaved>} : vector<32xbf16> -> vector<16xf32>
      %parallel_loop3A_138 = tpu.unpack_subelements %parallel_loop3A_135, 0 {pack_format = #tpu.pack_format<interleaved>} : vector<32xbf16> -> vector<16xf32>
      %parallel_loop3A_139 = tpu.unpack_subelements %parallel_loop3A_135, 1 {pack_format = #tpu.pack_format<interleaved>} : vector<32xbf16> -> vector<16xf32>
      %parallel_loop3A_140 = arith.addf %parallel_loop3A_136, %parallel_loop3A_138 : vector<16xf32>
      %parallel_loop3A_141 = arith.constant 0.000000e+00 : f32
      %parallel_loop3A_142 = vector.broadcast %parallel_loop3A_141 : f32 to vector<16xf32>
      %parallel_loop3A_143 = arith.maximumf %parallel_loop3A_140, %parallel_loop3A_142 : vector<16xf32>
      %parallel_loop3A_144 = arith.index_cast %parallel_loop3A_127 : i32 to index
      %parallel_loop3A_145 = arith.constant 0 : index
      %parallel_loop3A_146 = tpu.vector_load %arg13[%parallel_loop3A_144, %parallel_loop3A_145] {strides = array<i32>} : memref<80x128xf32, #tpu.memory_space<vmem>>, vector<16xf32>,
      tpu.vector_store %arg13[%parallel_loop3A_144, %parallel_loop3A_145], %parallel_loop3A_143 {strides = array<i32>} : memref<80x128xf32, #tpu.memory_space<vmem>>, vector<16xf32>,
      %parallel_loop3A_147 = arith.addf %parallel_loop3A_137, %parallel_loop3A_139 : vector<16xf32>
      %parallel_loop3A_148 = arith.constant 0.000000e+00 : f32
      %parallel_loop3A_149 = vector.broadcast %parallel_loop3A_148 : f32 to vector<16xf32>
      %parallel_loop3A_150 = arith.maximumf %parallel_loop3A_147, %parallel_loop3A_149 : vector<16xf32>
      %parallel_loop3A_151 = arith.index_cast %parallel_loop3A_127 : i32 to index
      %parallel_loop3A_152 = arith.constant 16 : index
      %parallel_loop3A_153 = tpu.vector_load %arg13[%parallel_loop3A_151, %parallel_loop3A_152] {strides = array<i32>} : memref<80x128xf32, #tpu.memory_space<vmem>>, vector<16xf32>,
      tpu.vector_store %arg13[%parallel_loop3A_151, %parallel_loop3A_152], %parallel_loop3A_150 {strides = array<i32>} : memref<80x128xf32, #tpu.memory_space<vmem>>, vector<16xf32>,
      %parallel_loop3A_154 = arith.index_cast %parallel_loop3A_127 : i32 to index
      %parallel_loop3A_155 = arith.constant 16 : index
      %parallel_loop3A_156 = tpu.vector_load %arg11[%parallel_loop3A_154, %parallel_loop3A_155] {strides = array<i32>} : memref<80x64xi32, #tpu.memory_space<vmem>>, vector<16xi32>,
      %parallel_loop3A_157 = vector.bitcast %parallel_loop3A_156 : vector<16xi32> to vector<32xbf16>
      %parallel_loop3A_158 = arith.index_cast %parallel_loop3A_127 : i32 to index
      %parallel_loop3A_159 = arith.constant 16 : index
      %parallel_loop3A_160 = tpu.vector_load %arg12[%parallel_loop3A_158, %parallel_loop3A_159] {strides = array<i32>} : memref<80x64xi32, #tpu.memory_space<vmem>>, vector<16xi32>,
      %parallel_loop3A_161 = vector.bitcast %parallel_loop3A_160 : vector<16xi32> to vector<32xbf16>
      %parallel_loop3A_162 = tpu.unpack_subelements %parallel_loop3A_157, 0 {pack_format = #tpu.pack_format<interleaved>} : vector<32xbf16> -> vector<16xf32>
      %parallel_loop3A_163 = tpu.unpack_subelements %parallel_loop3A_157, 1 {pack_format = #tpu.pack_format<interleaved>} : vector<32xbf16> -> vector<16xf32>
      %parallel_loop3A_164 = tpu.unpack_subelements %parallel_loop3A_161, 0 {pack_format = #tpu.pack_format<interleaved>} : vector<32xbf16> -> vector<16xf32>
      %parallel_loop3A_165 = tpu.unpack_subelements %parallel_loop3A_161, 1 {pack_format = #tpu.pack_format<interleaved>} : vector<32xbf16> -> vector<16xf32>
      %parallel_loop3A_166 = arith.addf %parallel_loop3A_162, %parallel_loop3A_164 : vector<16xf32>
      %parallel_loop3A_167 = arith.constant 0.000000e+00 : f32
      %parallel_loop3A_168 = vector.broadcast %parallel_loop3A_167 : f32 to vector<16xf32>
      %parallel_loop3A_169 = arith.maximumf %parallel_loop3A_166, %parallel_loop3A_168 : vector<16xf32>
      %parallel_loop3A_170 = arith.index_cast %parallel_loop3A_127 : i32 to index
      %parallel_loop3A_171 = arith.constant 32 : index
      %parallel_loop3A_172 = tpu.vector_load %arg13[%parallel_loop3A_170, %parallel_loop3A_171] {strides = array<i32>} : memref<80x128xf32, #tpu.memory_space<vmem>>, vector<16xf32>,
      tpu.vector_store %arg13[%parallel_loop3A_170, %parallel_loop3A_171], %parallel_loop3A_169 {strides = array<i32>} : memref<80x128xf32, #tpu.memory_space<vmem>>, vector<16xf32>,
      %parallel_loop3A_173 = arith.addf %parallel_loop3A_163, %parallel_loop3A_165 : vector<16xf32>
      %parallel_loop3A_174 = arith.constant 0.000000e+00 : f32
      %parallel_loop3A_175 = vector.broadcast %parallel_loop3A_174 : f32 to vector<16xf32>
      %parallel_loop3A_176 = arith.maximumf %parallel_loop3A_173, %parallel_loop3A_175 : vector<16xf32>
      %parallel_loop3A_177 = arith.index_cast %parallel_loop3A_127 : i32 to index
      %parallel_loop3A_178 = arith.constant 48 : index
      %parallel_loop3A_179 = tpu.vector_load %arg13[%parallel_loop3A_177, %parallel_loop3A_178] {strides = array<i32>} : memref<80x128xf32, #tpu.memory_space<vmem>>, vector<16xf32>,
      tpu.vector_store %arg13[%parallel_loop3A_177, %parallel_loop3A_178], %parallel_loop3A_176 {strides = array<i32>} : memref<80x128xf32, #tpu.memory_space<vmem>>, vector<16xf32>,
      %parallel_loop3A_180 = arith.index_cast %parallel_loop3A_127 : i32 to index
      %parallel_loop3A_181 = arith.constant 32 : index
      %parallel_loop3A_182 = tpu.vector_load %arg11[%parallel_loop3A_180, %parallel_loop3A_181] {strides = array<i32>} : memref<80x64xi32, #tpu.memory_space<vmem>>, vector<16xi32>,
      %parallel_loop3A_183 = vector.bitcast %parallel_loop3A_182 : vector<16xi32> to vector<32xbf16>
      %parallel_loop3A_184 = arith.index_cast %parallel_loop3A_127 : i32 to index
      %parallel_loop3A_185 = arith.constant 32 : index
      %parallel_loop3A_186 = tpu.vector_load %arg12[%parallel_loop3A_184, %parallel_loop3A_185] {strides = array<i32>} : memref<80x64xi32, #tpu.memory_space<vmem>>, vector<16xi32>,
      %parallel_loop3A_187 = vector.bitcast %parallel_loop3A_186 : vector<16xi32> to vector<32xbf16>
      %parallel_loop3A_188 = tpu.unpack_subelements %parallel_loop3A_183, 0 {pack_format = #tpu.pack_format<interleaved>} : vector<32xbf16> -> vector<16xf32>
      %parallel_loop3A_189 = tpu.unpack_subelements %parallel_loop3A_183, 1 {pack_format = #tpu.pack_format<interleaved>} : vector<32xbf16> -> vector<16xf32>
      %parallel_loop3A_190 = tpu.unpack_subelements %parallel_loop3A_187, 0 {pack_format = #tpu.pack_format<interleaved>} : vector<32xbf16> -> vector<16xf32>
      %parallel_loop3A_191 = tpu.unpack_subelements %parallel_loop3A_187, 1 {pack_format = #tpu.pack_format<interleaved>} : vector<32xbf16> -> vector<16xf32>
      %parallel_loop3A_192 = arith.addf %parallel_loop3A_188, %parallel_loop3A_190 : vector<16xf32>
      %parallel_loop3A_193 = arith.constant 0.000000e+00 : f32
      %parallel_loop3A_194 = vector.broadcast %parallel_loop3A_193 : f32 to vector<16xf32>
      %parallel_loop3A_195 = arith.maximumf %parallel_loop3A_192, %parallel_loop3A_194 : vector<16xf32>
      %parallel_loop3A_196 = arith.index_cast %parallel_loop3A_127 : i32 to index
      %parallel_loop3A_197 = arith.constant 64 : index
      %parallel_loop3A_198 = tpu.vector_load %arg13[%parallel_loop3A_196, %parallel_loop3A_197] {strides = array<i32>} : memref<80x128xf32, #tpu.memory_space<vmem>>, vector<16xf32>,
      tpu.vector_store %arg13[%parallel_loop3A_196, %parallel_loop3A_197], %parallel_loop3A_195 {strides = array<i32>} : memref<80x128xf32, #tpu.memory_space<vmem>>, vector<16xf32>,
      %parallel_loop3A_199 = arith.addf %parallel_loop3A_189, %parallel_loop3A_191 : vector<16xf32>
      %parallel_loop3A_200 = arith.constant 0.000000e+00 : f32
      %parallel_loop3A_201 = vector.broadcast %parallel_loop3A_200 : f32 to vector<16xf32>
      %parallel_loop3A_202 = arith.maximumf %parallel_loop3A_199, %parallel_loop3A_201 : vector<16xf32>
      %parallel_loop3A_203 = arith.index_cast %parallel_loop3A_127 : i32 to index
      %parallel_loop3A_204 = arith.constant 80 : index
      %parallel_loop3A_205 = tpu.vector_load %arg13[%parallel_loop3A_203, %parallel_loop3A_204] {strides = array<i32>} : memref<80x128xf32, #tpu.memory_space<vmem>>, vector<16xf32>,
      tpu.vector_store %arg13[%parallel_loop3A_203, %parallel_loop3A_204], %parallel_loop3A_202 {strides = array<i32>} : memref<80x128xf32, #tpu.memory_space<vmem>>, vector<16xf32>,
      %parallel_loop3A_206 = arith.index_cast %parallel_loop3A_127 : i32 to index
      %parallel_loop3A_207 = arith.constant 48 : index
      %parallel_loop3A_208 = tpu.vector_load %arg11[%parallel_loop3A_206, %parallel_loop3A_207] {strides = array<i32>} : memref<80x64xi32, #tpu.memory_space<vmem>>, vector<16xi32>,
      %parallel_loop3A_209 = vector.bitcast %parallel_loop3A_208 : vector<16xi32> to vector<32xbf16>
      %parallel_loop3A_210 = arith.index_cast %parallel_loop3A_127 : i32 to index
      %parallel_loop3A_211 = arith.constant 48 : index
      %parallel_loop3A_212 = tpu.vector_load %arg12[%parallel_loop3A_210, %parallel_loop3A_211] {strides = array<i32>} : memref<80x64xi32, #tpu.memory_space<vmem>>, vector<16xi32>,
      %parallel_loop3A_213 = vector.bitcast %parallel_loop3A_212 : vector<16xi32> to vector<32xbf16>
      %parallel_loop3A_214 = tpu.unpack_subelements %parallel_loop3A_209, 0 {pack_format = #tpu.pack_format<interleaved>} : vector<32xbf16> -> vector<16xf32>
      %parallel_loop3A_215 = tpu.unpack_subelements %parallel_loop3A_209, 1 {pack_format = #tpu.pack_format<interleaved>} : vector<32xbf16> -> vector<16xf32>
      %parallel_loop3A_216 = tpu.unpack_subelements %parallel_loop3A_213, 0 {pack_format = #tpu.pack_format<interleaved>} : vector<32xbf16> -> vector<16xf32>
      %parallel_loop3A_217 = tpu.unpack_subelements %parallel_loop3A_213, 1 {pack_format = #tpu.pack_format<interleaved>} : vector<32xbf16> -> vector<16xf32>
      %parallel_loop3A_218 = arith.addf %parallel_loop3A_214, %parallel_loop3A_216 : vector<16xf32>
      %parallel_loop3A_219 = arith.constant 0.000000e+00 : f32
      %parallel_loop3A_220 = vector.broadcast %parallel_loop3A_219 : f32 to vector<16xf32>
      %parallel_loop3A_221 = arith.maximumf %parallel_loop3A_218, %parallel_loop3A_220 : vector<16xf32>
      %parallel_loop3A_222 = arith.index_cast %parallel_loop3A_127 : i32 to index
      %parallel_loop3A_223 = arith.constant 96 : index
      %parallel_loop3A_224 = tpu.vector_load %arg13[%parallel_loop3A_222, %parallel_loop3A_223] {strides = array<i32>} : memref<80x128xf32, #tpu.memory_space<vmem>>, vector<16xf32>,
      tpu.vector_store %arg13[%parallel_loop3A_222, %parallel_loop3A_223], %parallel_loop3A_221 {strides = array<i32>} : memref<80x128xf32, #tpu.memory_space<vmem>>, vector<16xf32>,
      %parallel_loop3A_225 = arith.addf %parallel_loop3A_215, %parallel_loop3A_217 : vector<16xf32>
      %parallel_loop3A_226 = arith.constant 0.000000e+00 : f32
      %parallel_loop3A_227 = vector.broadcast %parallel_loop3A_226 : f32 to vector<16xf32>
      %parallel_loop3A_228 = arith.maximumf %parallel_loop3A_225, %parallel_loop3A_227 : vector<16xf32>
      %parallel_loop3A_229 = arith.index_cast %parallel_loop3A_127 : i32 to index
      %parallel_loop3A_230 = arith.constant 112 : index
      %parallel_loop3A_231 = tpu.vector_load %arg13[%parallel_loop3A_229, %parallel_loop3A_230] {strides = array<i32>} : memref<80x128xf32, #tpu.memory_space<vmem>>, vector<16xf32>,
      tpu.vector_store %arg13[%parallel_loop3A_229, %parallel_loop3A_230], %parallel_loop3A_228 {strides = array<i32>} : memref<80x128xf32, #tpu.memory_space<vmem>>, vector<16xf32>,
    } {sc.loop_unroll_factor = 4 : i64, sc.parallel_access}
    %eq3A_104 = arith.constant 0 : i32
    %eq3A_105 = arith.cmpi eq, %add3A, %eq3A_104 : i32
    %convert_element_type3A_106 = arith.extui %eq3A_105 : i1 to i32
    %cond3A_107 = arith.constant 0 : i32
    %cond3A_108 = arith.cmpi ne, %convert_element_type3A_106, %cond3A_107 : i32
    scf.if %cond3A_108 {
      %iota3A = tpu.iota {dimensions = array<i32: 0>} : vector<16xi32>
      %add3A_127 = arith.constant 0 : i32
      %add3A_128 = vector.broadcast %add3A_127 : i32 to vector<16xi32>
      %add3A_129 = arith.addi %iota3A, %add3A_128 : vector<16xi32>
      %get3A = arith.constant 9920 : index
      %get3A_130 = tpu.vector_load %arg10[%get3A] {strides = array<i32>} : memref<10016xf32, #tpu.memory_space<vmem>>, vector<16xf32>,
      %broadcast_in_dim3A = arith.constant 0 : i32
      %broadcast_in_dim3A_131 = vector.broadcast %broadcast_in_dim3A : i32 to vector<16xi32>
      tpu.vector_store_idx %arg13[%add3A_129, %broadcast_in_dim3A_131], %get3A_130 {add = true} : memref<80x128xf32, #tpu.memory_space<vmem>>[vector<16xi32>, vector<16xi32>], vector<16xf32>,
      %iota3A_132 = tpu.iota {dimensions = array<i32: 0>} : vector<16xi32>
      %add3A_133 = arith.constant 16 : i32
      %add3A_134 = vector.broadcast %add3A_133 : i32 to vector<16xi32>
      %add3A_135 = arith.addi %iota3A_132, %add3A_134 : vector<16xi32>
      %get3A_136 = arith.constant 9936 : index
      %get3A_137 = tpu.vector_load %arg10[%get3A_136] {strides = array<i32>} : memref<10016xf32, #tpu.memory_space<vmem>>, vector<16xf32>,
      %broadcast_in_dim3A_138 = arith.constant 0 : i32
      %broadcast_in_dim3A_139 = vector.broadcast %broadcast_in_dim3A_138 : i32 to vector<16xi32>
      tpu.vector_store_idx %arg13[%add3A_135, %broadcast_in_dim3A_139], %get3A_137 {add = true} : memref<80x128xf32, #tpu.memory_space<vmem>>[vector<16xi32>, vector<16xi32>], vector<16xf32>,
      %iota3A_140 = tpu.iota {dimensions = array<i32: 0>} : vector<16xi32>
      %add3A_141 = arith.constant 32 : i32
      %add3A_142 = vector.broadcast %add3A_141 : i32 to vector<16xi32>
      %add3A_143 = arith.addi %iota3A_140, %add3A_142 : vector<16xi32>
      %get3A_144 = arith.constant 9952 : index
      %get3A_145 = tpu.vector_load %arg10[%get3A_144] {strides = array<i32>} : memref<10016xf32, #tpu.memory_space<vmem>>, vector<16xf32>,
      %broadcast_in_dim3A_146 = arith.constant 0 : i32
      %broadcast_in_dim3A_147 = vector.broadcast %broadcast_in_dim3A_146 : i32 to vector<16xi32>
      tpu.vector_store_idx %arg13[%add3A_143, %broadcast_in_dim3A_147], %get3A_145 {add = true} : memref<80x128xf32, #tpu.memory_space<vmem>>[vector<16xi32>, vector<16xi32>], vector<16xf32>,
      %iota3A_148 = tpu.iota {dimensions = array<i32: 0>} : vector<16xi32>
      %add3A_149 = arith.constant 48 : i32
      %add3A_150 = vector.broadcast %add3A_149 : i32 to vector<16xi32>
      %add3A_151 = arith.addi %iota3A_148, %add3A_150 : vector<16xi32>
      %get3A_152 = arith.constant 9968 : index
      %get3A_153 = tpu.vector_load %arg10[%get3A_152] {strides = array<i32>} : memref<10016xf32, #tpu.memory_space<vmem>>, vector<16xf32>,
      %broadcast_in_dim3A_154 = arith.constant 0 : i32
      %broadcast_in_dim3A_155 = vector.broadcast %broadcast_in_dim3A_154 : i32 to vector<16xi32>
      tpu.vector_store_idx %arg13[%add3A_151, %broadcast_in_dim3A_155], %get3A_153 {add = true} : memref<80x128xf32, #tpu.memory_space<vmem>>[vector<16xi32>, vector<16xi32>], vector<16xf32>,
      %iota3A_156 = tpu.iota {dimensions = array<i32: 0>} : vector<16xi32>
      %add3A_157 = arith.constant 64 : i32
      %add3A_158 = vector.broadcast %add3A_157 : i32 to vector<16xi32>
      %add3A_159 = arith.addi %iota3A_156, %add3A_158 : vector<16xi32>
      %get3A_160 = arith.constant 9984 : index
      %get3A_161 = tpu.vector_load %arg10[%get3A_160] {strides = array<i32>} : memref<10016xf32, #tpu.memory_space<vmem>>, vector<16xf32>,
      %broadcast_in_dim3A_162 = arith.constant 0 : i32
      %broadcast_in_dim3A_163 = vector.broadcast %broadcast_in_dim3A_162 : i32 to vector<16xi32>
      tpu.vector_store_idx %arg13[%add3A_159, %broadcast_in_dim3A_163], %get3A_161 {add = true} : memref<80x128xf32, #tpu.memory_space<vmem>>[vector<16xi32>, vector<16xi32>], vector<16xf32>,
    } else {
    }
    %add3A_109 = arith.constant 9920 : i32
    %add3A_110 = arith.addi %mul3A_2, %add3A_109 : i32
    %dma_start3A_111 = arith.constant 0 : i32
    %dma_start3A_112 = tpu.memref_slice %arg7[%add3A_110, %dma_start3A_111] : memref<320000x128xf32, #tpu.memory_space<hbm>> -> memref<80x128xf32, #tpu.memory_space<hbm>>
    %dma_start3A_113 = arith.constant 0 : i32
    %dma_start3A_114 = tpu.memref_slice %arg7[%add3A_110, %dma_start3A_113] : memref<320000x128xf32, #tpu.memory_space<hbm>> -> memref<80x128xf32, #tpu.memory_space<hbm>>
    tpu.enqueue_dma source(%arg13 : memref<80x128xf32, #tpu.memory_space<vmem>>) target(%dma_start3A_114 : memref<80x128xf32, #tpu.memory_space<hbm>>) target_semaphore(%arg19 : memref<!tpu.dma_semaphore, #tpu.memory_space<semaphore_mem>>)
    %dma_wait3A_115 = arith.constant 0 : i32
    %dma_wait3A_116 = arith.constant 0 : i32
    %dma_wait3A_117 = tpu.memref_slice %arg7[%dma_wait3A_115, %dma_wait3A_116] : memref<320000x128xf32, #tpu.memory_space<hbm>> -> memref<80x128xf32, #tpu.memory_space<hbm>>
    %dma_wait3A_118 = arith.constant 0 : i32
    %dma_wait3A_119 = arith.constant 0 : i32
    %dma_wait3A_120 = tpu.memref_slice %arg7[%dma_wait3A_118, %dma_wait3A_119] : memref<320000x128xf32, #tpu.memory_space<hbm>> -> memref<80x128xf32, #tpu.memory_space<hbm>>
    tpu.wait_dma2 semaphore(%arg19 : memref<!tpu.dma_semaphore, #tpu.memory_space<semaphore_mem>>) src(%arg13 : memref<80x128xf32, #tpu.memory_space<vmem>>) dst(%dma_wait3A_120 : memref<80x128xf32, #tpu.memory_space<hbm>>)
    %dma_wait3A_121 = arith.constant 0 : i32
    %dma_wait3A_122 = arith.constant 0 : i32
    %dma_wait3A_123 = tpu.memref_slice %arg7[%dma_wait3A_121, %dma_wait3A_122] : memref<320000x128xf32, #tpu.memory_space<hbm>> -> memref<80x128xf32, #tpu.memory_space<hbm>>
    %dma_wait3A_124 = arith.constant 0 : i32
    %dma_wait3A_125 = arith.constant 0 : i32
    %dma_wait3A_126 = tpu.memref_slice %arg7[%dma_wait3A_124, %dma_wait3A_125] : memref<320000x128xf32, #tpu.memory_space<hbm>> -> memref<80x128xf32, #tpu.memory_space<hbm>>
    tpu.wait_dma2 semaphore(%arg20 : memref<!tpu.dma_semaphore, #tpu.memory_space<semaphore_mem>>) src(%arg16 : memref<80x128xf32, #tpu.memory_space<vmem>>) dst(%dma_wait3A_126 : memref<80x128xf32, #tpu.memory_space<hbm>>)
    return
  }
}

module attributes {stable_mosaic.version = 14 : i64} {
  func.func @_mm_body(%arg0: memref<10000x128xf32, #tpu.memory_space<vmem>>, %arg1: memref<128x256xf32, #tpu.memory_space<vmem>>, %arg2: memref<1x128xf32, #tpu.memory_space<vmem>>, %arg3: memref<10000x128xf32, #tpu.memory_space<vmem>>, %arg4: memref<10000x128xf32, #tpu.memory_space<vmem>>) attributes {dimension_semantics = [], scalar_prefetch = 0 : i64, scratch_operands = 0 : i64, tpu.core_type = #tpu.core_type<tc>} {
    %get3A = arith.constant 0 : index
    %get3A_0 = arith.constant 0 : index
    %get3A_1 = vector.load %arg0[%get3A, %get3A_0] : memref<10000x128xf32, #tpu.memory_space<vmem>>, vector<10000x128xf32>
    %get3A_2 = arith.constant 0 : index
    %get3A_3 = arith.constant 0 : index
    %get3A_4 = vector.load %arg1[%get3A_2, %get3A_3] : memref<128x256xf32, #tpu.memory_space<vmem>>, vector<128x256xf32>
    %slice3A = vector.extract_strided_slice %get3A_4 {offsets = [0, 0], sizes = [128, 128], strides = [1, 1]} : vector<128x256xf32> to vector<128x128xf32>
    %dot_general3A = arith.constant dense<0.000000e+00> : vector<10000x128xf32>
    %dot_general3A_5 = tpu.matmul %get3A_1, %slice3A, %dot_general3A {dimension_numbers = #tpu.dot_dimension_numbers<[1], [1], [0], [0], [0, 0, 1, 0], [], []>, transpose_lhs_hint = false} : vector<10000x128xf32>, vector<128x128xf32>, vector<10000x128xf32> -> vector<10000x128xf32>
    %get3A_6 = arith.constant 0 : index
    %get3A_7 = arith.constant 0 : index
    %get3A_8 = vector.load %arg2[%get3A_6, %get3A_7] : memref<1x128xf32, #tpu.memory_space<vmem>>, vector<1x128xf32>
    %add3A = vector.broadcast %get3A_8 : vector<1x128xf32> to vector<10000x128xf32>
    %add3A_9 = arith.addf %dot_general3A_5, %add3A : vector<10000x128xf32>
    %swap3A = arith.constant 0 : index
    %swap3A_10 = arith.constant 0 : index
    %swap3A_11 = vector.load %arg3[%swap3A, %swap3A_10] : memref<10000x128xf32, #tpu.memory_space<vmem>>, vector<10000x128xf32>
    tpu.vector_store %arg3[%swap3A, %swap3A_10], %add3A_9 {strides = array<i32>} : memref<10000x128xf32, #tpu.memory_space<vmem>>, vector<10000x128xf32>,
    %slice3A_12 = vector.extract_strided_slice %get3A_4 {offsets = [0, 128], sizes = [128, 128], strides = [1, 1]} : vector<128x256xf32> to vector<128x128xf32>
    %dot_general3A_13 = arith.constant dense<0.000000e+00> : vector<10000x128xf32>
    %dot_general3A_14 = tpu.matmul %get3A_1, %slice3A_12, %dot_general3A_13 {dimension_numbers = #tpu.dot_dimension_numbers<[1], [1], [0], [0], [0, 0, 1, 0], [], []>, transpose_lhs_hint = false} : vector<10000x128xf32>, vector<128x128xf32>, vector<10000x128xf32> -> vector<10000x128xf32>
    %swap3A_15 = arith.constant 0 : index
    %swap3A_16 = arith.constant 0 : index
    %swap3A_17 = vector.load %arg4[%swap3A_15, %swap3A_16] : memref<10000x128xf32, #tpu.memory_space<vmem>>, vector<10000x128xf32>
    tpu.vector_store %arg4[%swap3A_15, %swap3A_16], %dot_general3A_14 {strides = array<i32>} : memref<10000x128xf32, #tpu.memory_space<vmem>>, vector<10000x128xf32>,
    return
  }
}

</mosaic_0001>

<sc_bundles>
// kernel: kernel.5.cloned.1.call-start
scs
__scs_entry_jumppad:
0x0: {  	(pc) =	sbr.rel $0x88, $3  }
0x1: {  	(tag) =	ssettag $0x0;
	lr =	simm.s32 $0x1  }
0x2: {  	[smem:$0x3F9D] =	sst lr;
	_ =	strace $0xD0000000  }
0x3: {  	_ = 	snop  }
0x4: {  	_ = 	snop  }
0x5: {  	_ = 	snop  }
0x6: {  	_ = 	snop  }
0x7: {  	_ = 	snop  }
__scs_overlays_trampoline_lowered:
0x8: {  	[smem:$0x3FAC] =	sst s0  }
0x9: {  	[smem:$0x3FAD] =	sst s1  }
0xa: {  	[smem:$0x3FAE] =	sst s2  }
0xb: {  	[smem:$0x3FAF] =	sst s3  }
0xc: {  	[smem:$0x3FB0] =	sst s4  }
0xd: {  	[smem:$0x3FB1] =	sst s5  }
0xe: {  	[smem:$0x3FB2] =	sst s6  }
0xf: {  	[smem:$0x3FB3] =	sst s7  }
0x10: {  	[smem:$0x3FB4] =	sst s8  }
0x11: {  	[smem:$0x3FB5] =	sst s9;
	s0 =	simm.s32 @!p0 $0x0  }
0x12: {  	s1 =	sld [smem:$0x3F9B];
	s0 =	simm.s32 @p0 $0x1  }
0x13: {  	[smem:$0x3FB6] =	sst s0;
	s0 =	simm.s32 @!p1 $0x0  }
0x14: {  	s2 =	sld [smem:$0x3F9A];
	s0 =	simm.s32 @p1 $0x1  }
0x15: {  	[smem:$0x3FB7] =	sst s0;
	s0 =	simm.s32 @!p2 $0x0  }
0x16: {  	s3 =	sld [smem:$0x3FDB];
	s0 =	simm.s32 @p2 $0x1  }
0x17: {  	s4 =	simm.s32 $0x1BF5;
	[smem:$0x3FB9] =	sst s0  }
0x18: {  	s0 =	sld [smem:$0x3F9C];
	_ =	swait.ge [sflag:s4], $0x0  }
0x19: {  	s7 =	sld [smem:$0x3F9D]  }
0x1a: {  	s8 =	sadd.s32 $0xFFFFE003, lr  }
0x1b: {  	s9 =	sadd.s32 $0xFFFFFEF7, lr;
	s5 =	simm.s32 $0xFFFFFFFF;
	p2 =	slt.u32 s8, $0xFFFFF086  }
0x1c: {  	p1 =	slt.u32 s9, $0xF7A;
	s5 =	simm.s32 @!p2 $0x0  }
0x1d: {  	s5 =	simm.s32 @p1 $0x1;
	p0 =	seq.s32 s7, s2  }
0x1e: {  	s7 =	smul.u32 @!p0 $0xF7A, s2;
	p2 =	seq.s32 @!p0 s5, $0x0  }
0x1f: {  	s9 =	smul.u32 $0xF7A, s1;
	s8 =	simm.s32 @!p0 $0x1BF5;
	p2 =	por !p2, p0  }
0x20: {  	[sflag:s8] =	ssyncset.s32 @!p0 $0xFFFFF086;
	s6 =	sadd.s32 @!p0 s3, s7;
	s7 =	simm.s32 @!p0 $0x108  }
0x21: {  	s3 =	sadd.s32 s3, s9;
	s6 =	sadd.s32 @!p0 $0x88, s6;
	s7 =	simm.s32 @p2 $0x1082  }
0x22: {  	[simem:s7], [sflag:s8] =	dma.local @!p0 [hbm:s6], $0xF7A  }
0x23: {  	s9 =	sor.u32 $0xD0000000, s2;
	s6 =	simm.s32 $0x108;
	_ =	swait.ge @!p0 [sflag:s8], $0x0  }
0x24: {  	s3 =	sadd.s32 $0x88, s3;
	s6 =	simm.s32 @!p1 $0x1082;
	[sflag:s4] =	ssyncset.s32 $0xFFFFF086  }
0x25: {  	[simem:s6], [sflag:s4] =	dma.local [hbm:s3], $0xF7A  }
0x26: {  	[smem:$0x3F9D] =	sst s1;
	(tag) =	ssettag s2;
	_ =	strace s9  }
0x27: {  	s1 =	sld [smem:$0x3FAD]  }
0x28: {  	s2 =	sld [smem:$0x3FAE]  }
0x29: {  	s4 =	sld [smem:$0x3FB0]  }
0x2a: {  	p0 =	seq.s32 s5, $0x0;
	s5 =	sld [smem:$0x3FB1]  }
0x2b: {  	s6 =	sld [smem:$0x3FB2]  }
0x2c: {  	s7 =	sld [smem:$0x3FB3]  }
0x2d: {  	s3 =	simm.s32 $0x108;
	s8 =	sld [smem:$0x3FB4]  }
0x2e: {  	s3 =	simm.s32 @!p0 $0x1082;
	s9 =	sld [smem:$0x3FB5]  }
0x2f: {  	lr =	sadd.s32 s0, s3;
	s0 =	sld [smem:$0x3FAC]  }
0x30: {  	s3 =	sld [smem:$0x3FAF]  }
0x31: {  	[smem:$0x3FB8] =	sst s10  }
0x32: {  	s10 =	sld [smem:$0x3FB6];
	_ =	sdelay $0x3  }
0x33: {  	p0 =	seq.s32 s10, $0x1;
	s10 =	sld [smem:$0x3FB8];
	_ =	sdelay $0x3  }
0x34: {  	[smem:$0x3FB8] =	sst s10  }
0x35: {  	s10 =	sld [smem:$0x3FB7];
	_ =	sdelay $0x3  }
0x36: {  	p1 =	seq.s32 s10, $0x1;
	s10 =	sld [smem:$0x3FB8];
	_ =	sdelay $0x3  }
0x37: {  	[smem:$0x3FB8] =	sst s10  }
0x38: {  	s10 =	sld [smem:$0x3FB9]  }
0x39: {  	_ = 	snop;
	(pc) =	sbr.ind lr, $3  }
0x3a: {  	_ = 	snop  }
0x3b: {  	_ = 	snop  }
0x3c: {  	p2 =	seq.s32 s10, $0x1;
	s10 =	sld [smem:$0x3FB8]  }
0x3d: {  	_ =	shalt  }
0x3e: {  	_ =	shalt  }
0x3f: {  	_ =	shalt  }
0x40: {  	_ =	shalt  }
0x41: {  	_ =	shalt  }
0x42: {  	_ =	shalt  }
0x43: {  	_ =	shalt  }
0x44: {  	_ =	shalt  }
0x45: {  	_ =	shalt  }
0x46: {  	_ =	shalt  }
0x47: {  	_ =	shalt  }
0x48: {  	_ =	shalt  }
0x49: {  	_ =	shalt  }
0x4a: {  	_ =	shalt  }
0x4b: {  	_ =	shalt  }
0x4c: {  	_ =	shalt  }
0x4d: {  	_ =	shalt  }
0x4e: {  	_ =	shalt  }
0x4f: {  	_ =	shalt  }
0x50: {  	_ =	shalt  }
0x51: {  	_ =	shalt  }
0x52: {  	_ =	shalt  }
0x53: {  	_ =	shalt  }
0x54: {  	_ =	shalt  }
0x55: {  	_ =	shalt  }
0x56: {  	_ =	shalt  }
0x57: {  	_ =	shalt  }
0x58: {  	_ =	shalt  }
0x59: {  	_ =	shalt  }
0x5a: {  	_ =	shalt  }
0x5b: {  	_ =	shalt  }
0x5c: {  	_ =	shalt  }
0x5d: {  	_ =	shalt  }
0x5e: {  	_ =	shalt  }
0x5f: {  	_ =	shalt  }
0x60: {  	_ =	shalt  }
0x61: {  	_ =	shalt  }
0x62: {  	_ =	shalt  }
0x63: {  	_ =	shalt  }
0x64: {  	_ =	shalt  }
0x65: {  	_ =	shalt  }
0x66: {  	_ =	shalt  }
0x67: {  	_ =	shalt  }
0x68: {  	_ =	shalt  }
0x69: {  	_ =	shalt  }
0x6a: {  	_ =	shalt  }
0x6b: {  	_ =	shalt  }
0x6c: {  	_ =	shalt  }
0x6d: {  	_ =	shalt  }
0x6e: {  	_ =	shalt  }
0x6f: {  	_ =	shalt  }
0x70: {  	_ =	shalt  }
0x71: {  	_ =	shalt  }
0x72: {  	_ =	shalt  }
0x73: {  	_ =	shalt  }
0x74: {  	_ =	shalt  }
0x75: {  	_ =	shalt  }
0x76: {  	_ =	shalt  }
0x77: {  	_ =	shalt  }
0x78: {  	_ =	shalt  }
0x79: {  	_ =	shalt  }
0x7a: {  	_ =	shalt  }
0x7b: {  	_ =	shalt  }
0x7c: {  	_ =	shalt  }
0x7d: {  	_ =	shalt  }
0x7e: {  	_ =	shalt  }
0x7f: {  	_ =	shalt  }
0x80: {  	_ =	shalt  }
0x81: {  	_ =	shalt  }
0x82: {  	_ =	shalt  }
0x83: {  	_ =	shalt  }
0x84: {  	_ =	shalt  }
0x85: {  	_ =	shalt  }
0x86: {  	_ =	shalt  }
0x87: {  	_ =	shalt  }
.Lfunc_end0:
.L_simem_size_0:
called_computation_lowered:
.L_overlay_start_0:
0x88: {  	s2 =	sld [smem:$0x3FD9]  }
0x89: {  	s3 =	sld [smem:$0x3FFE];
	_ =	sdelay $0x1  }
0x8a: {  	s1 =	srdreg.scid  }
0x8b: {  	s0 =	sand.u32 $0x1, s1  }
0x8c: {  	s17 =	sshll.u32 s0, $0xA;
	s2 =	sadd.s32 s3, s2  }
0x8d: {  	s2 =	sadd.s32 s2, s17  }
0x8e: {  	[smem:$0x3FC4] =	sst s2  }
0x8f: {  	_ = 	snop  }
0x90: {  	s2 =	sld [smem:$0x3FD0];
	(tm) =	ssettm $0x1  }
0x91: {  	s18 =	sld [smem:$0x3FFB];
	_ =	sdelay $0x3  }
0x92: {  	_ =	strace s18  }
0x93: {  	s3 =	sld [smem:$0x3FFC];
	_ =	sdelay $0x3  }
0x94: {  	_ =	strace s3  }
0x95: {  	s3 =	sld [smem:$0x3FFD];
	_ =	sdelay $0x3  }
0x96: {  	_ =	strace s3  }
0x97: {  	_ =	strace $0x8FFFFFFF  }
0x98: {  	s19 =	sld [smem:$0x3FDB];
	_ =	sdelay $0x1  }
0x99: {  	s4 =	simm.s32 $_scs_section_size  }
0x9a: {  	s5 =	simm.s32 $_size__tile_overlayer_lowered;
	s6 =	simm.s32 $_tile_overlayer_lowered  }
0x9b: {  	s22 =	simm.s32 $0x1BFF;
	s21 =	sshll.u32 s6, $0x1;
	s3 =	sadd.s32 s4, s19  }
0x9c: {  	s7 =	simm.s32 $0x0;
	s20 =	sshll.u32 s5, $0x1;
	s5 =	sadd.s32 s21, s3  }
0x9d: {  	[timem:s7], [sflag:s22] =	dma.local [hbm:s5], s20  }
0x9e: {  	_ =	swait.ge [sflag:s22], s20  }
0x9f: {  	s4 =	ssub.s32 $0x0, s20;
	[sflag:s22] =	ssyncset.done $0x0  }
0xa0: {  	[sflag:s22] =	ssyncadd.s32 s4;
	_ =	sdelay $0x1  }
0xa1: {  	s23 =	simm.s32 $0x1B8B  }
0xa2: {  	_ =	swait.ge [sflag:s23], $0x1  }
0xa3: {  	[sflag:s23] =	ssyncset.done $0x0  }
0xa4: {  	s25 =	simm.s32 $0x1B8E;
	s24 =	sld [smem:$0x3FFE];
	[sflag:s23] =	ssyncadd.s32 $0xFFFFFFFF  }
0xa5: {  	s26 =	simm.s32 $execute0_lowered;
	[smem:$0x3FD2] =	sst s25  }
0xa6: {  	s5 =	sshll.u32 s26, $0x1;
	_ =	strace $0x80000046;
	[dreg:$0x1] =	wrdreg $0xFFFFFFFF  }
0xa7: {  	s28 =	simm.s32 $_size_execute0_lowered;
	s3 =	sadd.s32 s3, s5;
	[dreg:$0x0] =	wrdreg $0x0  }
0xa8: {  	s5 =	sshll.u32 s28, $0x1;
	[dreg:$0x2] =	wrdreg s3  }
0xa9: {  	[dreg:$0x3] =	wrdreg s5  }
0xaa: {  	[dreg:$0x4] =	wrdreg $0xC0  }
0xab: {  	_ =	task [dreg:s7], $0x5FFFF  }
0xac: {  	[dreg:$0x1] =	wrdreg $0xFFFFFFFF  }
0xad: {  	[dreg:$0x0] =	wrdreg $0x60  }
0xae: {  	[dreg:$0x2] =	wrdreg s24  }
0xaf: {  	[dreg:$0x3] =	wrdreg s2  }
0xb0: {  	[dreg:$0x4] =	wrdreg $0xED000  }
0xb1: {  	[dreg:$0x5] =	wrdreg $0x9  }
0xb2: {  	_ =	task.clear_ibuf [dreg:s7], $0x6FFFF;
	_ =	strace $0x90000046  }
0xb3: {  	s29 =	simm.s32 $0x9;
	_ =	strace $0x80000048  }
0xb4: {  	_ =	swait.ge [sflag:s29], $0x1  }
0xb5: {  	[sflag:s29] =	ssyncadd.s32 $0xFFFFFFFF  }
0xb6: {  	_ =	strace $0x90000048  }
0xb7: {  	_ =	sfence  }
0xb8: {  	s30 =	sld [smem:$0x0];
	_ =	sdelay $0x2  }
0xb9: {  	s31 =	sshll.u32 s1, $0xD;
	s1 =	sshrl.u32 s1, $0x2  }
0xba: {  	s3 =	sand.u32 $0x4000, s31;
	s1 =	sadd.s32 s1, s30  }
0xbb: {  	s0 =	sor.u32 s3, s0;
	s1 =	sshll.u32 s1, $0x11  }
0xbc: {  	s0 =	sor.u32 s1, s0  }
0xbd: {  	s0 =	sadd.s32 $0x8F2B, s0  }
0xbe: {  	[sflag:s0] =	ssyncadd.remote.s32 $0x1  }
0xbf: {  	_ =	sfence.sel $0xFFFF  }
0xc0: {  	[dreg:$0x0] =	wrdreg $0xFFFFFFFF;
	(pc) =	sbr.abs _section_cstart, $3  }
0xc1: {  	[dreg:$0x1] =	wrdreg $0xFFFFFFFF  }
0xc2: {  	_ =	task.clear_ibuf [dreg:s7], $0x2FFFF;
	_ =	strace $0x9FFFFFFF  }
0xc3: {  	(tm) =	ssettm $0x7FFFFFFF  }
tec
execute0_lowered:
.L_overlay_start_1:
0x0: {  	(tag) =	ssettag $0x1  }
0x1: {  	s5 =	rddreg [dreg:$0x0]  }
0x2: {  	s0 =	srdreg.scid;
	s7 =	rddreg [dreg:$0x1]  }
0x3: {  	s1 =	rddreg [dreg:$0x2];
	s9 =	stileid.u32  }
0x4: {  	s2 =	simm.s32 $0x0;
	s11 =	simm.s32 $0x2780;
	s12 =	simm.s32 $0x4F00  }
0x5: {  	s13 =	simm.s32 $0x7680;
	s14 =	simm.s32 $0x2710;
	s15 =	simm.s32 $0x9E00  }
0x6: {  	s17 =	simm.s32 $0x0;
	s3 =	sand.u32 $0x1, s0;
	s0 =	rddreg [dreg:$0x3]  }
0x7: {  	[smem:$0x7FF] =	sst s2;
	p0 =	sne.s32 s9, $0x0;
	s8 =	sshll.u32 s3, $0x4  }
0x8: {  	_ =	strace $0x80000047;
	s6 =	ssub.s32 $0x2, s3;
	s4 =	sor.u32 s9, s8  }
0x9: {  	s3 =	sadd.s32 $0x14200, s5;
	s10 =	sshrl.u32 s6, $0x1;
	s4 =	smul.u32 $0x4E2, s4  }
0xa: {  	s16 =	sshrl.u32 @!p0 s1, $0x3;
	s7 =	sadd.s32 s7, s8;
	s10 =	ssub.s32 s6, s10  }
0xb: {  	s9 =	simm.s32 $0xC580;
	s8 =	smax.u32 s10, $0x1;
	s4 =	sadd.s32 s5, s4  }
0xc: {  	v0 =	vimm.f32 $0.0e+00;
	s10 =	simm.s32 $0x1;
	s5 =	sadd.s32 $0x13C00, s5;
	s6 =	sadd.s32 $0x9E00, s4  }
.LBB2_1:
.Ltmp0:
0xd: {  	(pc) =	sbr.rel @p0 .LBB2_5-.Ltmp0, $1  }
0xe: {  	_ =	sdelay $0x3  }
0xf: {  	s18 =	simm.s32 $0x40;
	s19 =	simm.s32 $0x0  }
.LBB2_3:
0x10: {  	p1 =	sne.s32 s18, $0x9C00;
	[tilespmem:s19+$0xC580] =	vst v0;
	s19 =	smov.u32 s18;
	s18 =	sadd.s32 $0x40, s18  }
.Ltmp1:
0x11: {  	(pc) =	sbr.rel @p1 .LBB2_3-.Ltmp1, $2  }
0x12: {  	_ =	sdelay $0x2  }
0x13: {  	s19 =	sshra.s32 s19, $0x2  }
0x14: {  	[tilespmem:s19+$0xC580] =	vst v0  }
0x15: {  	[spmem:s1] =	stream.linear.scatter [tilespmem:s9], [sflag:$0x1], $0x2780, $0x38;
	[tilespmem:$0xEF78] =	vst v63  }
0x16: {  	_ =	swait.ge [sflag:s10], $0x2780  }
0x17: {  	[sflag:s10] =	ssyncset.done $0x0  }
0x18: {  	[sflag:s10] =	ssyncadd.s32 $0xFFFFD880  }
.LBB2_5:
0x19: {  	s18 =	simm.s32 $0x0  }
0x1a: {  	[tilespmem:s18], [sflag:$0x1] =	stream.linear.gather [hbm4b:s3+s18], $0x2780, $0x38;
	[tilespmem:$0xEF78] =	vst v63  }
0x1b: {  	_ =	swait.ge [sflag:s10], $0x2780  }
0x1c: {  	[sflag:s10] =	ssyncset.done $0x0  }
0x1d: {  	[sflag:s10] =	ssyncadd.s32 $0xFFFFD880  }
0x1e: {  	[tilespmem:s11], [sflag:$0x1] =	stream.linear.gather [hbm4b:s5+s18], $0x2780, $0x38;
	[tilespmem:$0xEF78] =	vst v63  }
0x1f: {  	_ =	swait.ge [sflag:s10], $0x2780  }
0x20: {  	[sflag:s10] =	ssyncset.done $0x0  }
0x21: {  	[sflag:s10] =	ssyncadd.s32 $0xFFFFD880  }
0x22: {  	[tilespmem:s12], [sflag:$0x1] =	stream.linear.gather [hbm4b:s6+s18], $0x2710, $0x38;
	[tilespmem:$0xEF78] =	vst v63  }
0x23: {  	_ =	swait.ge [sflag:s10], $0x2710  }
0x24: {  	[sflag:s10] =	ssyncset.done $0x0  }
0x25: {  	[sflag:s10] =	ssyncadd.s32 $0xFFFFD8F0  }
0x26: {  	[tilespmem:s13], [sflag:$0x1] =	stream.linear.gather [hbm4b:s4+s18], $0x2710, $0x38;
	[tilespmem:$0xEF78] =	vst v63  }
0x27: {  	_ =	swait.ge [sflag:s10], $0x2710  }
0x28: {  	[sflag:s10] =	ssyncset.done $0x0  }
0x29: {  	s18 =	simm.s32 $0x0;
	[sflag:s10] =	ssyncadd.s32 $0xFFFFD8F0  }
0x2a: {  	v1 =	vld [tilespmem:s18+$0x7680]  }
0x2b: {  	v3 =	vld [tilespmem:s18+$0x4F00];
	_ =	sdelay $0x6  }
0x2c: {  	v2 =	vld.idx.msk [tilespmem:v1+s11+$0x0], $0xffff  }
0x2d: {  	s19 =	simm.s32 $0x10;
	v3 =	vld.idx.msk [tilespmem:v3+s2+$0x0], $0xffff  }
0x2e: {  	s20 =	simm.s32 $0x80;
	v1 =	vld [tilespmem:s19+$0x7680]  }
.LBB2_6:
0x2f: {  	p1 =	sne.s32 s20, $0x9C00;
	v4 =	vld [tilespmem:s19+$0x4F00];
	_ =	sdelay $0x2  }
0x30: {  	v2 =	vadd.f32 v2, v3;
	_ =	sdelay $0x1  }
0x31: {  	v2 =	vmax.f32 v2, $0.0e+00  }
.Ltmp2:
0x32: {  	[tilespmem:s18+$0x9E00] =	vst v2;
	s18 =	smov.u32 s19;
	(pc) =	sbr.rel @p1 .LBB2_6-.Ltmp2, $4  }
0x33: {  	v2 =	vld.idx.msk [tilespmem:v1+s11+$0x0], $0xffff  }
0x34: {  	v3 =	vld.idx.msk [tilespmem:v4+s2+$0x0], $0xffff  }
0x35: {  	s19 =	sshra.s32 s20, $0x2  }
0x36: {  	s20 =	sadd.s32 $0x40, s20;
	v1 =	vld [tilespmem:s19+$0x7680]  }
0x37: {  	_ = 	snop  }
0x38: {  	v4 =	vld [tilespmem:s19+$0x4F00];
	_ =	sdelay $0x2  }
0x39: {  	v2 =	vadd.f32 v2, v3;
	_ =	sdelay $0x1  }
0x3a: {  	v2 =	vmax.f32 v2, $0.0e+00  }
0x3b: {  	[tilespmem:s18+$0x9E00] =	vst v2  }
0x3c: {  	v1 =	vld.idx.msk [tilespmem:v1+s11+$0x0], $0xffff  }
0x3d: {  	v2 =	vld.idx.msk [tilespmem:v4+s2+$0x0], $0xffff;
	_ =	sdelay $0x4  }
0x3e: {  	v1 =	vadd.f32 v1, v2;
	_ =	sdelay $0x1  }
0x3f: {  	v1 =	vmax.f32 v1, $0.0e+00  }
0x40: {  	[tilespmem:s19+$0x9E00] =	vst v1  }
0x41: {  	[bflag:$0x0] =	sbarrier.arrive $0xFFFF  }
0x42: {  	[spmem:s1] =	stream.indirect.scatter.add.f32 [tilespmem:s15], [sflag:$0x1], $0x1, s12, s14, $0xb8;
	[tilespmem:$0xEF78] =	vst v63  }
0x43: {  	s20 =	simm.s32 @!p0 $0x10;
	_ =	swait.ge [sflag:s10], $0x2710  }
0x44: {  	s21 =	simm.s32 @!p0 $0x1C01;
	s17 =	sadd.s32 $0x1, s17;
	[sflag:s10] =	ssyncset.done $0x0  }
0x45: {  	p1 =	sne.s32 s17, s8;
	s18 =	simm.s32 @!p0 $0x1;
	[sflag:s10] =	ssyncadd.s32 $0xFFFFD8F0  }
.Ltmp3:
0x46: {  	s19 =	simm.s32 @!p0 $0x20;
	[bflag:$0x0] =	sbarrier.arrive $0xFFFF;
	(pc) =	sbr.rel @p1 .LBB2_1-.Ltmp3, $4  }
0x47: {  	[hbm:s7@s19], [sflag:s21] =	dma.strided @!p0 [spmem:s16@s20], $0x4F0, s18, $0x10   }
0x48: {  	_ =	swait.ge @!p0 [sflag:s18], $0x4F0  }
0x49: {  	[sflag:s18] =	ssyncset.done @!p0 $0x0  }
0x4a: {  	[sflag:s18] =	ssyncadd.s32 @!p0 $0xFFFFFB10  }
0x4b: {  	_ =	sfence.sel $0x180000  }
0x4c: {  	[bflag:$0x0] =	sbarrier.arrive $0xFFFF  }
0x4d: {  	_ =	strace $0x90000047  }
0x4e: {  	s0 =	sadd.s32 @!p0 $0x100000, s0;
	[bflag:$0x2] =	sbarrier.arrive $0xFFFF  }
0x4f: {  	[sflag:s0] =	ssyncadd.tile.s32 @!p0 $0x1;
	_ =	shalt  }
.Lfunc_end2:
_tile_overlayer_lowered:
.L_overlay_start_2:
0x50: {  	(tag) =	ssettag $0x2  }
0x51: {  	s0 =	rddreg [dreg:$0x0];
	s2 =	stileid.u32  }
0x52: {  	s1 =	rddreg [dreg:$0x1];
	p0 =	sne.s32 s2, $0x0  }
0x53: {  	s3 =	rddreg [dreg:$0x2];
	[bflag:$0x3] =	sbarrier.arrive $0xFFFF;
	s2 =	simm.s32 @!p0 $0x1C01  }
0x54: {  	[timem:s3], [sflag:s2] =	dma.local @!p0 [hbm:s0], s1  }
0x55: {  	s0 =	simm.s32 @!p0 $0x1  }
0x56: {  	_ =	swait.ge @!p0 [sflag:s0], s1  }
0x57: {  	s1 =	ssub.s32 @!p0 $0x0, s1;
	[sflag:s0] =	ssyncset.done @!p0 $0x0  }
0x58: {  	[sflag:s0] =	ssyncadd.s32 @!p0 s1  }
0x59: {  	[bflag:$0x3] =	sbarrier.arrive $0xFFFF  }
0x5a: {  	_ =	shalt  }

// kernel: kernel.8.cloned.1.call-start
scs
__scs_entry_jumppad:
0x0: {  	(pc) =	sbr.rel $0x88, $3  }
0x1: {  	(tag) =	ssettag $0x0;
	lr =	simm.s32 $0x1  }
0x2: {  	[smem:$0x3F9D] =	sst lr;
	_ =	strace $0xD0000000  }
0x3: {  	_ = 	snop  }
0x4: {  	_ = 	snop  }
0x5: {  	_ = 	snop  }
0x6: {  	_ = 	snop  }
0x7: {  	_ = 	snop  }
__scs_overlays_trampoline_lowered:
0x8: {  	[smem:$0x3FAC] =	sst s0  }
0x9: {  	[smem:$0x3FAD] =	sst s1  }
0xa: {  	[smem:$0x3FAE] =	sst s2  }
0xb: {  	[smem:$0x3FAF] =	sst s3  }
0xc: {  	[smem:$0x3FB0] =	sst s4  }
0xd: {  	[smem:$0x3FB1] =	sst s5  }
0xe: {  	[smem:$0x3FB2] =	sst s6  }
0xf: {  	[smem:$0x3FB3] =	sst s7  }
0x10: {  	[smem:$0x3FB4] =	sst s8  }
0x11: {  	[smem:$0x3FB5] =	sst s9;
	s0 =	simm.s32 @!p0 $0x0  }
0x12: {  	s1 =	sld [smem:$0x3F9B];
	s0 =	simm.s32 @p0 $0x1  }
0x13: {  	[smem:$0x3FB6] =	sst s0;
	s0 =	simm.s32 @!p1 $0x0  }
0x14: {  	s2 =	sld [smem:$0x3F9A];
	s0 =	simm.s32 @p1 $0x1  }
0x15: {  	[smem:$0x3FB7] =	sst s0;
	s0 =	simm.s32 @!p2 $0x0  }
0x16: {  	s3 =	sld [smem:$0x3FDB];
	s0 =	simm.s32 @p2 $0x1  }
0x17: {  	s4 =	simm.s32 $0x1BF5;
	[smem:$0x3FB9] =	sst s0  }
0x18: {  	s0 =	sld [smem:$0x3F9C];
	_ =	swait.ge [sflag:s4], $0x0  }
0x19: {  	s7 =	sld [smem:$0x3F9D]  }
0x1a: {  	s8 =	sadd.s32 $0xFFFFE003, lr  }
0x1b: {  	s9 =	sadd.s32 $0xFFFFFEF7, lr;
	s5 =	simm.s32 $0xFFFFFFFF;
	p2 =	slt.u32 s8, $0xFFFFF086  }
0x1c: {  	p1 =	slt.u32 s9, $0xF7A;
	s5 =	simm.s32 @!p2 $0x0  }
0x1d: {  	s5 =	simm.s32 @p1 $0x1;
	p0 =	seq.s32 s7, s2  }
0x1e: {  	s7 =	smul.u32 @!p0 $0xF7A, s2;
	p2 =	seq.s32 @!p0 s5, $0x0  }
0x1f: {  	s9 =	smul.u32 $0xF7A, s1;
	s8 =	simm.s32 @!p0 $0x1BF5;
	p2 =	por !p2, p0  }
0x20: {  	[sflag:s8] =	ssyncset.s32 @!p0 $0xFFFFF086;
	s6 =	sadd.s32 @!p0 s3, s7;
	s7 =	simm.s32 @!p0 $0x108  }
0x21: {  	s3 =	sadd.s32 s3, s9;
	s6 =	sadd.s32 @!p0 $0x88, s6;
	s7 =	simm.s32 @p2 $0x1082  }
0x22: {  	[simem:s7], [sflag:s8] =	dma.local @!p0 [hbm:s6], $0xF7A  }
0x23: {  	s9 =	sor.u32 $0xD0000000, s2;
	s6 =	simm.s32 $0x108;
	_ =	swait.ge @!p0 [sflag:s8], $0x0  }
0x24: {  	s3 =	sadd.s32 $0x88, s3;
	s6 =	simm.s32 @!p1 $0x1082;
	[sflag:s4] =	ssyncset.s32 $0xFFFFF086  }
0x25: {  	[simem:s6], [sflag:s4] =	dma.local [hbm:s3], $0xF7A  }
0x26: {  	[smem:$0x3F9D] =	sst s1;
	(tag) =	ssettag s2;
	_ =	strace s9  }
0x27: {  	s1 =	sld [smem:$0x3FAD]  }
0x28: {  	s2 =	sld [smem:$0x3FAE]  }
0x29: {  	s4 =	sld [smem:$0x3FB0]  }
0x2a: {  	p0 =	seq.s32 s5, $0x0;
	s5 =	sld [smem:$0x3FB1]  }
0x2b: {  	s6 =	sld [smem:$0x3FB2]  }
0x2c: {  	s7 =	sld [smem:$0x3FB3]  }
0x2d: {  	s3 =	simm.s32 $0x108;
	s8 =	sld [smem:$0x3FB4]  }
0x2e: {  	s3 =	simm.s32 @!p0 $0x1082;
	s9 =	sld [smem:$0x3FB5]  }
0x2f: {  	lr =	sadd.s32 s0, s3;
	s0 =	sld [smem:$0x3FAC]  }
0x30: {  	s3 =	sld [smem:$0x3FAF]  }
0x31: {  	[smem:$0x3FB8] =	sst s10  }
0x32: {  	s10 =	sld [smem:$0x3FB6];
	_ =	sdelay $0x3  }
0x33: {  	p0 =	seq.s32 s10, $0x1;
	s10 =	sld [smem:$0x3FB8];
	_ =	sdelay $0x3  }
0x34: {  	[smem:$0x3FB8] =	sst s10  }
0x35: {  	s10 =	sld [smem:$0x3FB7];
	_ =	sdelay $0x3  }
0x36: {  	p1 =	seq.s32 s10, $0x1;
	s10 =	sld [smem:$0x3FB8];
	_ =	sdelay $0x3  }
0x37: {  	[smem:$0x3FB8] =	sst s10  }
0x38: {  	s10 =	sld [smem:$0x3FB9]  }
0x39: {  	_ = 	snop;
	(pc) =	sbr.ind lr, $3  }
0x3a: {  	_ = 	snop  }
0x3b: {  	_ = 	snop  }
0x3c: {  	p2 =	seq.s32 s10, $0x1;
	s10 =	sld [smem:$0x3FB8]  }
0x3d: {  	_ =	shalt  }
0x3e: {  	_ =	shalt  }
0x3f: {  	_ =	shalt  }
0x40: {  	_ =	shalt  }
0x41: {  	_ =	shalt  }
0x42: {  	_ =	shalt  }
0x43: {  	_ =	shalt  }
0x44: {  	_ =	shalt  }
0x45: {  	_ =	shalt  }
0x46: {  	_ =	shalt  }
0x47: {  	_ =	shalt  }
0x48: {  	_ =	shalt  }
0x49: {  	_ =	shalt  }
0x4a: {  	_ =	shalt  }
0x4b: {  	_ =	shalt  }
0x4c: {  	_ =	shalt  }
0x4d: {  	_ =	shalt  }
0x4e: {  	_ =	shalt  }
0x4f: {  	_ =	shalt  }
0x50: {  	_ =	shalt  }
0x51: {  	_ =	shalt  }
0x52: {  	_ =	shalt  }
0x53: {  	_ =	shalt  }
0x54: {  	_ =	shalt  }
0x55: {  	_ =	shalt  }
0x56: {  	_ =	shalt  }
0x57: {  	_ =	shalt  }
0x58: {  	_ =	shalt  }
0x59: {  	_ =	shalt  }
0x5a: {  	_ =	shalt  }
0x5b: {  	_ =	shalt  }
0x5c: {  	_ =	shalt  }
0x5d: {  	_ =	shalt  }
0x5e: {  	_ =	shalt  }
0x5f: {  	_ =	shalt  }
0x60: {  	_ =	shalt  }
0x61: {  	_ =	shalt  }
0x62: {  	_ =	shalt  }
0x63: {  	_ =	shalt  }
0x64: {  	_ =	shalt  }
0x65: {  	_ =	shalt  }
0x66: {  	_ =	shalt  }
0x67: {  	_ =	shalt  }
0x68: {  	_ =	shalt  }
0x69: {  	_ =	shalt  }
0x6a: {  	_ =	shalt  }
0x6b: {  	_ =	shalt  }
0x6c: {  	_ =	shalt  }
0x6d: {  	_ =	shalt  }
0x6e: {  	_ =	shalt  }
0x6f: {  	_ =	shalt  }
0x70: {  	_ =	shalt  }
0x71: {  	_ =	shalt  }
0x72: {  	_ =	shalt  }
0x73: {  	_ =	shalt  }
0x74: {  	_ =	shalt  }
0x75: {  	_ =	shalt  }
0x76: {  	_ =	shalt  }
0x77: {  	_ =	shalt  }
0x78: {  	_ =	shalt  }
0x79: {  	_ =	shalt  }
0x7a: {  	_ =	shalt  }
0x7b: {  	_ =	shalt  }
0x7c: {  	_ =	shalt  }
0x7d: {  	_ =	shalt  }
0x7e: {  	_ =	shalt  }
0x7f: {  	_ =	shalt  }
0x80: {  	_ =	shalt  }
0x81: {  	_ =	shalt  }
0x82: {  	_ =	shalt  }
0x83: {  	_ =	shalt  }
0x84: {  	_ =	shalt  }
0x85: {  	_ =	shalt  }
0x86: {  	_ =	shalt  }
0x87: {  	_ =	shalt  }
.Lfunc_end0:
.L_simem_size_0:
called_computation.1_lowered:
.L_overlay_start_0:
0x88: {  	s2 =	sld [smem:$0x3FD9]  }
0x89: {  	s3 =	sld [smem:$0x3FFE];
	_ =	sdelay $0x1  }
0x8a: {  	s1 =	srdreg.scid  }
0x8b: {  	s0 =	sand.u32 $0x1, s1  }
0x8c: {  	s17 =	sshll.u32 s0, $0xA;
	s2 =	sadd.s32 s3, s2  }
0x8d: {  	s2 =	sadd.s32 s2, s17  }
0x8e: {  	[smem:$0x3FC4] =	sst s2  }
0x8f: {  	_ = 	snop  }
0x90: {  	s2 =	sld [smem:$0x3FD0];
	(tm) =	ssettm $0x1  }
0x91: {  	s18 =	sld [smem:$0x3FFB];
	_ =	sdelay $0x3  }
0x92: {  	_ =	strace s18  }
0x93: {  	s3 =	sld [smem:$0x3FFC];
	_ =	sdelay $0x3  }
0x94: {  	_ =	strace s3  }
0x95: {  	s3 =	sld [smem:$0x3FFD];
	_ =	sdelay $0x3  }
0x96: {  	_ =	strace s3  }
0x97: {  	_ =	strace $0x8FFFFFFF  }
0x98: {  	s19 =	sld [smem:$0x3FDB];
	_ =	sdelay $0x1  }
0x99: {  	s4 =	simm.s32 $_scs_section_size  }
0x9a: {  	s5 =	simm.s32 $_size__tile_overlayer_lowered;
	s6 =	simm.s32 $_tile_overlayer_lowered  }
0x9b: {  	s22 =	simm.s32 $0x1BFF;
	s21 =	sshll.u32 s6, $0x1;
	s3 =	sadd.s32 s4, s19  }
0x9c: {  	s7 =	simm.s32 $0x0;
	s20 =	sshll.u32 s5, $0x1;
	s5 =	sadd.s32 s21, s3  }
0x9d: {  	[timem:s7], [sflag:s22] =	dma.local [hbm:s5], s20  }
0x9e: {  	_ =	swait.ge [sflag:s22], s20  }
0x9f: {  	s4 =	ssub.s32 $0x0, s20;
	[sflag:s22] =	ssyncset.done $0x0  }
0xa0: {  	[sflag:s22] =	ssyncadd.s32 s4;
	_ =	sdelay $0x1  }
0xa1: {  	s23 =	simm.s32 $0x1B8B  }
0xa2: {  	_ =	swait.ge [sflag:s23], $0x1  }
0xa3: {  	[sflag:s23] =	ssyncset.done $0x0  }
0xa4: {  	s25 =	simm.s32 $0x1B8E;
	s24 =	sld [smem:$0x3FFE];
	[sflag:s23] =	ssyncadd.s32 $0xFFFFFFFF  }
0xa5: {  	s26 =	simm.s32 $execute0_lowered;
	[smem:$0x3FD2] =	sst s25  }
0xa6: {  	s5 =	sshll.u32 s26, $0x1;
	_ =	strace $0x80000049;
	[dreg:$0x1] =	wrdreg $0xFFFFFFFF  }
0xa7: {  	s28 =	simm.s32 $_size_execute0_lowered;
	s3 =	sadd.s32 s3, s5;
	[dreg:$0x0] =	wrdreg $0x0  }
0xa8: {  	s5 =	sshll.u32 s28, $0x1;
	[dreg:$0x2] =	wrdreg s3  }
0xa9: {  	[dreg:$0x3] =	wrdreg s5  }
0xaa: {  	[dreg:$0x4] =	wrdreg $0xC0  }
0xab: {  	_ =	task [dreg:s7], $0x5FFFF  }
0xac: {  	[dreg:$0x1] =	wrdreg $0xFFFFFFFF  }
0xad: {  	[dreg:$0x0] =	wrdreg $0x60  }
0xae: {  	[dreg:$0x2] =	wrdreg s24  }
0xaf: {  	[dreg:$0x3] =	wrdreg s2  }
0xb0: {  	[dreg:$0x4] =	wrdreg $0x9  }
0xb1: {  	_ =	task.clear_ibuf [dreg:s7], $0x5FFFF;
	_ =	strace $0x90000049  }
0xb2: {  	s29 =	simm.s32 $0x9;
	_ =	strace $0x8000004B  }
0xb3: {  	_ =	swait.ge [sflag:s29], $0x1  }
0xb4: {  	[sflag:s29] =	ssyncadd.s32 $0xFFFFFFFF  }
0xb5: {  	_ =	strace $0x9000004B  }
0xb6: {  	_ =	sfence  }
0xb7: {  	s30 =	sld [smem:$0x0];
	_ =	sdelay $0x2  }
0xb8: {  	s31 =	sshll.u32 s1, $0xD;
	s1 =	sshrl.u32 s1, $0x2  }
0xb9: {  	s3 =	sand.u32 $0x4000, s31;
	s1 =	sadd.s32 s1, s30  }
0xba: {  	s0 =	sor.u32 s3, s0;
	s1 =	sshll.u32 s1, $0x11  }
0xbb: {  	s0 =	sor.u32 s1, s0  }
0xbc: {  	s0 =	sadd.s32 $0x8F2B, s0  }
0xbd: {  	[sflag:s0] =	ssyncadd.remote.s32 $0x1  }
0xbe: {  	_ =	sfence.sel $0xFFFF  }
0xbf: {  	[dreg:$0x0] =	wrdreg $0xFFFFFFFF;
	(pc) =	sbr.abs _section_cstart, $3  }
0xc0: {  	[dreg:$0x1] =	wrdreg $0xFFFFFFFF  }
0xc1: {  	_ =	task.clear_ibuf [dreg:s7], $0x2FFFF;
	_ =	strace $0x9FFFFFFF  }
0xc2: {  	(tm) =	ssettm $0x7FFFFFFF  }
0xc3: {  	_ =	shalt  }
tec
execute0_lowered:
.L_overlay_start_1:
0x0: {  	(tag) =	ssettag $0x1  }
0x1: {  	s0 =	rddreg [dreg:$0x0]  }
0x2: {  	s1 =	rddreg [dreg:$0x1];
	s2 =	srdreg.scid;
	s3 =	simm.s32 $0x0  }
0x3: {  	s5 =	stileid.u32;
	s14 =	simm.s32 $0x5;
	s16 =	simm.s32 $0x50  }
0x4: {  	s17 =	simm.s32 $0x7540;
	s18 =	simm.s32 $0x8940;
	s19 =	simm.s32 $0xC540  }
0x5: {  	s21 =	simm.s32 $0xD940;
	s28 =	simm.s32 $0xED40;
	s29 =	simm.s32 $0x3  }
0x6: {  	s30 =	simm.s32 $0x4;
	s31 =	simm.s32 $0x0;
	s2 =	sand.u32 $0x1, s2  }
0x7: {  	[smem:$0x7FF] =	sst s3;
	s8 =	sadd.s32 $0x13C00, s0;
	s4 =	sshll.u32 s2, $0x4  }
0x8: {  	_ =	strace $0x8000004A;
	[dreg:$0x3] =	wrdreg s8;
	s7 =	sor.u32 s5, s4  }
0x9: {  	s2 =	ssub.s32 $0x2, s2;
	s4 =	sadd.s32 $0x28200, s0;
	s6 =	smul.u32 $0x2710, s7  }
0xa: {  	s5 =	sadd.s32 $0x14800, s0;
	s22 =	sshrl.u32 s2, $0x1;
	s9 =	smul.u32 $0x138800, s7  }
0xb: {  	s11 =	smul.u32 $0x27100, s7;
	s2 =	ssub.s32 s2, s22;
	p0 =	sne.s32 s7, $0x0  }
0xc: {  	s22 =	simm.s32 $0x1;
	s13 =	smax.u32 s2, $0x1;
	s10 =	sshrl.u32 s6, $0x3  }
0xd: {  	s23 =	sshrl.u32 s9, $0x3;
	s25 =	sadd.s32 s1, s11;
	s8 =	sadd.s32 s0, s10  }
0xe: {  	[dreg:$0x5] =	wrdreg s25;
	s0 =	sadd.s32 s1, s23;
	s24 =	sadd.s32 $0x9E00, s8  }
0xf: {  	s23 =	simm.s32 $0x9D40;
	s26 =	sadd.s32 $0x500, s0;
	[dreg:$0x4] =	wrdreg s24  }
0x10: {  	s12 =	sadd.s32 $0x26C00, s0;
	[dreg:$0x6] =	wrdreg s26;
	s26 =	simm.s32 $0x2  }
.LBB2_1:
0x11: {  	s0 =	rddreg [dreg:$0x4]  }
0x12: {  	[tilespmem:s3], [sflag:$0x5] =	stream.linear.gather [hbm4b:s0+s3], $0x2710, $0x38;
	[tilespmem:$0x11540] =	vst v63  }
0x13: {  	_ =	swait.ge [sflag:s14], $0x2710  }
0x14: {  	[sflag:s14] =	ssyncset.done $0x0  }
0x15: {  	s9 =	simm.s32 $0x2710;
	[sflag:s14] =	ssyncadd.s32 $0xFFFFD8F0  }
0x16: {  	[tilespmem:s9], [sflag:$0x5] =	stream.linear.gather [hbm4b:s8+s3], $0x2710, $0x38;
	[tilespmem:$0x11540] =	vst v63  }
0x17: {  	_ =	swait.ge [sflag:s14], $0x2710  }
0x18: {  	s2 =	simm.s32 @!p0 $0x4E20;
	[sflag:s14] =	ssyncset.done $0x0  }
0x19: {  	s0 =	simm.s32 @!p0 $0x0;
	s7 =	rddreg [dreg:$0x3];
	[sflag:s14] =	ssyncadd.s32 $0xFFFFD8F0  }
0x1a: {  	[tilespmem:s2], [sflag:$0x5] =	stream.linear.gather @!p0 [hbm4b:s7+s0], $0x2710, $0x38;
	[tilespmem:$0x11540] =	vst v63  }
0x1b: {  	s0 =	simm.s32 @!p0 $0x5  }
0x1c: {  	_ =	swait.ge @!p0 [sflag:s0], $0x2710  }
0x1d: {  	[sflag:s0] =	ssyncset.done @!p0 $0x0  }
0x1e: {  	[sflag:s0] =	ssyncadd.s32 @!p0 $0xFFFFD8F0  }
0x1f: {  	[tilespmem:s17], [sflag:$0x1] =	stream.indirect.gather [hbm4b:s4+s16], $0x40, s3, s16, $0xb8;
	[tilespmem:$0x11540] =	vst v63  }
0x20: {  	_ = 	snop  }
0x21: {  	[tilespmem:s18], [sflag:$0x1] =	stream.indirect.gather [hbm4b:s5+s16], $0x40, s9, s16, $0xb8;
	[tilespmem:$0x11540] =	vst v63  }
0x22: {  	_ = 	snop  }
0x23: {  	[tilespmem:s19], [sflag:$0x2] =	stream.indirect.gather [hbm4b:s4+s16], $0x40, s16, s16, $0xb8;
	[tilespmem:$0x11540] =	vst v63  }
0x24: {  	s20 =	simm.s32 $0x2760  }
0x25: {  	[tilespmem:s21], [sflag:$0x2] =	stream.indirect.gather [hbm4b:s5+s16], $0x40, s20, s16, $0xb8;
	[tilespmem:$0x11540] =	vst v63  }
0x26: {  	_ =	swait.ge [sflag:s22], $0x1400  }
0x27: {  	[sflag:s22] =	ssyncset.done $0x0  }
0x28: {  	[sflag:s22] =	ssyncadd.s32 $0xFFFFEC00  }
0x29: {  	_ =	swait.ge [sflag:s22], $0x1400  }
0x2a: {  	[sflag:s22] =	ssyncset.done $0x0  }
0x2b: {  	s24 =	simm.s32 $0x75C0;
	[sflag:s22] =	ssyncadd.s32 $0xFFFFEC00  }
0x2c: {  	s25 =	simm.s32 $0x89C0;
	v0 =	vld [tilespmem:s24+$0x40]  }
0x2d: {  	v1 =	vld [tilespmem:s25+$0x40];
	_ =	sdelay $0x4  }
0x2e: {  	v4 =	vld [tilespmem:s25+$0xFFFFFF80];
	v2 =	vunpack.i.l.bf16.f32 v0;
	v3 =	vunpack.i.l.bf16.f32 v1  }
0x2f: {  	v5 =	vld [tilespmem:s25+$0xFFFFFFC0];
	v0 =	vunpack.i.u.bf16.f32 v0;
	v1 =	vunpack.i.u.bf16.f32 v1;
	v2 =	vadd.f32 v3, v2  }
0x30: {  	v0 =	vadd.f32 v1, v0;
	v1 =	vld [tilespmem:s24+$0xFFFFFF80]  }
0x31: {  	s0 =	simm.s32 $0x9E40;
	v3 =	vld [tilespmem:s24+$0xFFFFFFC0];
	v2 =	vmax.f32 v2, $0.0e+00  }
0x32: {  	v0 =	vmax.f32 v0, $0.0e+00;
	[tilespmem:s0+$0x80] =	vst v2  }
0x33: {  	[tilespmem:s0+$0x90] =	vst v0  }
0x34: {  	v10 =	vunpack.i.l.bf16.f32 v5;
	v5 =	vunpack.i.u.bf16.f32 v5;
	v2 =	vunpack.i.u.bf16.f32 v4;
	v0 =	vld [tilespmem:s24+$0x50]  }
0x35: {  	v4 =	vunpack.i.l.bf16.f32 v4;
	v6 =	vld [tilespmem:s25+$0x50];
	v8 =	vunpack.i.u.bf16.f32 v1;
	v1 =	vunpack.i.l.bf16.f32 v1  }
0x36: {  	v7 =	vunpack.i.l.bf16.f32 v3;
	v3 =	vunpack.i.u.bf16.f32 v3;
	v1 =	vadd.f32 v4, v1  }
0x37: {  	v9 =	vld [tilespmem:s24+$0x0];
	v2 =	vadd.f32 v2, v8;
	v3 =	vadd.f32 v5, v3  }
0x38: {  	v4 =	vld [tilespmem:s25+$0x0];
	v7 =	vadd.f32 v10, v7  }
0x39: {  	v1 =	vmax.f32 v1, $0.0e+00;
	v2 =	vmax.f32 v2, $0.0e+00;
	v3 =	vmax.f32 v3, $0.0e+00  }
0x3a: {  	[tilespmem:s0+$0xFFFFFF00] =	vst v1;
	v1 =	vmax.f32 v7, $0.0e+00;
	v5 =	vunpack.i.l.bf16.f32 v0;
	v7 =	vunpack.i.l.bf16.f32 v6  }
0x3b: {  	[tilespmem:s0+$0xFFFFFF10] =	vst v2;
	v0 =	vunpack.i.u.bf16.f32 v0;
	v2 =	vunpack.i.u.bf16.f32 v6;
	v5 =	vadd.f32 v7, v5  }
0x3c: {  	v6 =	vunpack.i.u.bf16.f32 v9;
	[tilespmem:s0+$0xFFFFFF90] =	vst v3;
	v0 =	vadd.f32 v2, v0;
	v8 =	vld [tilespmem:s25+$0xFFFFFF90]  }
0x3d: {  	v7 =	vld [tilespmem:s24+$0xFFFFFF90];
	[tilespmem:s0+$0xFFFFFF80] =	vst v1;
	v1 =	vunpack.i.l.bf16.f32 v9;
	v2 =	vunpack.i.l.bf16.f32 v4;
	v3 =	vmax.f32 v5, $0.0e+00  }
0x3e: {  	v4 =	vunpack.i.u.bf16.f32 v4;
	v1 =	vadd.f32 v2, v1;
	v2 =	vld [tilespmem:s24+$0xFFFFFFD0];
	v0 =	vmax.f32 v0, $0.0e+00;
	[tilespmem:s0+$0xA0] =	vst v3  }
0x3f: {  	v3 =	vadd.f32 v4, v6;
	v4 =	vld [tilespmem:s25+$0xFFFFFFD0];
	[tilespmem:s0+$0xB0] =	vst v0  }
0x40: {  	v0 =	vmax.f32 v1, $0.0e+00;
	v1 =	vld [tilespmem:s24+$0x60]  }
0x41: {  	v3 =	vmax.f32 v3, $0.0e+00;
	[tilespmem:s0+$0x0] =	vst v0;
	v0 =	vld [tilespmem:s25+$0x60];
	v5 =	vunpack.i.l.bf16.f32 v8  }
0x42: {  	v8 =	vunpack.i.u.bf16.f32 v8;
	[tilespmem:s0+$0x10] =	vst v3;
	v3 =	vunpack.i.l.bf16.f32 v7;
	v7 =	vunpack.i.u.bf16.f32 v7  }
0x43: {  	v3 =	vadd.f32 v5, v3;
	v5 =	vunpack.i.u.bf16.f32 v2;
	v2 =	vunpack.i.l.bf16.f32 v2  }
0x44: {  	v6 =	vld [tilespmem:s24+$0x10];
	v7 =	vadd.f32 v8, v7;
	v9 =	vunpack.i.u.bf16.f32 v4;
	v4 =	vunpack.i.l.bf16.f32 v4  }
0x45: {  	v8 =	vld [tilespmem:s25+$0x10];
	v3 =	vmax.f32 v3, $0.0e+00;
	v2 =	vadd.f32 v4, v2  }
0x46: {  	[tilespmem:s0+$0xFFFFFF20] =	vst v3;
	v3 =	vmax.f32 v7, $0.0e+00;
	v7 =	vunpack.i.l.bf16.f32 v1;
	v10 =	vunpack.i.l.bf16.f32 v0  }
0x47: {  	v1 =	vunpack.i.u.bf16.f32 v1;
	v0 =	vunpack.i.u.bf16.f32 v0;
	[tilespmem:s0+$0xFFFFFF30] =	vst v3;
	v3 =	vadd.f32 v10, v7  }
0x48: {  	v5 =	vadd.f32 v9, v5;
	v0 =	vadd.f32 v0, v1;
	v7 =	vld [tilespmem:s24+$0xFFFFFFA0]  }
0x49: {  	v4 =	vunpack.i.u.bf16.f32 v6;
	v1 =	vunpack.i.l.bf16.f32 v6;
	v6 =	vld [tilespmem:s25+$0xFFFFFFA0];
	v3 =	vmax.f32 v3, $0.0e+00  }
0x4a: {  	v9 =	vunpack.i.u.bf16.f32 v8;
	v8 =	vunpack.i.l.bf16.f32 v8;
	v0 =	vmax.f32 v0, $0.0e+00;
	[tilespmem:s0+$0xC0] =	vst v3  }
0x4b: {  	v2 =	vmax.f32 v2, $0.0e+00;
	v1 =	vadd.f32 v8, v1;
	v3 =	vadd.f32 v9, v4;
	[tilespmem:s0+$0xD0] =	vst v0  }
0x4c: {  	[tilespmem:s0+$0xFFFFFFA0] =	vst v2;
	v0 =	vmax.f32 v5, $0.0e+00;
	v2 =	vld [tilespmem:s24+$0x70]  }
0x4d: {  	v1 =	vmax.f32 v1, $0.0e+00;
	[tilespmem:s0+$0xFFFFFFB0] =	vst v0;
	v4 =	vld [tilespmem:s25+$0x70];
	v3 =	vmax.f32 v3, $0.0e+00;
	v0 =	vunpack.i.u.bf16.f32 v7  }
0x4e: {  	[tilespmem:s0+$0x20] =	vst v1;
	v5 =	vunpack.i.l.bf16.f32 v7;
	v1 =	vunpack.i.u.bf16.f32 v6;
	v6 =	vunpack.i.l.bf16.f32 v6;
	v7 =	vld [tilespmem:s24+$0xFFFFFFE0]  }
0x4f: {  	[tilespmem:s0+$0x30] =	vst v3;
	v3 =	vadd.f32 v6, v5;
	v0 =	vadd.f32 v1, v0;
	v1 =	vld [tilespmem:s25+$0xFFFFFFE0]  }
0x50: {  	v5 =	vld [tilespmem:s24+$0x20]  }
0x51: {  	s20 =	simm.s32 $0x76C0;
	v8 =	vld [tilespmem:s25+$0x20];
	v3 =	vmax.f32 v3, $0.0e+00;
	v6 =	vmax.f32 v0, $0.0e+00;
	v0 =	vunpack.i.l.bf16.f32 v2  }
0x52: {  	v14 =	vld [tilespmem:s20+$0xFFFFFFC0];
	v2 =	vunpack.i.u.bf16.f32 v2;
	v9 =	vunpack.i.u.bf16.f32 v4;
	v4 =	vunpack.i.l.bf16.f32 v4  }
0x53: {  	s15 =	simm.s32 $0x8AC0;
	v10 =	vld [tilespmem:s20+$0x40];
	v2 =	vadd.f32 v9, v2;
	v0 =	vadd.f32 v4, v0;
	v11 =	vunpack.i.u.bf16.f32 v7  }
0x54: {  	v9 =	vld [tilespmem:s15+$0x40];
	v7 =	vunpack.i.l.bf16.f32 v7;
	v12 =	vunpack.i.u.bf16.f32 v1;
	v1 =	vunpack.i.l.bf16.f32 v1  }
0x55: {  	v4 =	vld [tilespmem:s15+$0xFFFFFF80];
	v13 =	vunpack.i.u.bf16.f32 v5;
	v5 =	vunpack.i.l.bf16.f32 v5;
	v1 =	vadd.f32 v1, v7  }
0x56: {  	v15 =	vld [tilespmem:s15+$0xFFFFFFC0];
	v7 =	vunpack.i.u.bf16.f32 v8;
	v8 =	vunpack.i.l.bf16.f32 v8;
	v11 =	vadd.f32 v12, v11  }
0x57: {  	v17 =	vld [tilespmem:s20+$0xFFFFFF80];
	[tilespmem:s0+$0xFFFFFF50] =	vst v6;
	v6 =	vunpack.i.u.bf16.f32 v14;
	v5 =	vadd.f32 v8, v5;
	v7 =	vadd.f32 v7, v13  }
0x58: {  	v13 =	vunpack.i.l.bf16.f32 v10;
	v10 =	vunpack.i.u.bf16.f32 v10;
	v1 =	vmax.f32 v1, $0.0e+00  }
0x59: {  	[tilespmem:s0+$0xFFFFFF40] =	vst v3;
	v12 =	vld [tilespmem:s15+$0x0];
	v16 =	vunpack.i.l.bf16.f32 v9;
	v11 =	vmax.f32 v11, $0.0e+00;
	v9 =	vunpack.i.u.bf16.f32 v9  }
0x5a: {  	v8 =	vld [tilespmem:s20+$0x0];
	v3 =	vunpack.i.u.bf16.f32 v4;
	v4 =	vunpack.i.l.bf16.f32 v4;
	v13 =	vadd.f32 v16, v13;
	[tilespmem:s0+$0xFFFFFFC0] =	vst v1  }
0x5b: {  	v9 =	vadd.f32 v9, v10;
	v10 =	vunpack.i.l.bf16.f32 v14;
	[tilespmem:s0+$0xFFFFFFD0] =	vst v11;
	v5 =	vmax.f32 v5, $0.0e+00  }
0x5c: {  	s2 =	simm.s32 $0xA040;
	v14 =	vunpack.i.u.bf16.f32 v15;
	v1 =	vunpack.i.u.bf16.f32 v17;
	[tilespmem:s0+$0x40] =	vst v5;
	v13 =	vmax.f32 v13, $0.0e+00  }
0x5d: {  	v15 =	vunpack.i.l.bf16.f32 v15;
	v1 =	vadd.f32 v3, v1;
	v9 =	vmax.f32 v9, $0.0e+00;
	[tilespmem:s2+$0x80] =	vst v13  }
0x5e: {  	v6 =	vadd.f32 v14, v6;
	v5 =	vmax.f32 v7, $0.0e+00;
	v7 =	vld [tilespmem:s24+$0xFFFFFFF0];
	v18 =	vunpack.i.u.bf16.f32 v12;
	[tilespmem:s2+$0x90] =	vst v9  }
0x5f: {  	v12 =	vunpack.i.l.bf16.f32 v12;
	v53 =	vunpack.i.u.bf16.f32 v8;
	v9 =	vunpack.i.l.bf16.f32 v17;
	v54 =	vld [tilespmem:s20+$0x50]  }
0x60: {  	[tilespmem:s0+$0x50] =	vst v5;
	v8 =	vunpack.i.l.bf16.f32 v8;
	v1 =	vmax.f32 v1, $0.0e+00;
	v4 =	vadd.f32 v4, v9;
	v3 =	vld [tilespmem:s15+$0x50]  }
0x61: {  	v5 =	vld [tilespmem:s25+$0xFFFFFFF0];
	v6 =	vmax.f32 v6, $0.0e+00;
	v8 =	vadd.f32 v12, v8;
	v11 =	vadd.f32 v18, v53;
	[tilespmem:s2+$0xFFFFFF10] =	vst v1  }
0x62: {  	v10 =	vadd.f32 v15, v10;
	v13 =	vld [tilespmem:s24+$0xFFFFFFB0];
	[tilespmem:s2+$0xFFFFFF90] =	vst v6;
	v4 =	vmax.f32 v4, $0.0e+00  }
0x63: {  	v9 =	vld [tilespmem:s25+$0xFFFFFFB0];
	v1 =	vmax.f32 v8, $0.0e+00;
	v8 =	vmax.f32 v11, $0.0e+00;
	[tilespmem:s2+$0xFFFFFF00] =	vst v4  }
0x64: {  	v2 =	vmax.f32 v2, $0.0e+00;
	v4 =	vmax.f32 v10, $0.0e+00;
	v10 =	vld [tilespmem:s24+$0x30];
	[tilespmem:s2+$0x10] =	vst v8  }
0x65: {  	v8 =	vunpack.i.u.bf16.f32 v7;
	v12 =	vld [tilespmem:s20+$0xFFFFFF90];
	[tilespmem:s2+$0xFFFFFF80] =	vst v4;
	v4 =	vunpack.i.l.bf16.f32 v54;
	v14 =	vunpack.i.l.bf16.f32 v3  }
0x66: {  	[tilespmem:s2+$0x0] =	vst v1;
	v15 =	vld [tilespmem:s15+$0xFFFFFF90];
	v6 =	vunpack.i.u.bf16.f32 v54;
	v3 =	vunpack.i.u.bf16.f32 v3;
	v4 =	vadd.f32 v14, v4  }
0x67: {  	v7 =	vunpack.i.l.bf16.f32 v7;
	v11 =	vunpack.i.u.bf16.f32 v13;
	v55 =	vld [tilespmem:s20+$0x10];
	v1 =	vadd.f32 v3, v6  }
0x68: {  	v13 =	vunpack.i.l.bf16.f32 v13;
	v57 =	vld [tilespmem:s15+$0x10];
	v6 =	vunpack.i.l.bf16.f32 v9;
	v4 =	vmax.f32 v4, $0.0e+00  }
0x69: {  	v14 =	vld [tilespmem:s20+$0xFFFFFFD0];
	v3 =	vunpack.i.u.bf16.f32 v9;
	v6 =	vadd.f32 v6, v13;
	v1 =	vmax.f32 v1, $0.0e+00;
	[tilespmem:s2+$0xA0] =	vst v4  }
0x6a: {  	v9 =	vld [tilespmem:s15+$0xFFFFFFD0];
	v3 =	vadd.f32 v3, v11;
	v11 =	vmax.f32 v0, $0.0e+00;
	v19 =	vunpack.i.u.bf16.f32 v10;
	[tilespmem:s2+$0xB0] =	vst v1  }
0x6b: {  	v10 =	vunpack.i.l.bf16.f32 v10;
	v4 =	vunpack.i.u.bf16.f32 v5;
	v5 =	vunpack.i.l.bf16.f32 v5;
	v20 =	vld [tilespmem:s20+$0x60]  }
0x6c: {  	v56 =	vunpack.i.u.bf16.f32 v12;
	v12 =	vunpack.i.l.bf16.f32 v12;
	v1 =	vunpack.i.u.bf16.f32 v15;
	v21 =	vld [tilespmem:s15+$0x60]  }
0x6d: {  	v15 =	vunpack.i.l.bf16.f32 v15;
	v59 =	vunpack.i.u.bf16.f32 v55;
	v16 =	vunpack.i.l.bf16.f32 v55  }
0x6e: {  	v18 =	vunpack.i.u.bf16.f32 v57;
	v12 =	vadd.f32 v15, v12;
	v1 =	vadd.f32 v1, v56  }
0x6f: {  	v15 =	vunpack.i.u.bf16.f32 v14;
	v14 =	vunpack.i.l.bf16.f32 v14;
	v58 =	vunpack.i.l.bf16.f32 v9  }
0x70: {  	[tilespmem:s0+$0xE0] =	vst v11;
	v11 =	vmax.f32 v3, $0.0e+00;
	v14 =	vadd.f32 v58, v14;
	v12 =	vmax.f32 v12, $0.0e+00  }
0x71: {  	v1 =	vmax.f32 v1, $0.0e+00;
	[tilespmem:s2+$0xFFFFFF20] =	vst v12;
	v12 =	vunpack.i.l.bf16.f32 v20;
	v60 =	vunpack.i.l.bf16.f32 v21  }
0x72: {  	v22 =	vld [tilespmem:s25+$0x30];
	[tilespmem:s2+$0xFFFFFF30] =	vst v1;
	v1 =	vunpack.i.u.bf16.f32 v20;
	v61 =	vunpack.i.u.bf16.f32 v21;
	v12 =	vadd.f32 v60, v12  }
0x73: {  	[tilespmem:s0+$0xF0] =	vst v2;
	v9 =	vunpack.i.u.bf16.f32 v9;
	v62 =	vld [tilespmem:s20+$0xFFFFFFA0];
	v14 =	vmax.f32 v14, $0.0e+00;
	v1 =	vadd.f32 v61, v1  }
0x74: {  	v9 =	vadd.f32 v9, v15;
	v15 =	vunpack.i.l.bf16.f32 v57;
	v63 =	vld [tilespmem:s15+$0xFFFFFFA0];
	[tilespmem:s2+$0xFFFFFFA0] =	vst v14;
	v12 =	vmax.f32 v12, $0.0e+00  }
0x75: {  	v2 =	vadd.f32 v18, v59;
	v15 =	vadd.f32 v15, v16;
	v1 =	vmax.f32 v1, $0.0e+00;
	[tilespmem:s2+$0xC0] =	vst v12  }
0x76: {  	v5 =	vadd.f32 v5, v7;
	v7 =	vadd.f32 v4, v8;
	v9 =	vmax.f32 v9, $0.0e+00;
	[tilespmem:s2+$0xD0] =	vst v1  }
0x77: {  	v2 =	vmax.f32 v2, $0.0e+00;
	v14 =	vmax.f32 v15, $0.0e+00;
	v15 =	vunpack.i.l.bf16.f32 v22;
	[tilespmem:s2+$0xFFFFFFB0] =	vst v9;
	v9 =	vld [tilespmem:s20+$0x70]  }
0x78: {  	v12 =	vunpack.i.u.bf16.f32 v22;
	v4 =	vunpack.i.u.bf16.f32 v62;
	v8 =	vunpack.i.l.bf16.f32 v62;
	v13 =	vld [tilespmem:s15+$0x70]  }
0x79: {  	[tilespmem:s2+$0x20] =	vst v14;
	v0 =	vld [tilespmem:s20+$0xFFFFFFE0];
	v1 =	vadd.f32 v15, v10;
	v10 =	vunpack.i.u.bf16.f32 v63;
	v14 =	vunpack.i.l.bf16.f32 v63  }
0x7a: {  	[tilespmem:s2+$0x30] =	vst v2;
	v8 =	vadd.f32 v14, v8;
	v10 =	vadd.f32 v10, v4;
	v4 =	vmax.f32 v6, $0.0e+00;
	v6 =	vld [tilespmem:s15+$0xFFFFFFE0]  }
0x7b: {  	v3 =	vmax.f32 v7, $0.0e+00;
	v7 =	vld [tilespmem:s20+$0x20];
	v2 =	vadd.f32 v12, v19;
	[tilespmem:s0+$0xFFFFFF60] =	vst v4;
	v4 =	vmax.f32 v5, $0.0e+00  }
0x7c: {  	[tilespmem:s0+$0xFFFFFF70] =	vst v11;
	v14 =	vmax.f32 v8, $0.0e+00;
	v12 =	vmax.f32 v10, $0.0e+00;
	v8 =	vld [tilespmem:s15+$0x20];
	v5 =	vunpack.i.l.bf16.f32 v9  }
0x7d: {  	s10 =	simm.s32 $0x77C0;
	s7 =	simm.s32 $0x8AC0;
	s9 =	simm.s32 $0x4;
	[tilespmem:s2+$0xFFFFFF40] =	vst v14;
	v10 =	vunpack.i.u.bf16.f32 v9;
	v11 =	vunpack.i.u.bf16.f32 v13;
	v9 =	vunpack.i.l.bf16.f32 v13  }
.LBB2_2:
0x7e: {  	v13 =	vld [tilespmem:s10+$0x40];
	[tilespmem:s2+$0xFFFFFF50] =	vst v12;
	v12 =	vunpack.i.u.bf16.f32 v0;
	v14 =	vunpack.i.l.bf16.f32 v0;
	v10 =	vadd.f32 v11, v10;
	s15 =	sadd.s32 $0x100, s15  }
0x7f: {  	v0 =	vadd.f32 v9, v5;
	v11 =	vld [tilespmem:s15+$0x40];
	v15 =	vunpack.i.u.bf16.f32 v6;
	v6 =	vunpack.i.l.bf16.f32 v6;
	[tilespmem:s0+$0xFFFFFFE0] =	vst v4  }
0x80: {  	v4 =	vld [tilespmem:s15+$0xFFFFFF80];
	v5 =	vunpack.i.u.bf16.f32 v7;
	v7 =	vunpack.i.l.bf16.f32 v7;
	v9 =	vmax.f32 v10, $0.0e+00;
	[tilespmem:s0+$0xFFFFFFF0] =	vst v3  }
0x81: {  	v6 =	vadd.f32 v6, v14;
	v3 =	vld [tilespmem:s10+$0xFFFFFFC0];
	v10 =	vunpack.i.u.bf16.f32 v8;
	v8 =	vunpack.i.l.bf16.f32 v8;
	[tilespmem:s2+$0xF0] =	vst v9  }
0x82: {  	v1 =	vmax.f32 v1, $0.0e+00;
	v12 =	vadd.f32 v15, v12;
	v9 =	vld [tilespmem:s15+$0xFFFFFFC0];
	v7 =	vadd.f32 v8, v7  }
0x83: {  	v6 =	vmax.f32 v6, $0.0e+00;
	v5 =	vadd.f32 v10, v5;
	v8 =	vld [tilespmem:s10+$0x0];
	[tilespmem:s0+$0x60] =	vst v1;
	v1 =	vmax.f32 v2, $0.0e+00  }
0x84: {  	v10 =	vunpack.i.l.bf16.f32 v13;
	v2 =	vld [tilespmem:s15+$0x0];
	v14 =	vunpack.i.l.bf16.f32 v11;
	[tilespmem:s2+$0xFFFFFFC0] =	vst v6;
	v6 =	vmax.f32 v12, $0.0e+00  }
0x85: {  	s9 =	sadd.s32 $0x4, s9;
	v13 =	vunpack.i.u.bf16.f32 v13;
	v11 =	vunpack.i.u.bf16.f32 v11;
	v12 =	vld [tilespmem:s10+$0xFFFFFF80];
	v10 =	vadd.f32 v14, v10;
	[tilespmem:s2+$0xFFFFFFD0] =	vst v6  }
0x86: {  	p1 =	slt.u32 s9, $0x4C;
	v6 =	vunpack.i.u.bf16.f32 v4;
	v4 =	vunpack.i.l.bf16.f32 v4;
	v11 =	vadd.f32 v11, v13;
	v13 =	vld [tilespmem:s20+$0xFFFFFFB0];
	[tilespmem:s0+$0x70] =	vst v1;
	s0 =	smov.u32 s2  }
0x87: {  	v1 =	vunpack.i.u.bf16.f32 v3;
	v3 =	vunpack.i.l.bf16.f32 v3;
	s2 =	sadd.s32 $0x200, s2;
	v10 =	vmax.f32 v10, $0.0e+00;
	v14 =	vld [tilespmem:s7+$0xFFFFFFB0]  }
0x88: {  	v15 =	vunpack.i.u.bf16.f32 v9;
	v9 =	vunpack.i.l.bf16.f32 v9;
	[tilespmem:s2+$0x80] =	vst v10;
	v10 =	vmax.f32 v11, $0.0e+00;
	v11 =	vld [tilespmem:s20+$0xFFFFFFF0]  }
0x89: {  	v16 =	vunpack.i.u.bf16.f32 v8;
	v8 =	vunpack.i.l.bf16.f32 v8;
	v17 =	vunpack.i.u.bf16.f32 v2;
	[tilespmem:s2+$0x90] =	vst v10;
	v10 =	vld [tilespmem:s7+$0xFFFFFFF0]  }
0x8a: {  	v2 =	vunpack.i.l.bf16.f32 v2;
	v18 =	vunpack.i.u.bf16.f32 v12;
	v12 =	vunpack.i.l.bf16.f32 v12;
	v19 =	vld [tilespmem:s10+$0x50]  }
0x8b: {  	v7 =	vmax.f32 v7, $0.0e+00;
	v4 =	vadd.f32 v4, v12;
	v6 =	vadd.f32 v6, v18;
	v12 =	vld [tilespmem:s15+$0x50]  }
0x8c: {  	v5 =	vmax.f32 v5, $0.0e+00;
	v3 =	vadd.f32 v9, v3;
	v1 =	vadd.f32 v15, v1;
	[tilespmem:s0+$0x40] =	vst v7  }
0x8d: {  	v2 =	vadd.f32 v2, v8;
	v7 =	vadd.f32 v17, v16;
	v4 =	vmax.f32 v4, $0.0e+00;
	[tilespmem:s0+$0x50] =	vst v5  }
0x8e: {  	v3 =	vmax.f32 v3, $0.0e+00;
	v1 =	vmax.f32 v1, $0.0e+00;
	[tilespmem:s2+$0xFFFFFF00] =	vst v4;
	v4 =	vmax.f32 v6, $0.0e+00;
	v5 =	vld [tilespmem:s20+$0x30];
	s20 =	smov.u32 s10  }
0x8f: {  	v2 =	vmax.f32 v2, $0.0e+00;
	v6 =	vunpack.i.u.bf16.f32 v13;
	[tilespmem:s2+$0xFFFFFF10] =	vst v4;
	v4 =	vmax.f32 v7, $0.0e+00;
	v7 =	vld [tilespmem:s7+$0x30];
	s7 =	smov.u32 s15  }
0x90: {  	v13 =	vunpack.i.l.bf16.f32 v13;
	v8 =	vld [tilespmem:s10+$0xFFFFFF90];
	[tilespmem:s2+$0xFFFFFF80] =	vst v3;
	v3 =	vunpack.i.l.bf16.f32 v19;
	v9 =	vunpack.i.l.bf16.f32 v12  }
0x91: {  	v12 =	vunpack.i.u.bf16.f32 v12;
	v15 =	vld [tilespmem:s15+$0xFFFFFF90];
	[tilespmem:s2+$0xFFFFFF90] =	vst v1;
	v1 =	vunpack.i.u.bf16.f32 v19;
	v3 =	vadd.f32 v9, v3  }
0x92: {  	v9 =	vld [tilespmem:s10+$0xFFFFFFD0];
	[tilespmem:s2+$0x0] =	vst v2;
	v1 =	vadd.f32 v12, v1;
	v2 =	vunpack.i.u.bf16.f32 v14;
	v12 =	vunpack.i.l.bf16.f32 v14  }
0x93: {  	v14 =	vld [tilespmem:s15+$0xFFFFFFD0];
	[tilespmem:s2+$0x10] =	vst v4;
	v3 =	vmax.f32 v3, $0.0e+00;
	v4 =	vunpack.i.u.bf16.f32 v11;
	v11 =	vunpack.i.l.bf16.f32 v11  }
0x94: {  	v16 =	vld [tilespmem:s10+$0x10];
	[tilespmem:s2+$0xA0] =	vst v3;
	v1 =	vmax.f32 v1, $0.0e+00;
	v3 =	vunpack.i.u.bf16.f32 v10;
	v10 =	vunpack.i.l.bf16.f32 v10  }
0x95: {  	v19 =	vunpack.i.u.bf16.f32 v5;
	v17 =	vunpack.i.u.bf16.f32 v8;
	v8 =	vunpack.i.l.bf16.f32 v8;
	v18 =	vld [tilespmem:s15+$0x10];
	[tilespmem:s2+$0xB0] =	vst v1  }
0x96: {  	v5 =	vunpack.i.l.bf16.f32 v5;
	v1 =	vunpack.i.u.bf16.f32 v15;
	v15 =	vunpack.i.l.bf16.f32 v15;
	v20 =	vld [tilespmem:s10+$0x60]  }
0x97: {  	v8 =	vadd.f32 v15, v8;
	v15 =	vunpack.i.u.bf16.f32 v9;
	v9 =	vunpack.i.l.bf16.f32 v9;
	v21 =	vld [tilespmem:s15+$0x60]  }
0x98: {  	v1 =	vadd.f32 v1, v17;
	v17 =	vunpack.i.u.bf16.f32 v14;
	v14 =	vunpack.i.l.bf16.f32 v14  }
0x99: {  	v9 =	vadd.f32 v14, v9;
	v14 =	vunpack.i.u.bf16.f32 v16;
	v16 =	vunpack.i.l.bf16.f32 v16  }
0x9a: {  	v15 =	vadd.f32 v17, v15;
	v17 =	vunpack.i.u.bf16.f32 v18;
	v18 =	vunpack.i.l.bf16.f32 v18  }
0x9b: {  	v8 =	vmax.f32 v8, $0.0e+00;
	v16 =	vadd.f32 v18, v16;
	v14 =	vadd.f32 v17, v14  }
0x9c: {  	v1 =	vmax.f32 v1, $0.0e+00;
	[tilespmem:s2+$0xFFFFFF20] =	vst v8;
	v8 =	vunpack.i.l.bf16.f32 v20;
	v17 =	vunpack.i.l.bf16.f32 v21  }
0x9d: {  	v18 =	vunpack.i.u.bf16.f32 v21;
	[tilespmem:s2+$0xFFFFFF30] =	vst v1;
	v1 =	vunpack.i.u.bf16.f32 v20;
	v8 =	vadd.f32 v17, v8  }
0x9e: {  	v9 =	vmax.f32 v9, $0.0e+00;
	v15 =	vmax.f32 v15, $0.0e+00;
	v17 =	vld [tilespmem:s10+$0xFFFFFFA0];
	v1 =	vadd.f32 v18, v1  }
0x9f: {  	v14 =	vmax.f32 v14, $0.0e+00;
	v18 =	vld [tilespmem:s15+$0xFFFFFFA0];
	[tilespmem:s2+$0xFFFFFFA0] =	vst v9;
	v9 =	vmax.f32 v16, $0.0e+00;
	v8 =	vmax.f32 v8, $0.0e+00  }
0xa0: {  	[tilespmem:s2+$0xC0] =	vst v8;
	v1 =	vmax.f32 v1, $0.0e+00;
	v8 =	vunpack.i.u.bf16.f32 v7;
	v7 =	vunpack.i.l.bf16.f32 v7  }
0xa1: {  	v12 =	vadd.f32 v12, v13;
	v13 =	vadd.f32 v2, v6;
	v16 =	vmax.f32 v0, $0.0e+00;
	[tilespmem:s2+$0xD0] =	vst v1  }
0xa2: {  	v10 =	vadd.f32 v10, v11;
	v3 =	vadd.f32 v3, v4;
	[tilespmem:s2+$0xFFFFFFB0] =	vst v15;
	v15 =	vld [tilespmem:s10+$0x70]  }
0xa3: {  	v1 =	vadd.f32 v7, v5;
	v4 =	vunpack.i.u.bf16.f32 v17;
	v6 =	vunpack.i.l.bf16.f32 v17;
	[tilespmem:s2+$0x20] =	vst v9;
	v9 =	vld [tilespmem:s15+$0x70]  }
.Ltmp0:
0xa4: {  	v2 =	vadd.f32 v8, v19;
	v5 =	vunpack.i.u.bf16.f32 v18;
	v7 =	vunpack.i.l.bf16.f32 v18;
	v0 =	vld [tilespmem:s10+$0xFFFFFFE0];
	[tilespmem:s2+$0x30] =	vst v14;
	(pc) =	sbr.rel @p1 .LBB2_2-.Ltmp0, $4  }
0xa5: {  	v8 =	vadd.f32 v7, v6;
	v5 =	vadd.f32 v5, v4;
	v6 =	vld [tilespmem:s15+$0xFFFFFFE0];
	v4 =	vmax.f32 v12, $0.0e+00;
	[tilespmem:s0+$0xE0] =	vst v16  }
0xa6: {  	v11 =	vmax.f32 v13, $0.0e+00;
	v3 =	vmax.f32 v3, $0.0e+00;
	v7 =	vld [tilespmem:s10+$0x20];
	[tilespmem:s0+$0xFFFFFF60] =	vst v4;
	v4 =	vmax.f32 v10, $0.0e+00  }
0xa7: {  	v10 =	vmax.f32 v8, $0.0e+00;
	v12 =	vmax.f32 v5, $0.0e+00;
	v8 =	vld [tilespmem:s15+$0x20];
	v5 =	vunpack.i.l.bf16.f32 v15;
	[tilespmem:s0+$0xFFFFFF70] =	vst v11  }
0xa8: {  	s10 =	sadd.s32 $0x100, s10;
	[tilespmem:s2+$0xFFFFFF40] =	vst v10;
	v10 =	vunpack.i.u.bf16.f32 v15;
	v11 =	vunpack.i.u.bf16.f32 v9;
	v9 =	vunpack.i.l.bf16.f32 v9  }
0xa9: {  	_ = 	snop  }
0xaa: {  	v13 =	vunpack.i.u.bf16.f32 v0;
	v0 =	vunpack.i.l.bf16.f32 v0;
	v14 =	vunpack.i.l.bf16.f32 v6  }
0xab: {  	v6 =	vunpack.i.u.bf16.f32 v6;
	v0 =	vadd.f32 v14, v0  }
0xac: {  	v15 =	vunpack.i.u.bf16.f32 v7;
	v6 =	vadd.f32 v6, v13  }
0xad: {  	[tilespmem:s2+$0xFFFFFF50] =	vst v12;
	v7 =	vunpack.i.l.bf16.f32 v7;
	v14 =	vunpack.i.l.bf16.f32 v8;
	v0 =	vmax.f32 v0, $0.0e+00  }
0xae: {  	v8 =	vunpack.i.u.bf16.f32 v8;
	v7 =	vadd.f32 v14, v7;
	[tilespmem:s2+$0xFFFFFFC0] =	vst v0;
	v0 =	vmax.f32 v6, $0.0e+00;
	v6 =	vld [tilespmem:s20+$0xFFFFFFB0]  }
0xaf: {  	v8 =	vadd.f32 v8, v15;
	[tilespmem:s2+$0xFFFFFFD0] =	vst v0;
	v0 =	vld [tilespmem:s7+$0xFFFFFFB0]  }
0xb0: {  	v7 =	vmax.f32 v7, $0.0e+00;
	v12 =	vld [tilespmem:s20+$0xFFFFFFF0]  }
0xb1: {  	v5 =	vadd.f32 v9, v5;
	[tilespmem:s2+$0x40] =	vst v7;
	v7 =	vmax.f32 v8, $0.0e+00;
	v8 =	vadd.f32 v11, v10;
	v10 =	vld [tilespmem:s7+$0xFFFFFFF0]  }
0xb2: {  	[tilespmem:s2+$0x50] =	vst v7  }
0xb3: {  	[tilespmem:s0+$0xFFFFFFE0] =	vst v4;
	v1 =	vmax.f32 v1, $0.0e+00;
	v2 =	vmax.f32 v2, $0.0e+00;
	v5 =	vmax.f32 v5, $0.0e+00;
	v7 =	vld [tilespmem:s20+$0x30]  }
0xb4: {  	[tilespmem:s0+$0xFFFFFFF0] =	vst v3;
	v4 =	vmax.f32 v8, $0.0e+00;
	v8 =	vld [tilespmem:s7+$0x30];
	v3 =	vunpack.i.u.bf16.f32 v6;
	v6 =	vunpack.i.l.bf16.f32 v6  }
0xb5: {  	[tilespmem:s2+$0xF0] =	vst v4;
	v9 =	vunpack.i.u.bf16.f32 v0;
	v0 =	vunpack.i.l.bf16.f32 v0;
	v4 =	vunpack.i.u.bf16.f32 v12  }
0xb6: {  	[tilespmem:s0+$0x60] =	vst v1;
	v11 =	vunpack.i.l.bf16.f32 v12;
	v1 =	vunpack.i.u.bf16.f32 v10;
	v0 =	vadd.f32 v0, v6  }
0xb7: {  	[tilespmem:s0+$0x70] =	vst v2;
	v10 =	vunpack.i.l.bf16.f32 v10;
	v3 =	vadd.f32 v9, v3;
	v1 =	vadd.f32 v1, v4  }
0xb8: {  	[tilespmem:s2+$0xE0] =	vst v5;
	v2 =	vunpack.i.u.bf16.f32 v7;
	v6 =	vunpack.i.l.bf16.f32 v7;
	v0 =	vmax.f32 v0, $0.0e+00  }
0xb9: {  	v7 =	vadd.f32 v10, v11;
	v5 =	vunpack.i.l.bf16.f32 v8;
	[tilespmem:s2+$0xFFFFFF60] =	vst v0;
	v0 =	vmax.f32 v3, $0.0e+00  }
0xba: {  	v3 =	vunpack.i.u.bf16.f32 v8;
	v4 =	vadd.f32 v5, v6;
	v1 =	vmax.f32 v1, $0.0e+00;
	[tilespmem:s2+$0xFFFFFF70] =	vst v0  }
0xbb: {  	v5 =	vmax.f32 v7, $0.0e+00;
	v0 =	vadd.f32 v3, v2;
	[tilespmem:s2+$0xFFFFFFF0] =	vst v1  }
0xbc: {  	[tilespmem:s2+$0xFFFFFFE0] =	vst v5;
	v1 =	vmax.f32 v4, $0.0e+00  }
0xbd: {  	[tilespmem:s2+$0x60] =	vst v1;
	v0 =	vmax.f32 v0, $0.0e+00;
	v1 =	vlaneseq.u32 @!p0  }
0xbe: {  	[tilespmem:s2+$0x70] =	vst v0;
	v0 =	vmul.u32 @!p0 $0x80, v1  }
0xbf: {  	v1 =	vld @!p0 [tilespmem:$0x4E20];
	_ =	sdelay $0x3  }
0xc0: {  	s0 =	simm.s32 @!p0 $0x9D40  }
0xc1: {  	[tilespmem:v0+s0+$0x0] =	vst.idx.add.f32.msk @!p0 $0xffff, v1  }
0xc2: {  	v2 =	vor.u32 @!p0 $0x800, v0;
	v1 =	vld @!p0 [tilespmem:$0x4E30];
	_ =	sdelay $0x4  }
0xc3: {  	[tilespmem:v2+s0+$0x0] =	vst.idx.add.f32.msk @!p0 $0xffff, v1  }
0xc4: {  	v2 =	vor.u32 @!p0 $0x1000, v0;
	v1 =	vld @!p0 [tilespmem:$0x4E40];
	_ =	sdelay $0x4  }
0xc5: {  	[tilespmem:v2+s0+$0x0] =	vst.idx.add.f32.msk @!p0 $0xffff, v1  }
0xc6: {  	v2 =	vor.u32 @!p0 $0x1800, v0;
	v1 =	vld @!p0 [tilespmem:$0x4E50];
	_ =	sdelay $0x4  }
0xc7: {  	[tilespmem:v2+s0+$0x0] =	vst.idx.add.f32.msk @!p0 $0xffff, v1  }
0xc8: {  	v0 =	vor.u32 @!p0 $0x2000, v0;
	v1 =	vld @!p0 [tilespmem:$0x4E60];
	_ =	sdelay $0x4  }
0xc9: {  	s15 =	rddreg [dreg:$0x5];
	[tilespmem:v0+s0+$0x0] =	vst.idx.add.f32.msk @!p0 $0xffff, v1  }
0xca: {  	[hbm4b:s15+s3] =	stream.linear.scatter [tilespmem:s23], [sflag:$0x3], $0x2800, $0x38;
	[tilespmem:$0x11540] =	vst v63  }
0xcb: {  	s20 =	simm.s32 $0xA0  }
0xcc: {  	[tilespmem:s17], [sflag:$0x1] =	stream.indirect.gather [hbm4b:s4+s16], $0x40, s20, s16, $0xb8;
	[tilespmem:$0x11540] =	vst v63  }
0xcd: {  	s24 =	simm.s32 $0x27B0  }
0xce: {  	[tilespmem:s18], [sflag:$0x1] =	stream.indirect.gather [hbm4b:s5+s16], $0x40, s24, s16, $0xb8;
	[tilespmem:$0x11540] =	vst v63  }
0xcf: {  	_ =	swait.ge [sflag:s26], $0x1400  }
0xd0: {  	[sflag:s26] =	ssyncset.done $0x0  }
0xd1: {  	[sflag:s26] =	ssyncadd.s32 $0xFFFFEC00  }
0xd2: {  	_ =	swait.ge [sflag:s26], $0x1400  }
0xd3: {  	[sflag:s26] =	ssyncset.done $0x0  }
0xd4: {  	s9 =	simm.s32 $0xC5C0;
	[sflag:s26] =	ssyncadd.s32 $0xFFFFEC00  }
0xd5: {  	s25 =	simm.s32 $0xD9C0;
	v0 =	vld [tilespmem:s9+$0x40]  }
0xd6: {  	v1 =	vld [tilespmem:s25+$0x40];
	_ =	sdelay $0x4  }
0xd7: {  	v4 =	vld [tilespmem:s25+$0xFFFFFF80];
	v2 =	vunpack.i.l.bf16.f32 v0;
	v3 =	vunpack.i.l.bf16.f32 v1  }
0xd8: {  	v5 =	vld [tilespmem:s25+$0xFFFFFFC0];
	v0 =	vunpack.i.u.bf16.f32 v0;
	v1 =	vunpack.i.u.bf16.f32 v1;
	v2 =	vadd.f32 v3, v2  }
0xd9: {  	v0 =	vadd.f32 v1, v0;
	v1 =	vld [tilespmem:s9+$0xFFFFFF80]  }
0xda: {  	s0 =	simm.s32 $0xEE40;
	v3 =	vld [tilespmem:s9+$0xFFFFFFC0];
	v2 =	vmax.f32 v2, $0.0e+00  }
0xdb: {  	v0 =	vmax.f32 v0, $0.0e+00;
	[tilespmem:s0+$0x80] =	vst v2  }
0xdc: {  	[tilespmem:s0+$0x90] =	vst v0  }
0xdd: {  	v10 =	vunpack.i.l.bf16.f32 v5;
	v5 =	vunpack.i.u.bf16.f32 v5;
	v2 =	vunpack.i.u.bf16.f32 v4;
	v0 =	vld [tilespmem:s9+$0x50]  }
0xde: {  	v4 =	vunpack.i.l.bf16.f32 v4;
	v6 =	vld [tilespmem:s25+$0x50];
	v8 =	vunpack.i.u.bf16.f32 v1;
	v1 =	vunpack.i.l.bf16.f32 v1  }
0xdf: {  	v7 =	vunpack.i.l.bf16.f32 v3;
	v3 =	vunpack.i.u.bf16.f32 v3;
	v1 =	vadd.f32 v4, v1  }
0xe0: {  	v9 =	vld [tilespmem:s9+$0x0];
	v2 =	vadd.f32 v2, v8;
	v3 =	vadd.f32 v5, v3  }
0xe1: {  	v4 =	vld [tilespmem:s25+$0x0];
	v7 =	vadd.f32 v10, v7  }
0xe2: {  	v1 =	vmax.f32 v1, $0.0e+00;
	v2 =	vmax.f32 v2, $0.0e+00;
	v3 =	vmax.f32 v3, $0.0e+00  }
0xe3: {  	[tilespmem:s0+$0xFFFFFF00] =	vst v1;
	v1 =	vmax.f32 v7, $0.0e+00;
	v5 =	vunpack.i.l.bf16.f32 v0;
	v7 =	vunpack.i.l.bf16.f32 v6  }
0xe4: {  	[tilespmem:s0+$0xFFFFFF10] =	vst v2;
	v0 =	vunpack.i.u.bf16.f32 v0;
	v2 =	vunpack.i.u.bf16.f32 v6;
	v5 =	vadd.f32 v7, v5  }
0xe5: {  	v6 =	vunpack.i.u.bf16.f32 v9;
	[tilespmem:s0+$0xFFFFFF90] =	vst v3;
	v0 =	vadd.f32 v2, v0;
	v8 =	vld [tilespmem:s25+$0xFFFFFF90]  }
0xe6: {  	v7 =	vld [tilespmem:s9+$0xFFFFFF90];
	[tilespmem:s0+$0xFFFFFF80] =	vst v1;
	v1 =	vunpack.i.l.bf16.f32 v9;
	v2 =	vunpack.i.l.bf16.f32 v4;
	v3 =	vmax.f32 v5, $0.0e+00  }
0xe7: {  	v4 =	vunpack.i.u.bf16.f32 v4;
	v1 =	vadd.f32 v2, v1;
	v2 =	vld [tilespmem:s9+$0xFFFFFFD0];
	v0 =	vmax.f32 v0, $0.0e+00;
	[tilespmem:s0+$0xA0] =	vst v3  }
0xe8: {  	v3 =	vadd.f32 v4, v6;
	v4 =	vld [tilespmem:s25+$0xFFFFFFD0];
	[tilespmem:s0+$0xB0] =	vst v0  }
0xe9: {  	v0 =	vmax.f32 v1, $0.0e+00;
	v1 =	vld [tilespmem:s9+$0x60]  }
0xea: {  	v3 =	vmax.f32 v3, $0.0e+00;
	[tilespmem:s0+$0x0] =	vst v0;
	v0 =	vld [tilespmem:s25+$0x60];
	v5 =	vunpack.i.l.bf16.f32 v8  }
0xeb: {  	v8 =	vunpack.i.u.bf16.f32 v8;
	[tilespmem:s0+$0x10] =	vst v3;
	v3 =	vunpack.i.l.bf16.f32 v7;
	v7 =	vunpack.i.u.bf16.f32 v7  }
0xec: {  	v3 =	vadd.f32 v5, v3;
	v5 =	vunpack.i.u.bf16.f32 v2;
	v2 =	vunpack.i.l.bf16.f32 v2  }
0xed: {  	v6 =	vld [tilespmem:s9+$0x10];
	v7 =	vadd.f32 v8, v7;
	v9 =	vunpack.i.u.bf16.f32 v4;
	v4 =	vunpack.i.l.bf16.f32 v4  }
0xee: {  	v8 =	vld [tilespmem:s25+$0x10];
	v3 =	vmax.f32 v3, $0.0e+00;
	v2 =	vadd.f32 v4, v2  }
0xef: {  	[tilespmem:s0+$0xFFFFFF20] =	vst v3;
	v3 =	vmax.f32 v7, $0.0e+00;
	v7 =	vunpack.i.l.bf16.f32 v1;
	v10 =	vunpack.i.l.bf16.f32 v0  }
0xf0: {  	v1 =	vunpack.i.u.bf16.f32 v1;
	v0 =	vunpack.i.u.bf16.f32 v0;
	[tilespmem:s0+$0xFFFFFF30] =	vst v3;
	v3 =	vadd.f32 v10, v7  }
0xf1: {  	v5 =	vadd.f32 v9, v5;
	v0 =	vadd.f32 v0, v1;
	v7 =	vld [tilespmem:s9+$0xFFFFFFA0]  }
0xf2: {  	v4 =	vunpack.i.u.bf16.f32 v6;
	v1 =	vunpack.i.l.bf16.f32 v6;
	v6 =	vld [tilespmem:s25+$0xFFFFFFA0];
	v3 =	vmax.f32 v3, $0.0e+00  }
0xf3: {  	v9 =	vunpack.i.u.bf16.f32 v8;
	v8 =	vunpack.i.l.bf16.f32 v8;
	v0 =	vmax.f32 v0, $0.0e+00;
	[tilespmem:s0+$0xC0] =	vst v3  }
0xf4: {  	v2 =	vmax.f32 v2, $0.0e+00;
	v1 =	vadd.f32 v8, v1;
	v3 =	vadd.f32 v9, v4;
	[tilespmem:s0+$0xD0] =	vst v0  }
0xf5: {  	[tilespmem:s0+$0xFFFFFFA0] =	vst v2;
	v0 =	vmax.f32 v5, $0.0e+00;
	v2 =	vld [tilespmem:s9+$0x70]  }
0xf6: {  	v1 =	vmax.f32 v1, $0.0e+00;
	[tilespmem:s0+$0xFFFFFFB0] =	vst v0;
	v4 =	vld [tilespmem:s25+$0x70];
	v3 =	vmax.f32 v3, $0.0e+00;
	v0 =	vunpack.i.u.bf16.f32 v7  }
0xf7: {  	[tilespmem:s0+$0x20] =	vst v1;
	v5 =	vunpack.i.l.bf16.f32 v7;
	v1 =	vunpack.i.u.bf16.f32 v6;
	v6 =	vunpack.i.l.bf16.f32 v6;
	v7 =	vld [tilespmem:s9+$0xFFFFFFE0]  }
0xf8: {  	[tilespmem:s0+$0x30] =	vst v3;
	v3 =	vadd.f32 v6, v5;
	v0 =	vadd.f32 v1, v0;
	v1 =	vld [tilespmem:s25+$0xFFFFFFE0]  }
0xf9: {  	v5 =	vld [tilespmem:s9+$0x20]  }
0xfa: {  	s20 =	simm.s32 $0xC6C0;
	v8 =	vld [tilespmem:s25+$0x20];
	v3 =	vmax.f32 v3, $0.0e+00;
	v6 =	vmax.f32 v0, $0.0e+00;
	v0 =	vunpack.i.l.bf16.f32 v2  }
0xfb: {  	v14 =	vld [tilespmem:s20+$0xFFFFFFC0];
	v2 =	vunpack.i.u.bf16.f32 v2;
	v9 =	vunpack.i.u.bf16.f32 v4;
	v4 =	vunpack.i.l.bf16.f32 v4  }
0xfc: {  	s15 =	simm.s32 $0xDAC0;
	v10 =	vld [tilespmem:s20+$0x40];
	v2 =	vadd.f32 v9, v2;
	v0 =	vadd.f32 v4, v0;
	v11 =	vunpack.i.u.bf16.f32 v7  }
0xfd: {  	v9 =	vld [tilespmem:s15+$0x40];
	v7 =	vunpack.i.l.bf16.f32 v7;
	v12 =	vunpack.i.u.bf16.f32 v1;
	v1 =	vunpack.i.l.bf16.f32 v1  }
0xfe: {  	v4 =	vld [tilespmem:s15+$0xFFFFFF80];
	v13 =	vunpack.i.u.bf16.f32 v5;
	v5 =	vunpack.i.l.bf16.f32 v5;
	v1 =	vadd.f32 v1, v7  }
0xff: {  	v15 =	vld [tilespmem:s15+$0xFFFFFFC0];
	v7 =	vunpack.i.u.bf16.f32 v8;
	v8 =	vunpack.i.l.bf16.f32 v8;
	v11 =	vadd.f32 v12, v11  }
0x100: {  	v17 =	vld [tilespmem:s20+$0xFFFFFF80];
	[tilespmem:s0+$0xFFFFFF50] =	vst v6;
	v6 =	vunpack.i.u.bf16.f32 v14;
	v5 =	vadd.f32 v8, v5;
	v7 =	vadd.f32 v7, v13  }
0x101: {  	v13 =	vunpack.i.l.bf16.f32 v10;
	v10 =	vunpack.i.u.bf16.f32 v10;
	v1 =	vmax.f32 v1, $0.0e+00  }
0x102: {  	[tilespmem:s0+$0xFFFFFF40] =	vst v3;
	v12 =	vld [tilespmem:s15+$0x0];
	v16 =	vunpack.i.l.bf16.f32 v9;
	v11 =	vmax.f32 v11, $0.0e+00;
	v9 =	vunpack.i.u.bf16.f32 v9  }
0x103: {  	v8 =	vld [tilespmem:s20+$0x0];
	v3 =	vunpack.i.u.bf16.f32 v4;
	v4 =	vunpack.i.l.bf16.f32 v4;
	v13 =	vadd.f32 v16, v13;
	[tilespmem:s0+$0xFFFFFFC0] =	vst v1  }
0x104: {  	v9 =	vadd.f32 v9, v10;
	v10 =	vunpack.i.l.bf16.f32 v14;
	[tilespmem:s0+$0xFFFFFFD0] =	vst v11;
	v5 =	vmax.f32 v5, $0.0e+00  }
0x105: {  	s2 =	simm.s32 $0xF040;
	v14 =	vunpack.i.u.bf16.f32 v15;
	v1 =	vunpack.i.u.bf16.f32 v17;
	[tilespmem:s0+$0x40] =	vst v5;
	v13 =	vmax.f32 v13, $0.0e+00  }
0x106: {  	v15 =	vunpack.i.l.bf16.f32 v15;
	v1 =	vadd.f32 v3, v1;
	v9 =	vmax.f32 v9, $0.0e+00;
	[tilespmem:s2+$0x80] =	vst v13  }
0x107: {  	v6 =	vadd.f32 v14, v6;
	v5 =	vmax.f32 v7, $0.0e+00;
	v7 =	vld [tilespmem:s9+$0xFFFFFFF0];
	v18 =	vunpack.i.u.bf16.f32 v12;
	[tilespmem:s2+$0x90] =	vst v9  }
0x108: {  	v12 =	vunpack.i.l.bf16.f32 v12;
	v53 =	vunpack.i.u.bf16.f32 v8;
	v9 =	vunpack.i.l.bf16.f32 v17;
	v54 =	vld [tilespmem:s20+$0x50]  }
0x109: {  	[tilespmem:s0+$0x50] =	vst v5;
	v8 =	vunpack.i.l.bf16.f32 v8;
	v1 =	vmax.f32 v1, $0.0e+00;
	v4 =	vadd.f32 v4, v9;
	v3 =	vld [tilespmem:s15+$0x50]  }
0x10a: {  	v5 =	vld [tilespmem:s25+$0xFFFFFFF0];
	v6 =	vmax.f32 v6, $0.0e+00;
	v8 =	vadd.f32 v12, v8;
	v11 =	vadd.f32 v18, v53;
	[tilespmem:s2+$0xFFFFFF10] =	vst v1  }
0x10b: {  	v10 =	vadd.f32 v15, v10;
	v13 =	vld [tilespmem:s9+$0xFFFFFFB0];
	[tilespmem:s2+$0xFFFFFF90] =	vst v6;
	v4 =	vmax.f32 v4, $0.0e+00  }
0x10c: {  	v9 =	vld [tilespmem:s25+$0xFFFFFFB0];
	v1 =	vmax.f32 v8, $0.0e+00;
	v8 =	vmax.f32 v11, $0.0e+00;
	[tilespmem:s2+$0xFFFFFF00] =	vst v4  }
0x10d: {  	v2 =	vmax.f32 v2, $0.0e+00;
	v4 =	vmax.f32 v10, $0.0e+00;
	v10 =	vld [tilespmem:s9+$0x30];
	[tilespmem:s2+$0x10] =	vst v8  }
0x10e: {  	v8 =	vunpack.i.u.bf16.f32 v7;
	v12 =	vld [tilespmem:s20+$0xFFFFFF90];
	[tilespmem:s2+$0xFFFFFF80] =	vst v4;
	v4 =	vunpack.i.l.bf16.f32 v54;
	v14 =	vunpack.i.l.bf16.f32 v3  }
0x10f: {  	[tilespmem:s2+$0x0] =	vst v1;
	v15 =	vld [tilespmem:s15+$0xFFFFFF90];
	v6 =	vunpack.i.u.bf16.f32 v54;
	v3 =	vunpack.i.u.bf16.f32 v3;
	v4 =	vadd.f32 v14, v4  }
0x110: {  	v7 =	vunpack.i.l.bf16.f32 v7;
	v11 =	vunpack.i.u.bf16.f32 v13;
	v55 =	vld [tilespmem:s20+$0x10];
	v1 =	vadd.f32 v3, v6  }
0x111: {  	v13 =	vunpack.i.l.bf16.f32 v13;
	v57 =	vld [tilespmem:s15+$0x10];
	v6 =	vunpack.i.l.bf16.f32 v9;
	v4 =	vmax.f32 v4, $0.0e+00  }
0x112: {  	v14 =	vld [tilespmem:s20+$0xFFFFFFD0];
	v3 =	vunpack.i.u.bf16.f32 v9;
	v6 =	vadd.f32 v6, v13;
	v1 =	vmax.f32 v1, $0.0e+00;
	[tilespmem:s2+$0xA0] =	vst v4  }
0x113: {  	v9 =	vld [tilespmem:s15+$0xFFFFFFD0];
	v3 =	vadd.f32 v3, v11;
	v11 =	vmax.f32 v0, $0.0e+00;
	v19 =	vunpack.i.u.bf16.f32 v10;
	[tilespmem:s2+$0xB0] =	vst v1  }
0x114: {  	v10 =	vunpack.i.l.bf16.f32 v10;
	v4 =	vunpack.i.u.bf16.f32 v5;
	v5 =	vunpack.i.l.bf16.f32 v5;
	v20 =	vld [tilespmem:s20+$0x60]  }
0x115: {  	v56 =	vunpack.i.u.bf16.f32 v12;
	v12 =	vunpack.i.l.bf16.f32 v12;
	v1 =	vunpack.i.u.bf16.f32 v15;
	v21 =	vld [tilespmem:s15+$0x60]  }
0x116: {  	v15 =	vunpack.i.l.bf16.f32 v15;
	v59 =	vunpack.i.u.bf16.f32 v55;
	v16 =	vunpack.i.l.bf16.f32 v55  }
0x117: {  	v18 =	vunpack.i.u.bf16.f32 v57;
	v12 =	vadd.f32 v15, v12;
	v1 =	vadd.f32 v1, v56  }
0x118: {  	v15 =	vunpack.i.u.bf16.f32 v14;
	v14 =	vunpack.i.l.bf16.f32 v14;
	v58 =	vunpack.i.l.bf16.f32 v9  }
0x119: {  	[tilespmem:s0+$0xF0] =	vst v2;
	v2 =	vadd.f32 v18, v59;
	v14 =	vadd.f32 v58, v14;
	v12 =	vmax.f32 v12, $0.0e+00  }
0x11a: {  	v1 =	vmax.f32 v1, $0.0e+00;
	[tilespmem:s2+$0xFFFFFF20] =	vst v12;
	v12 =	vunpack.i.l.bf16.f32 v20;
	v60 =	vunpack.i.l.bf16.f32 v21  }
0x11b: {  	v22 =	vld [tilespmem:s25+$0x30];
	[tilespmem:s2+$0xFFFFFF30] =	vst v1;
	v1 =	vunpack.i.u.bf16.f32 v20;
	v61 =	vunpack.i.u.bf16.f32 v21;
	v12 =	vadd.f32 v60, v12  }
0x11c: {  	v9 =	vunpack.i.u.bf16.f32 v9;
	v62 =	vld [tilespmem:s20+$0xFFFFFFA0];
	v14 =	vmax.f32 v14, $0.0e+00;
	v1 =	vadd.f32 v61, v1  }
0x11d: {  	v9 =	vadd.f32 v9, v15;
	v15 =	vunpack.i.l.bf16.f32 v57;
	v63 =	vld [tilespmem:s15+$0xFFFFFFA0];
	[tilespmem:s2+$0xFFFFFFA0] =	vst v14;
	v12 =	vmax.f32 v12, $0.0e+00  }
0x11e: {  	v5 =	vadd.f32 v5, v7;
	v15 =	vadd.f32 v15, v16;
	v1 =	vmax.f32 v1, $0.0e+00;
	[tilespmem:s2+$0xC0] =	vst v12  }
0x11f: {  	v8 =	vadd.f32 v4, v8;
	v2 =	vmax.f32 v2, $0.0e+00;
	v9 =	vmax.f32 v9, $0.0e+00;
	[tilespmem:s2+$0xD0] =	vst v1  }
0x120: {  	v14 =	vmax.f32 v15, $0.0e+00;
	v15 =	vunpack.i.l.bf16.f32 v22;
	[tilespmem:s2+$0xFFFFFFB0] =	vst v9;
	v12 =	vunpack.i.u.bf16.f32 v22;
	v9 =	vld [tilespmem:s20+$0x70]  }
0x121: {  	[tilespmem:s2+$0x30] =	vst v2;
	v4 =	vunpack.i.u.bf16.f32 v62;
	v7 =	vunpack.i.l.bf16.f32 v62;
	v1 =	vadd.f32 v15, v10;
	v13 =	vld [tilespmem:s15+$0x70]  }
0x122: {  	[tilespmem:s2+$0x20] =	vst v14;
	v0 =	vld [tilespmem:s20+$0xFFFFFFE0];
	v10 =	vunpack.i.u.bf16.f32 v63;
	v14 =	vunpack.i.l.bf16.f32 v63;
	v2 =	vadd.f32 v12, v19  }
0x123: {  	[tilespmem:s0+$0xE0] =	vst v11;
	v12 =	vadd.f32 v14, v7;
	v10 =	vadd.f32 v10, v4;
	v4 =	vmax.f32 v6, $0.0e+00;
	v7 =	vld [tilespmem:s15+$0xFFFFFFE0]  }
0x124: {  	v11 =	vmax.f32 v3, $0.0e+00;
	v3 =	vmax.f32 v8, $0.0e+00;
	[tilespmem:s0+$0xFFFFFF60] =	vst v4;
	v4 =	vmax.f32 v5, $0.0e+00;
	v5 =	vld [tilespmem:s20+$0x20]  }
0x125: {  	[tilespmem:s0+$0xFFFFFF70] =	vst v11;
	v8 =	vld [tilespmem:s15+$0x20];
	v14 =	vmax.f32 v12, $0.0e+00;
	v12 =	vmax.f32 v10, $0.0e+00;
	v6 =	vunpack.i.l.bf16.f32 v9  }
0x126: {  	s10 =	simm.s32 $0xC7C0;
	s7 =	simm.s32 $0xDAC0;
	s9 =	simm.s32 $0x4;
	[tilespmem:s2+$0xFFFFFF40] =	vst v14;
	v10 =	vunpack.i.u.bf16.f32 v9;
	v11 =	vunpack.i.u.bf16.f32 v13;
	v9 =	vunpack.i.l.bf16.f32 v13  }
.LBB2_4:
0x127: {  	v13 =	vld [tilespmem:s10+$0x40];
	[tilespmem:s2+$0xFFFFFF50] =	vst v12;
	v12 =	vunpack.i.u.bf16.f32 v0;
	v14 =	vunpack.i.l.bf16.f32 v0;
	v10 =	vadd.f32 v11, v10;
	s15 =	sadd.s32 $0x100, s15  }
0x128: {  	v0 =	vadd.f32 v9, v6;
	v11 =	vld [tilespmem:s15+$0x40];
	v15 =	vunpack.i.u.bf16.f32 v7;
	v7 =	vunpack.i.l.bf16.f32 v7;
	[tilespmem:s0+$0xFFFFFFE0] =	vst v4  }
0x129: {  	v4 =	vld [tilespmem:s15+$0xFFFFFF80];
	v6 =	vunpack.i.u.bf16.f32 v5;
	v5 =	vunpack.i.l.bf16.f32 v5;
	v9 =	vmax.f32 v10, $0.0e+00;
	[tilespmem:s0+$0xFFFFFFF0] =	vst v3  }
0x12a: {  	v7 =	vadd.f32 v7, v14;
	v3 =	vld [tilespmem:s10+$0xFFFFFFC0];
	v10 =	vunpack.i.u.bf16.f32 v8;
	v8 =	vunpack.i.l.bf16.f32 v8;
	[tilespmem:s2+$0xF0] =	vst v9  }
0x12b: {  	v1 =	vmax.f32 v1, $0.0e+00;
	v12 =	vadd.f32 v15, v12;
	v9 =	vld [tilespmem:s15+$0xFFFFFFC0];
	v5 =	vadd.f32 v8, v5  }
0x12c: {  	v7 =	vmax.f32 v7, $0.0e+00;
	v6 =	vadd.f32 v10, v6;
	v8 =	vld [tilespmem:s10+$0x0];
	[tilespmem:s0+$0x60] =	vst v1;
	v1 =	vmax.f32 v2, $0.0e+00  }
0x12d: {  	v10 =	vunpack.i.l.bf16.f32 v13;
	v2 =	vld [tilespmem:s15+$0x0];
	v14 =	vunpack.i.l.bf16.f32 v11;
	[tilespmem:s2+$0xFFFFFFC0] =	vst v7;
	v7 =	vmax.f32 v12, $0.0e+00  }
0x12e: {  	s9 =	sadd.s32 $0x4, s9;
	v13 =	vunpack.i.u.bf16.f32 v13;
	v11 =	vunpack.i.u.bf16.f32 v11;
	v12 =	vld [tilespmem:s10+$0xFFFFFF80];
	v10 =	vadd.f32 v14, v10;
	[tilespmem:s2+$0xFFFFFFD0] =	vst v7  }
0x12f: {  	p1 =	slt.u32 s9, $0x4C;
	v7 =	vunpack.i.u.bf16.f32 v4;
	v4 =	vunpack.i.l.bf16.f32 v4;
	v11 =	vadd.f32 v11, v13;
	v13 =	vld [tilespmem:s20+$0xFFFFFFB0];
	[tilespmem:s0+$0x70] =	vst v1;
	s0 =	smov.u32 s2  }
0x130: {  	v1 =	vunpack.i.u.bf16.f32 v3;
	v3 =	vunpack.i.l.bf16.f32 v3;
	s2 =	sadd.s32 $0x200, s2;
	v10 =	vmax.f32 v10, $0.0e+00;
	v14 =	vld [tilespmem:s7+$0xFFFFFFB0]  }
0x131: {  	v15 =	vunpack.i.u.bf16.f32 v9;
	v9 =	vunpack.i.l.bf16.f32 v9;
	[tilespmem:s2+$0x80] =	vst v10;
	v10 =	vmax.f32 v11, $0.0e+00;
	v11 =	vld [tilespmem:s20+$0xFFFFFFF0]  }
0x132: {  	v16 =	vunpack.i.u.bf16.f32 v8;
	v8 =	vunpack.i.l.bf16.f32 v8;
	v17 =	vunpack.i.u.bf16.f32 v2;
	[tilespmem:s2+$0x90] =	vst v10;
	v10 =	vld [tilespmem:s7+$0xFFFFFFF0]  }
0x133: {  	v2 =	vunpack.i.l.bf16.f32 v2;
	v18 =	vunpack.i.u.bf16.f32 v12;
	v12 =	vunpack.i.l.bf16.f32 v12;
	v19 =	vld [tilespmem:s10+$0x50]  }
0x134: {  	v5 =	vmax.f32 v5, $0.0e+00;
	v4 =	vadd.f32 v4, v12;
	v7 =	vadd.f32 v7, v18;
	v12 =	vld [tilespmem:s15+$0x50]  }
0x135: {  	v3 =	vadd.f32 v9, v3;
	v1 =	vadd.f32 v15, v1;
	[tilespmem:s0+$0x40] =	vst v5;
	v5 =	vmax.f32 v6, $0.0e+00  }
0x136: {  	v2 =	vadd.f32 v2, v8;
	v6 =	vadd.f32 v17, v16;
	v4 =	vmax.f32 v4, $0.0e+00;
	[tilespmem:s0+$0x50] =	vst v5  }
0x137: {  	v3 =	vmax.f32 v3, $0.0e+00;
	v1 =	vmax.f32 v1, $0.0e+00;
	[tilespmem:s2+$0xFFFFFF00] =	vst v4;
	v4 =	vmax.f32 v7, $0.0e+00;
	v5 =	vld [tilespmem:s20+$0x30];
	s20 =	smov.u32 s10  }
0x138: {  	v2 =	vmax.f32 v2, $0.0e+00;
	[tilespmem:s2+$0xFFFFFF10] =	vst v4;
	v4 =	vmax.f32 v6, $0.0e+00;
	v6 =	vunpack.i.u.bf16.f32 v13;
	v7 =	vld [tilespmem:s7+$0x30];
	s7 =	smov.u32 s15  }
0x139: {  	v13 =	vunpack.i.l.bf16.f32 v13;
	v8 =	vld [tilespmem:s10+$0xFFFFFF90];
	[tilespmem:s2+$0xFFFFFF80] =	vst v3;
	v3 =	vunpack.i.l.bf16.f32 v19;
	v9 =	vunpack.i.l.bf16.f32 v12  }
0x13a: {  	v12 =	vunpack.i.u.bf16.f32 v12;
	v15 =	vld [tilespmem:s15+$0xFFFFFF90];
	[tilespmem:s2+$0xFFFFFF90] =	vst v1;
	v1 =	vunpack.i.u.bf16.f32 v19;
	v3 =	vadd.f32 v9, v3  }
0x13b: {  	v9 =	vld [tilespmem:s10+$0xFFFFFFD0];
	[tilespmem:s2+$0x0] =	vst v2;
	v1 =	vadd.f32 v12, v1;
	v2 =	vunpack.i.u.bf16.f32 v14;
	v12 =	vunpack.i.l.bf16.f32 v14  }
0x13c: {  	v14 =	vld [tilespmem:s15+$0xFFFFFFD0];
	[tilespmem:s2+$0x10] =	vst v4;
	v3 =	vmax.f32 v3, $0.0e+00;
	v4 =	vunpack.i.u.bf16.f32 v11;
	v11 =	vunpack.i.l.bf16.f32 v11  }
0x13d: {  	v16 =	vld [tilespmem:s10+$0x10];
	[tilespmem:s2+$0xA0] =	vst v3;
	v1 =	vmax.f32 v1, $0.0e+00;
	v3 =	vunpack.i.u.bf16.f32 v10;
	v10 =	vunpack.i.l.bf16.f32 v10  }
0x13e: {  	v19 =	vunpack.i.u.bf16.f32 v5;
	v17 =	vunpack.i.u.bf16.f32 v8;
	v8 =	vunpack.i.l.bf16.f32 v8;
	v18 =	vld [tilespmem:s15+$0x10];
	[tilespmem:s2+$0xB0] =	vst v1  }
0x13f: {  	v5 =	vunpack.i.l.bf16.f32 v5;
	v1 =	vunpack.i.u.bf16.f32 v15;
	v15 =	vunpack.i.l.bf16.f32 v15;
	v20 =	vld [tilespmem:s10+$0x60]  }
0x140: {  	v8 =	vadd.f32 v15, v8;
	v15 =	vunpack.i.u.bf16.f32 v9;
	v9 =	vunpack.i.l.bf16.f32 v9;
	v21 =	vld [tilespmem:s15+$0x60]  }
0x141: {  	v1 =	vadd.f32 v1, v17;
	v17 =	vunpack.i.u.bf16.f32 v14;
	v14 =	vunpack.i.l.bf16.f32 v14  }
0x142: {  	v9 =	vadd.f32 v14, v9;
	v14 =	vunpack.i.u.bf16.f32 v16;
	v16 =	vunpack.i.l.bf16.f32 v16  }
0x143: {  	v15 =	vadd.f32 v17, v15;
	v17 =	vunpack.i.u.bf16.f32 v18;
	v18 =	vunpack.i.l.bf16.f32 v18  }
0x144: {  	v8 =	vmax.f32 v8, $0.0e+00;
	v16 =	vadd.f32 v18, v16;
	v14 =	vadd.f32 v17, v14  }
0x145: {  	v1 =	vmax.f32 v1, $0.0e+00;
	[tilespmem:s2+$0xFFFFFF20] =	vst v8;
	v8 =	vunpack.i.l.bf16.f32 v20;
	v17 =	vunpack.i.l.bf16.f32 v21  }
0x146: {  	v18 =	vunpack.i.u.bf16.f32 v21;
	[tilespmem:s2+$0xFFFFFF30] =	vst v1;
	v1 =	vunpack.i.u.bf16.f32 v20;
	v8 =	vadd.f32 v17, v8  }
0x147: {  	v9 =	vmax.f32 v9, $0.0e+00;
	v15 =	vmax.f32 v15, $0.0e+00;
	v17 =	vld [tilespmem:s10+$0xFFFFFFA0];
	v1 =	vadd.f32 v18, v1  }
0x148: {  	v14 =	vmax.f32 v14, $0.0e+00;
	v18 =	vld [tilespmem:s15+$0xFFFFFFA0];
	[tilespmem:s2+$0xFFFFFFA0] =	vst v9;
	v9 =	vmax.f32 v16, $0.0e+00;
	v8 =	vmax.f32 v8, $0.0e+00  }
0x149: {  	[tilespmem:s2+$0xC0] =	vst v8;
	v1 =	vmax.f32 v1, $0.0e+00;
	v8 =	vunpack.i.u.bf16.f32 v7;
	v7 =	vunpack.i.l.bf16.f32 v7  }
0x14a: {  	v12 =	vadd.f32 v12, v13;
	v6 =	vadd.f32 v2, v6;
	v13 =	vmax.f32 v0, $0.0e+00;
	[tilespmem:s2+$0xD0] =	vst v1  }
0x14b: {  	v10 =	vadd.f32 v10, v11;
	v3 =	vadd.f32 v3, v4;
	[tilespmem:s2+$0xFFFFFFB0] =	vst v15;
	v15 =	vld [tilespmem:s10+$0x70]  }
0x14c: {  	v1 =	vadd.f32 v7, v5;
	v4 =	vunpack.i.u.bf16.f32 v17;
	v11 =	vunpack.i.l.bf16.f32 v17;
	[tilespmem:s2+$0x20] =	vst v9;
	v9 =	vld [tilespmem:s15+$0x70]  }
.Ltmp1:
0x14d: {  	v2 =	vadd.f32 v8, v19;
	v5 =	vunpack.i.u.bf16.f32 v18;
	v7 =	vunpack.i.l.bf16.f32 v18;
	v0 =	vld [tilespmem:s10+$0xFFFFFFE0];
	[tilespmem:s2+$0x30] =	vst v14;
	(pc) =	sbr.rel @p1 .LBB2_4-.Ltmp1, $4  }
0x14e: {  	v8 =	vadd.f32 v7, v11;
	v11 =	vadd.f32 v5, v4;
	v7 =	vld [tilespmem:s15+$0xFFFFFFE0];
	v4 =	vmax.f32 v12, $0.0e+00;
	[tilespmem:s0+$0xE0] =	vst v13  }
0x14f: {  	v3 =	vmax.f32 v3, $0.0e+00;
	v13 =	vmax.f32 v6, $0.0e+00;
	v5 =	vld [tilespmem:s10+$0x20];
	[tilespmem:s0+$0xFFFFFF60] =	vst v4;
	v4 =	vmax.f32 v10, $0.0e+00  }
0x150: {  	v10 =	vmax.f32 v8, $0.0e+00;
	v12 =	vmax.f32 v11, $0.0e+00;
	v8 =	vld [tilespmem:s15+$0x20];
	v6 =	vunpack.i.l.bf16.f32 v15;
	[tilespmem:s0+$0xFFFFFF70] =	vst v13  }
0x151: {  	s10 =	sadd.s32 $0x100, s10;
	[tilespmem:s2+$0xFFFFFF40] =	vst v10;
	v10 =	vunpack.i.u.bf16.f32 v15;
	v11 =	vunpack.i.u.bf16.f32 v9;
	v9 =	vunpack.i.l.bf16.f32 v9  }
0x152: {  	_ = 	snop  }
0x153: {  	v13 =	vunpack.i.u.bf16.f32 v0;
	v35 =	vunpack.i.l.bf16.f32 v0;
	v36 =	vunpack.i.l.bf16.f32 v7  }
0x154: {  	[tilespmem:s2+$0xFFFFFF50] =	vst v12;
	v14 =	vunpack.i.u.bf16.f32 v7;
	v15 =	vunpack.i.l.bf16.f32 v5;
	v0 =	vadd.f32 v36, v35  }
0x155: {  	v41 =	vld [tilespmem:s20+$0xFFFFFFB0];
	v13 =	vadd.f32 v14, v13;
	v38 =	vunpack.i.u.bf16.f32 v5;
	v37 =	vunpack.i.l.bf16.f32 v8  }
0x156: {  	v42 =	vld [tilespmem:s7+$0xFFFFFFB0];
	v39 =	vunpack.i.u.bf16.f32 v8;
	v7 =	vadd.f32 v37, v15;
	v0 =	vmax.f32 v0, $0.0e+00  }
0x157: {  	v5 =	vadd.f32 v39, v38;
	v40 =	vmax.f32 v13, $0.0e+00;
	[tilespmem:s2+$0xFFFFFFC0] =	vst v0  }
0x158: {  	[tilespmem:s2+$0xFFFFFFD0] =	vst v40;
	v7 =	vmax.f32 v7, $0.0e+00  }
0x159: {  	v43 =	vld [tilespmem:s20+$0xFFFFFFF0];
	v5 =	vmax.f32 v5, $0.0e+00;
	[tilespmem:s2+$0x40] =	vst v7  }
0x15a: {  	v44 =	vadd.f32 v11, v10;
	v46 =	vadd.f32 v9, v6;
	v45 =	vld [tilespmem:s7+$0xFFFFFFF0];
	[tilespmem:s2+$0x50] =	vst v5  }
0x15b: {  	[tilespmem:s0+$0xFFFFFFE0] =	vst v4;
	v1 =	vmax.f32 v1, $0.0e+00;
	v8 =	vunpack.i.l.bf16.f32 v41;
	v0 =	vunpack.i.l.bf16.f32 v42;
	v47 =	vld [tilespmem:s20+$0x30]  }
0x15c: {  	[tilespmem:s0+$0xFFFFFFF0] =	vst v3;
	v49 =	vunpack.i.u.bf16.f32 v41;
	v51 =	vunpack.i.u.bf16.f32 v42;
	v0 =	vadd.f32 v0, v8;
	v50 =	vld [tilespmem:s7+$0x30]  }
0x15d: {  	v2 =	vmax.f32 v2, $0.0e+00;
	[tilespmem:s0+$0x60] =	vst v1;
	v48 =	vmax.f32 v44, $0.0e+00;
	v3 =	vadd.f32 v51, v49  }
0x15e: {  	[tilespmem:s0+$0x70] =	vst v2;
	v5 =	vmax.f32 v46, $0.0e+00;
	v0 =	vmax.f32 v0, $0.0e+00;
	v52 =	vunpack.i.u.bf16.f32 v43  }
0x15f: {  	[tilespmem:s2+$0xF0] =	vst v48;
	v53 =	vunpack.i.l.bf16.f32 v43;
	v54 =	vunpack.i.u.bf16.f32 v45;
	v10 =	vunpack.i.l.bf16.f32 v45  }
0x160: {  	[tilespmem:s2+$0xE0] =	vst v5;
	v58 =	vmax.f32 v3, $0.0e+00;
	v56 =	vadd.f32 v10, v53;
	v1 =	vadd.f32 v54, v52  }
0x161: {  	[tilespmem:s2+$0xFFFFFF60] =	vst v0;
	v55 =	vunpack.i.u.bf16.f32 v47;
	v6 =	vunpack.i.l.bf16.f32 v47;
	v57 =	vunpack.i.l.bf16.f32 v50  }
0x162: {  	[tilespmem:s2+$0xFFFFFF70] =	vst v58;
	v59 =	vunpack.i.u.bf16.f32 v50;
	v60 =	vadd.f32 v57, v6;
	v61 =	vmax.f32 v56, $0.0e+00  }
0x163: {  	v62 =	vadd.f32 v59, v55;
	v1 =	vmax.f32 v1, $0.0e+00;
	[tilespmem:s2+$0xFFFFFFE0] =	vst v61  }
0x164: {  	[tilespmem:s2+$0xFFFFFFF0] =	vst v1;
	v63 =	vmax.f32 v60, $0.0e+00  }
0x165: {  	v1 =	vlaneseq.u32 @!p0;
	v0 =	vmax.f32 v62, $0.0e+00;
	[tilespmem:s2+$0x60] =	vst v63  }
0x166: {  	[tilespmem:s2+$0x70] =	vst v0;
	v0 =	vmul.u32 @!p0 $0x80, v1  }
0x167: {  	v1 =	vld @!p0 [tilespmem:$0x4E70];
	_ =	sdelay $0x3  }
0x168: {  	s0 =	simm.s32 @!p0 $0xED40  }
0x169: {  	[tilespmem:v0+s0+$0x0] =	vst.idx.add.f32.msk @!p0 $0xffff, v1  }
0x16a: {  	v2 =	vor.u32 @!p0 $0x800, v0;
	v1 =	vld @!p0 [tilespmem:$0x4E80];
	_ =	sdelay $0x4  }
0x16b: {  	[tilespmem:v2+s0+$0x0] =	vst.idx.add.f32.msk @!p0 $0xffff, v1  }
0x16c: {  	v2 =	vor.u32 @!p0 $0x1000, v0;
	v1 =	vld @!p0 [tilespmem:$0x4E90];
	_ =	sdelay $0x4  }
0x16d: {  	[tilespmem:v2+s0+$0x0] =	vst.idx.add.f32.msk @!p0 $0xffff, v1  }
0x16e: {  	v2 =	vor.u32 @!p0 $0x1800, v0;
	v1 =	vld @!p0 [tilespmem:$0x4EA0];
	_ =	sdelay $0x4  }
0x16f: {  	[tilespmem:v2+s0+$0x0] =	vst.idx.add.f32.msk @!p0 $0xffff, v1  }
0x170: {  	v0 =	vor.u32 @!p0 $0x2000, v0;
	v1 =	vld @!p0 [tilespmem:$0x4EB0];
	_ =	sdelay $0x4  }
0x171: {  	s25 =	rddreg [dreg:$0x6];
	[tilespmem:v0+s0+$0x0] =	vst.idx.add.f32.msk @!p0 $0xffff, v1;
	s0 =	simm.s32 $0x1  }
0x172: {  	[hbm4b:s25+s3] =	stream.linear.scatter [tilespmem:s28], [sflag:$0x4], $0x2800, $0x38;
	[tilespmem:$0x11540] =	vst v63  }
.LBB2_6:
0x173: {  	s20 =	smul.u32 $0xA0, s0;
	_ =	sdelay $0x1  }
0x174: {  	s2 =	sadd.s32 $0x50, s20  }
0x175: {  	[tilespmem:s19], [sflag:$0x2] =	stream.indirect.gather [hbm4b:s4+s16], $0x40, s2, s16, $0xb8;
	[tilespmem:$0x11540] =	vst v63  }
0x176: {  	s7 =	sadd.s32 $0x2760, s20  }
0x177: {  	[tilespmem:s21], [sflag:$0x2] =	stream.indirect.gather [hbm4b:s5+s16], $0x40, s7, s16, $0xb8;
	[tilespmem:$0x11540] =	vst v63  }
0x178: {  	_ =	swait.ge [sflag:s22], $0x1400  }
0x179: {  	[sflag:s22] =	ssyncset.done $0x0  }
0x17a: {  	[sflag:s22] =	ssyncadd.s32 $0xFFFFEC00  }
0x17b: {  	_ =	swait.ge [sflag:s22], $0x1400  }
0x17c: {  	[sflag:s22] =	ssyncset.done $0x0  }
0x17d: {  	[sflag:s22] =	ssyncadd.s32 $0xFFFFEC00  }
0x17e: {  	_ =	swait.ge [sflag:s29], $0x2800  }
0x17f: {  	[sflag:s29] =	ssyncset.done $0x0  }
0x180: {  	s10 =	simm.s32 $0x75C0;
	[sflag:s29] =	ssyncadd.s32 $0xFFFFD800  }
0x181: {  	s9 =	simm.s32 $0x89C0;
	v0 =	vld [tilespmem:s10+$0x40]  }
0x182: {  	v1 =	vld [tilespmem:s9+$0x40];
	_ =	sdelay $0x4  }
0x183: {  	v4 =	vld [tilespmem:s9+$0xFFFFFF80];
	v2 =	vunpack.i.l.bf16.f32 v0;
	v3 =	vunpack.i.l.bf16.f32 v1  }
0x184: {  	v5 =	vld [tilespmem:s9+$0xFFFFFFC0];
	v0 =	vunpack.i.u.bf16.f32 v0;
	v1 =	vunpack.i.u.bf16.f32 v1;
	v2 =	vadd.f32 v3, v2  }
0x185: {  	v0 =	vadd.f32 v1, v0;
	v1 =	vld [tilespmem:s10+$0xFFFFFF80]  }
0x186: {  	s24 =	simm.s32 $0x9E40;
	v3 =	vld [tilespmem:s10+$0xFFFFFFC0];
	v2 =	vmax.f32 v2, $0.0e+00  }
0x187: {  	v0 =	vmax.f32 v0, $0.0e+00;
	[tilespmem:s24+$0x80] =	vst v2  }
0x188: {  	[tilespmem:s24+$0x90] =	vst v0  }
0x189: {  	v10 =	vunpack.i.l.bf16.f32 v5;
	v5 =	vunpack.i.u.bf16.f32 v5;
	v2 =	vunpack.i.u.bf16.f32 v4;
	v0 =	vld [tilespmem:s10+$0x50]  }
0x18a: {  	v4 =	vunpack.i.l.bf16.f32 v4;
	v6 =	vld [tilespmem:s9+$0x50];
	v8 =	vunpack.i.u.bf16.f32 v1;
	v1 =	vunpack.i.l.bf16.f32 v1  }
0x18b: {  	v7 =	vunpack.i.l.bf16.f32 v3;
	v3 =	vunpack.i.u.bf16.f32 v3;
	v1 =	vadd.f32 v4, v1  }
0x18c: {  	v9 =	vld [tilespmem:s10+$0x0];
	v2 =	vadd.f32 v2, v8;
	v3 =	vadd.f32 v5, v3  }
0x18d: {  	v4 =	vld [tilespmem:s9+$0x0];
	v7 =	vadd.f32 v10, v7  }
0x18e: {  	v1 =	vmax.f32 v1, $0.0e+00;
	v2 =	vmax.f32 v2, $0.0e+00;
	v3 =	vmax.f32 v3, $0.0e+00  }
0x18f: {  	[tilespmem:s24+$0xFFFFFF00] =	vst v1;
	v1 =	vmax.f32 v7, $0.0e+00;
	v5 =	vunpack.i.l.bf16.f32 v0;
	v7 =	vunpack.i.l.bf16.f32 v6  }
0x190: {  	[tilespmem:s24+$0xFFFFFF10] =	vst v2;
	v0 =	vunpack.i.u.bf16.f32 v0;
	v2 =	vunpack.i.u.bf16.f32 v6;
	v5 =	vadd.f32 v7, v5  }
0x191: {  	v6 =	vunpack.i.u.bf16.f32 v9;
	[tilespmem:s24+$0xFFFFFF90] =	vst v3;
	v0 =	vadd.f32 v2, v0;
	v8 =	vld [tilespmem:s9+$0xFFFFFF90]  }
0x192: {  	v7 =	vld [tilespmem:s10+$0xFFFFFF90];
	[tilespmem:s24+$0xFFFFFF80] =	vst v1;
	v1 =	vunpack.i.l.bf16.f32 v9;
	v2 =	vunpack.i.l.bf16.f32 v4;
	v3 =	vmax.f32 v5, $0.0e+00  }
0x193: {  	v4 =	vunpack.i.u.bf16.f32 v4;
	v1 =	vadd.f32 v2, v1;
	v2 =	vld [tilespmem:s10+$0xFFFFFFD0];
	v0 =	vmax.f32 v0, $0.0e+00;
	[tilespmem:s24+$0xA0] =	vst v3  }
0x194: {  	v3 =	vadd.f32 v4, v6;
	v4 =	vld [tilespmem:s9+$0xFFFFFFD0];
	[tilespmem:s24+$0xB0] =	vst v0  }
0x195: {  	v0 =	vmax.f32 v1, $0.0e+00;
	v1 =	vld [tilespmem:s10+$0x60]  }
0x196: {  	v3 =	vmax.f32 v3, $0.0e+00;
	[tilespmem:s24+$0x0] =	vst v0;
	v0 =	vld [tilespmem:s9+$0x60];
	v5 =	vunpack.i.l.bf16.f32 v8  }
0x197: {  	v8 =	vunpack.i.u.bf16.f32 v8;
	[tilespmem:s24+$0x10] =	vst v3;
	v3 =	vunpack.i.l.bf16.f32 v7;
	v7 =	vunpack.i.u.bf16.f32 v7  }
0x198: {  	v3 =	vadd.f32 v5, v3;
	v5 =	vunpack.i.u.bf16.f32 v2;
	v2 =	vunpack.i.l.bf16.f32 v2  }
0x199: {  	v6 =	vld [tilespmem:s10+$0x10];
	v7 =	vadd.f32 v8, v7;
	v9 =	vunpack.i.u.bf16.f32 v4;
	v4 =	vunpack.i.l.bf16.f32 v4  }
0x19a: {  	v8 =	vld [tilespmem:s9+$0x10];
	v3 =	vmax.f32 v3, $0.0e+00;
	v2 =	vadd.f32 v4, v2  }
0x19b: {  	[tilespmem:s24+$0xFFFFFF20] =	vst v3;
	v3 =	vmax.f32 v7, $0.0e+00;
	v7 =	vunpack.i.l.bf16.f32 v1;
	v10 =	vunpack.i.l.bf16.f32 v0  }
0x19c: {  	v1 =	vunpack.i.u.bf16.f32 v1;
	v0 =	vunpack.i.u.bf16.f32 v0;
	[tilespmem:s24+$0xFFFFFF30] =	vst v3;
	v3 =	vadd.f32 v10, v7  }
0x19d: {  	v5 =	vadd.f32 v9, v5;
	v0 =	vadd.f32 v0, v1;
	v7 =	vld [tilespmem:s10+$0xFFFFFFA0]  }
0x19e: {  	v4 =	vunpack.i.u.bf16.f32 v6;
	v1 =	vunpack.i.l.bf16.f32 v6;
	v6 =	vld [tilespmem:s9+$0xFFFFFFA0];
	v3 =	vmax.f32 v3, $0.0e+00  }
0x19f: {  	v9 =	vunpack.i.u.bf16.f32 v8;
	v8 =	vunpack.i.l.bf16.f32 v8;
	v0 =	vmax.f32 v0, $0.0e+00;
	[tilespmem:s24+$0xC0] =	vst v3  }
0x1a0: {  	v2 =	vmax.f32 v2, $0.0e+00;
	v1 =	vadd.f32 v8, v1;
	v3 =	vadd.f32 v9, v4;
	[tilespmem:s24+$0xD0] =	vst v0  }
0x1a1: {  	[tilespmem:s24+$0xFFFFFFA0] =	vst v2;
	v0 =	vmax.f32 v5, $0.0e+00;
	v2 =	vld [tilespmem:s10+$0x70]  }
0x1a2: {  	v1 =	vmax.f32 v1, $0.0e+00;
	[tilespmem:s24+$0xFFFFFFB0] =	vst v0;
	v4 =	vld [tilespmem:s9+$0x70];
	v3 =	vmax.f32 v3, $0.0e+00;
	v0 =	vunpack.i.u.bf16.f32 v7  }
0x1a3: {  	[tilespmem:s24+$0x20] =	vst v1;
	v5 =	vunpack.i.l.bf16.f32 v7;
	v1 =	vunpack.i.u.bf16.f32 v6;
	v6 =	vunpack.i.l.bf16.f32 v6;
	v7 =	vld [tilespmem:s10+$0xFFFFFFE0]  }
0x1a4: {  	[tilespmem:s24+$0x30] =	vst v3;
	v3 =	vadd.f32 v6, v5;
	v0 =	vadd.f32 v1, v0;
	v1 =	vld [tilespmem:s9+$0xFFFFFFE0]  }
0x1a5: {  	v5 =	vld [tilespmem:s10+$0x20]  }
0x1a6: {  	s15 =	simm.s32 $0x76C0;
	v8 =	vld [tilespmem:s9+$0x20];
	v3 =	vmax.f32 v3, $0.0e+00;
	v6 =	vmax.f32 v0, $0.0e+00;
	v0 =	vunpack.i.l.bf16.f32 v2  }
0x1a7: {  	v14 =	vld [tilespmem:s15+$0xFFFFFFC0];
	v2 =	vunpack.i.u.bf16.f32 v2;
	v9 =	vunpack.i.u.bf16.f32 v4;
	v4 =	vunpack.i.l.bf16.f32 v4  }
0x1a8: {  	s7 =	simm.s32 $0x8AC0;
	v10 =	vld [tilespmem:s15+$0x40];
	v2 =	vadd.f32 v9, v2;
	v0 =	vadd.f32 v4, v0;
	v11 =	vunpack.i.u.bf16.f32 v7  }
0x1a9: {  	v9 =	vld [tilespmem:s7+$0x40];
	v7 =	vunpack.i.l.bf16.f32 v7;
	v12 =	vunpack.i.u.bf16.f32 v1;
	v1 =	vunpack.i.l.bf16.f32 v1  }
0x1aa: {  	v4 =	vld [tilespmem:s7+$0xFFFFFF80];
	v13 =	vunpack.i.u.bf16.f32 v5;
	v5 =	vunpack.i.l.bf16.f32 v5;
	v1 =	vadd.f32 v1, v7  }
0x1ab: {  	v15 =	vld [tilespmem:s7+$0xFFFFFFC0];
	v7 =	vunpack.i.u.bf16.f32 v8;
	v8 =	vunpack.i.l.bf16.f32 v8;
	v11 =	vadd.f32 v12, v11  }
0x1ac: {  	v17 =	vld [tilespmem:s15+$0xFFFFFF80];
	[tilespmem:s24+$0xFFFFFF50] =	vst v6;
	v6 =	vunpack.i.u.bf16.f32 v14;
	v5 =	vadd.f32 v8, v5;
	v7 =	vadd.f32 v7, v13  }
0x1ad: {  	v13 =	vunpack.i.l.bf16.f32 v10;
	v10 =	vunpack.i.u.bf16.f32 v10;
	v1 =	vmax.f32 v1, $0.0e+00  }
0x1ae: {  	[tilespmem:s24+$0xFFFFFF40] =	vst v3;
	v12 =	vld [tilespmem:s7+$0x0];
	v16 =	vunpack.i.l.bf16.f32 v9;
	v11 =	vmax.f32 v11, $0.0e+00;
	v9 =	vunpack.i.u.bf16.f32 v9  }
0x1af: {  	v8 =	vld [tilespmem:s15+$0x0];
	v3 =	vunpack.i.u.bf16.f32 v4;
	v4 =	vunpack.i.l.bf16.f32 v4;
	v13 =	vadd.f32 v16, v13;
	[tilespmem:s24+$0xFFFFFFC0] =	vst v1  }
0x1b0: {  	v9 =	vadd.f32 v9, v10;
	v10 =	vunpack.i.l.bf16.f32 v14;
	[tilespmem:s24+$0xFFFFFFD0] =	vst v11;
	v5 =	vmax.f32 v5, $0.0e+00  }
0x1b1: {  	s25 =	simm.s32 $0xA040;
	v14 =	vunpack.i.u.bf16.f32 v15;
	v1 =	vunpack.i.u.bf16.f32 v17;
	[tilespmem:s24+$0x40] =	vst v5;
	v13 =	vmax.f32 v13, $0.0e+00  }
0x1b2: {  	v15 =	vunpack.i.l.bf16.f32 v15;
	v1 =	vadd.f32 v3, v1;
	v9 =	vmax.f32 v9, $0.0e+00;
	[tilespmem:s25+$0x80] =	vst v13  }
0x1b3: {  	v6 =	vadd.f32 v14, v6;
	v5 =	vmax.f32 v7, $0.0e+00;
	v7 =	vld [tilespmem:s10+$0xFFFFFFF0];
	v18 =	vunpack.i.u.bf16.f32 v12;
	[tilespmem:s25+$0x90] =	vst v9  }
0x1b4: {  	v12 =	vunpack.i.l.bf16.f32 v12;
	v53 =	vunpack.i.u.bf16.f32 v8;
	v9 =	vunpack.i.l.bf16.f32 v17;
	v54 =	vld [tilespmem:s15+$0x50]  }
0x1b5: {  	[tilespmem:s24+$0x50] =	vst v5;
	v8 =	vunpack.i.l.bf16.f32 v8;
	v1 =	vmax.f32 v1, $0.0e+00;
	v4 =	vadd.f32 v4, v9;
	v3 =	vld [tilespmem:s7+$0x50]  }
0x1b6: {  	v5 =	vld [tilespmem:s9+$0xFFFFFFF0];
	v6 =	vmax.f32 v6, $0.0e+00;
	v8 =	vadd.f32 v12, v8;
	v11 =	vadd.f32 v18, v53;
	[tilespmem:s25+$0xFFFFFF10] =	vst v1  }
0x1b7: {  	v10 =	vadd.f32 v15, v10;
	v13 =	vld [tilespmem:s10+$0xFFFFFFB0];
	[tilespmem:s25+$0xFFFFFF90] =	vst v6;
	v4 =	vmax.f32 v4, $0.0e+00  }
0x1b8: {  	v9 =	vld [tilespmem:s9+$0xFFFFFFB0];
	v1 =	vmax.f32 v8, $0.0e+00;
	v8 =	vmax.f32 v11, $0.0e+00;
	[tilespmem:s25+$0xFFFFFF00] =	vst v4  }
0x1b9: {  	v2 =	vmax.f32 v2, $0.0e+00;
	v4 =	vmax.f32 v10, $0.0e+00;
	v10 =	vld [tilespmem:s10+$0x30];
	[tilespmem:s25+$0x10] =	vst v8  }
0x1ba: {  	v8 =	vunpack.i.u.bf16.f32 v7;
	v12 =	vld [tilespmem:s15+$0xFFFFFF90];
	[tilespmem:s25+$0xFFFFFF80] =	vst v4;
	v4 =	vunpack.i.l.bf16.f32 v54;
	v14 =	vunpack.i.l.bf16.f32 v3  }
0x1bb: {  	[tilespmem:s25+$0x0] =	vst v1;
	v15 =	vld [tilespmem:s7+$0xFFFFFF90];
	v6 =	vunpack.i.u.bf16.f32 v54;
	v3 =	vunpack.i.u.bf16.f32 v3;
	v4 =	vadd.f32 v14, v4  }
0x1bc: {  	v7 =	vunpack.i.l.bf16.f32 v7;
	v11 =	vunpack.i.u.bf16.f32 v13;
	v55 =	vld [tilespmem:s15+$0x10];
	v1 =	vadd.f32 v3, v6  }
0x1bd: {  	v13 =	vunpack.i.l.bf16.f32 v13;
	v57 =	vld [tilespmem:s7+$0x10];
	v6 =	vunpack.i.l.bf16.f32 v9;
	v4 =	vmax.f32 v4, $0.0e+00  }
0x1be: {  	v14 =	vld [tilespmem:s15+$0xFFFFFFD0];
	v3 =	vunpack.i.u.bf16.f32 v9;
	v6 =	vadd.f32 v6, v13;
	v1 =	vmax.f32 v1, $0.0e+00;
	[tilespmem:s25+$0xA0] =	vst v4  }
0x1bf: {  	v9 =	vld [tilespmem:s7+$0xFFFFFFD0];
	v3 =	vadd.f32 v3, v11;
	v11 =	vmax.f32 v0, $0.0e+00;
	v19 =	vunpack.i.u.bf16.f32 v10;
	[tilespmem:s25+$0xB0] =	vst v1  }
0x1c0: {  	v10 =	vunpack.i.l.bf16.f32 v10;
	v4 =	vunpack.i.u.bf16.f32 v5;
	v5 =	vunpack.i.l.bf16.f32 v5;
	v20 =	vld [tilespmem:s15+$0x60]  }
0x1c1: {  	v56 =	vunpack.i.u.bf16.f32 v12;
	v12 =	vunpack.i.l.bf16.f32 v12;
	v1 =	vunpack.i.u.bf16.f32 v15;
	v21 =	vld [tilespmem:s7+$0x60]  }
0x1c2: {  	v15 =	vunpack.i.l.bf16.f32 v15;
	v59 =	vunpack.i.u.bf16.f32 v55;
	v16 =	vunpack.i.l.bf16.f32 v55  }
0x1c3: {  	v18 =	vunpack.i.u.bf16.f32 v57;
	v12 =	vadd.f32 v15, v12;
	v1 =	vadd.f32 v1, v56  }
0x1c4: {  	v15 =	vunpack.i.u.bf16.f32 v14;
	v14 =	vunpack.i.l.bf16.f32 v14;
	v58 =	vunpack.i.l.bf16.f32 v9  }
0x1c5: {  	[tilespmem:s24+$0xE0] =	vst v11;
	v11 =	vmax.f32 v3, $0.0e+00;
	v14 =	vadd.f32 v58, v14;
	v12 =	vmax.f32 v12, $0.0e+00  }
0x1c6: {  	v1 =	vmax.f32 v1, $0.0e+00;
	[tilespmem:s25+$0xFFFFFF20] =	vst v12;
	v12 =	vunpack.i.l.bf16.f32 v20;
	v60 =	vunpack.i.l.bf16.f32 v21  }
0x1c7: {  	v22 =	vld [tilespmem:s9+$0x30];
	[tilespmem:s25+$0xFFFFFF30] =	vst v1;
	v1 =	vunpack.i.u.bf16.f32 v20;
	v61 =	vunpack.i.u.bf16.f32 v21;
	v12 =	vadd.f32 v60, v12  }
0x1c8: {  	[tilespmem:s24+$0xF0] =	vst v2;
	v9 =	vunpack.i.u.bf16.f32 v9;
	v62 =	vld [tilespmem:s15+$0xFFFFFFA0];
	v14 =	vmax.f32 v14, $0.0e+00;
	v1 =	vadd.f32 v61, v1  }
0x1c9: {  	v9 =	vadd.f32 v9, v15;
	v15 =	vunpack.i.l.bf16.f32 v57;
	v63 =	vld [tilespmem:s7+$0xFFFFFFA0];
	[tilespmem:s25+$0xFFFFFFA0] =	vst v14;
	v12 =	vmax.f32 v12, $0.0e+00  }
0x1ca: {  	v2 =	vadd.f32 v18, v59;
	v15 =	vadd.f32 v15, v16;
	v1 =	vmax.f32 v1, $0.0e+00;
	[tilespmem:s25+$0xC0] =	vst v12  }
0x1cb: {  	v5 =	vadd.f32 v5, v7;
	v7 =	vadd.f32 v4, v8;
	v9 =	vmax.f32 v9, $0.0e+00;
	[tilespmem:s25+$0xD0] =	vst v1  }
0x1cc: {  	v2 =	vmax.f32 v2, $0.0e+00;
	v14 =	vmax.f32 v15, $0.0e+00;
	v15 =	vunpack.i.l.bf16.f32 v22;
	[tilespmem:s25+$0xFFFFFFB0] =	vst v9;
	v9 =	vld [tilespmem:s15+$0x70]  }
0x1cd: {  	v12 =	vunpack.i.u.bf16.f32 v22;
	v4 =	vunpack.i.u.bf16.f32 v62;
	v8 =	vunpack.i.l.bf16.f32 v62;
	v13 =	vld [tilespmem:s7+$0x70]  }
0x1ce: {  	[tilespmem:s25+$0x20] =	vst v14;
	v0 =	vld [tilespmem:s15+$0xFFFFFFE0];
	v1 =	vadd.f32 v15, v10;
	v10 =	vunpack.i.u.bf16.f32 v63;
	v14 =	vunpack.i.l.bf16.f32 v63  }
0x1cf: {  	[tilespmem:s25+$0x30] =	vst v2;
	v8 =	vadd.f32 v14, v8;
	v10 =	vadd.f32 v10, v4;
	v4 =	vmax.f32 v6, $0.0e+00;
	v6 =	vld [tilespmem:s7+$0xFFFFFFE0]  }
0x1d0: {  	v3 =	vmax.f32 v7, $0.0e+00;
	v7 =	vld [tilespmem:s15+$0x20];
	v2 =	vadd.f32 v12, v19;
	[tilespmem:s24+$0xFFFFFF60] =	vst v4;
	v4 =	vmax.f32 v5, $0.0e+00  }
0x1d1: {  	[tilespmem:s24+$0xFFFFFF70] =	vst v11;
	v14 =	vmax.f32 v8, $0.0e+00;
	v12 =	vmax.f32 v10, $0.0e+00;
	v8 =	vld [tilespmem:s7+$0x20];
	v5 =	vunpack.i.l.bf16.f32 v9  }
0x1d2: {  	s11 =	simm.s32 $0x77C0;
	s9 =	simm.s32 $0x8AC0;
	s10 =	simm.s32 $0x4;
	[tilespmem:s25+$0xFFFFFF40] =	vst v14;
	v10 =	vunpack.i.u.bf16.f32 v9;
	v11 =	vunpack.i.u.bf16.f32 v13;
	v9 =	vunpack.i.l.bf16.f32 v13  }
.LBB2_7:
0x1d3: {  	v13 =	vld [tilespmem:s11+$0x40];
	[tilespmem:s25+$0xFFFFFF50] =	vst v12;
	v12 =	vunpack.i.u.bf16.f32 v0;
	v14 =	vunpack.i.l.bf16.f32 v0;
	v10 =	vadd.f32 v11, v10;
	s7 =	sadd.s32 $0x100, s7  }
0x1d4: {  	v0 =	vadd.f32 v9, v5;
	v11 =	vld [tilespmem:s7+$0x40];
	v15 =	vunpack.i.u.bf16.f32 v6;
	v6 =	vunpack.i.l.bf16.f32 v6;
	[tilespmem:s24+$0xFFFFFFE0] =	vst v4  }
0x1d5: {  	v4 =	vld [tilespmem:s7+$0xFFFFFF80];
	v5 =	vunpack.i.u.bf16.f32 v7;
	v7 =	vunpack.i.l.bf16.f32 v7;
	v9 =	vmax.f32 v10, $0.0e+00;
	[tilespmem:s24+$0xFFFFFFF0] =	vst v3  }
0x1d6: {  	v6 =	vadd.f32 v6, v14;
	v3 =	vld [tilespmem:s11+$0xFFFFFFC0];
	v10 =	vunpack.i.u.bf16.f32 v8;
	v8 =	vunpack.i.l.bf16.f32 v8;
	[tilespmem:s25+$0xF0] =	vst v9  }
0x1d7: {  	v1 =	vmax.f32 v1, $0.0e+00;
	v12 =	vadd.f32 v15, v12;
	v9 =	vld [tilespmem:s7+$0xFFFFFFC0];
	v7 =	vadd.f32 v8, v7  }
0x1d8: {  	v6 =	vmax.f32 v6, $0.0e+00;
	v5 =	vadd.f32 v10, v5;
	v8 =	vld [tilespmem:s11+$0x0];
	[tilespmem:s24+$0x60] =	vst v1;
	v1 =	vmax.f32 v2, $0.0e+00  }
0x1d9: {  	v10 =	vunpack.i.l.bf16.f32 v13;
	v2 =	vld [tilespmem:s7+$0x0];
	v14 =	vunpack.i.l.bf16.f32 v11;
	[tilespmem:s25+$0xFFFFFFC0] =	vst v6;
	v6 =	vmax.f32 v12, $0.0e+00  }
0x1da: {  	s10 =	sadd.s32 $0x4, s10;
	v13 =	vunpack.i.u.bf16.f32 v13;
	v11 =	vunpack.i.u.bf16.f32 v11;
	v12 =	vld [tilespmem:s11+$0xFFFFFF80];
	v10 =	vadd.f32 v14, v10;
	[tilespmem:s25+$0xFFFFFFD0] =	vst v6  }
0x1db: {  	p1 =	slt.u32 s10, $0x4C;
	v6 =	vunpack.i.u.bf16.f32 v4;
	v4 =	vunpack.i.l.bf16.f32 v4;
	v11 =	vadd.f32 v11, v13;
	v13 =	vld [tilespmem:s15+$0xFFFFFFB0];
	[tilespmem:s24+$0x70] =	vst v1;
	s24 =	smov.u32 s25  }
0x1dc: {  	v1 =	vunpack.i.u.bf16.f32 v3;
	v3 =	vunpack.i.l.bf16.f32 v3;
	s25 =	sadd.s32 $0x200, s25;
	v10 =	vmax.f32 v10, $0.0e+00;
	v14 =	vld [tilespmem:s9+$0xFFFFFFB0]  }
0x1dd: {  	v15 =	vunpack.i.u.bf16.f32 v9;
	v9 =	vunpack.i.l.bf16.f32 v9;
	[tilespmem:s25+$0x80] =	vst v10;
	v10 =	vmax.f32 v11, $0.0e+00;
	v11 =	vld [tilespmem:s15+$0xFFFFFFF0]  }
0x1de: {  	v16 =	vunpack.i.u.bf16.f32 v8;
	v8 =	vunpack.i.l.bf16.f32 v8;
	v17 =	vunpack.i.u.bf16.f32 v2;
	[tilespmem:s25+$0x90] =	vst v10;
	v10 =	vld [tilespmem:s9+$0xFFFFFFF0]  }
0x1df: {  	v2 =	vunpack.i.l.bf16.f32 v2;
	v18 =	vunpack.i.u.bf16.f32 v12;
	v12 =	vunpack.i.l.bf16.f32 v12;
	v19 =	vld [tilespmem:s11+$0x50]  }
0x1e0: {  	v7 =	vmax.f32 v7, $0.0e+00;
	v4 =	vadd.f32 v4, v12;
	v6 =	vadd.f32 v6, v18;
	v12 =	vld [tilespmem:s7+$0x50]  }
0x1e1: {  	v5 =	vmax.f32 v5, $0.0e+00;
	v3 =	vadd.f32 v9, v3;
	v1 =	vadd.f32 v15, v1;
	[tilespmem:s24+$0x40] =	vst v7  }
0x1e2: {  	v2 =	vadd.f32 v2, v8;
	v7 =	vadd.f32 v17, v16;
	v4 =	vmax.f32 v4, $0.0e+00;
	[tilespmem:s24+$0x50] =	vst v5  }
0x1e3: {  	v3 =	vmax.f32 v3, $0.0e+00;
	v1 =	vmax.f32 v1, $0.0e+00;
	[tilespmem:s25+$0xFFFFFF00] =	vst v4;
	v4 =	vmax.f32 v6, $0.0e+00;
	v5 =	vld [tilespmem:s15+$0x30];
	s15 =	smov.u32 s11  }
0x1e4: {  	v2 =	vmax.f32 v2, $0.0e+00;
	v6 =	vunpack.i.u.bf16.f32 v13;
	[tilespmem:s25+$0xFFFFFF10] =	vst v4;
	v4 =	vmax.f32 v7, $0.0e+00;
	v7 =	vld [tilespmem:s9+$0x30];
	s9 =	smov.u32 s7  }
0x1e5: {  	v13 =	vunpack.i.l.bf16.f32 v13;
	v8 =	vld [tilespmem:s11+$0xFFFFFF90];
	[tilespmem:s25+$0xFFFFFF80] =	vst v3;
	v3 =	vunpack.i.l.bf16.f32 v19;
	v9 =	vunpack.i.l.bf16.f32 v12  }
0x1e6: {  	v12 =	vunpack.i.u.bf16.f32 v12;
	v15 =	vld [tilespmem:s7+$0xFFFFFF90];
	[tilespmem:s25+$0xFFFFFF90] =	vst v1;
	v1 =	vunpack.i.u.bf16.f32 v19;
	v3 =	vadd.f32 v9, v3  }
0x1e7: {  	v9 =	vld [tilespmem:s11+$0xFFFFFFD0];
	[tilespmem:s25+$0x0] =	vst v2;
	v1 =	vadd.f32 v12, v1;
	v2 =	vunpack.i.u.bf16.f32 v14;
	v12 =	vunpack.i.l.bf16.f32 v14  }
0x1e8: {  	v14 =	vld [tilespmem:s7+$0xFFFFFFD0];
	[tilespmem:s25+$0x10] =	vst v4;
	v3 =	vmax.f32 v3, $0.0e+00;
	v4 =	vunpack.i.u.bf16.f32 v11;
	v11 =	vunpack.i.l.bf16.f32 v11  }
0x1e9: {  	v16 =	vld [tilespmem:s11+$0x10];
	[tilespmem:s25+$0xA0] =	vst v3;
	v1 =	vmax.f32 v1, $0.0e+00;
	v3 =	vunpack.i.u.bf16.f32 v10;
	v10 =	vunpack.i.l.bf16.f32 v10  }
0x1ea: {  	v19 =	vunpack.i.u.bf16.f32 v5;
	v17 =	vunpack.i.u.bf16.f32 v8;
	v8 =	vunpack.i.l.bf16.f32 v8;
	v18 =	vld [tilespmem:s7+$0x10];
	[tilespmem:s25+$0xB0] =	vst v1  }
0x1eb: {  	v5 =	vunpack.i.l.bf16.f32 v5;
	v1 =	vunpack.i.u.bf16.f32 v15;
	v15 =	vunpack.i.l.bf16.f32 v15;
	v20 =	vld [tilespmem:s11+$0x60]  }
0x1ec: {  	v8 =	vadd.f32 v15, v8;
	v15 =	vunpack.i.u.bf16.f32 v9;
	v9 =	vunpack.i.l.bf16.f32 v9;
	v21 =	vld [tilespmem:s7+$0x60]  }
0x1ed: {  	v1 =	vadd.f32 v1, v17;
	v17 =	vunpack.i.u.bf16.f32 v14;
	v14 =	vunpack.i.l.bf16.f32 v14  }
0x1ee: {  	v9 =	vadd.f32 v14, v9;
	v14 =	vunpack.i.u.bf16.f32 v16;
	v16 =	vunpack.i.l.bf16.f32 v16  }
0x1ef: {  	v15 =	vadd.f32 v17, v15;
	v17 =	vunpack.i.u.bf16.f32 v18;
	v18 =	vunpack.i.l.bf16.f32 v18  }
0x1f0: {  	v8 =	vmax.f32 v8, $0.0e+00;
	v16 =	vadd.f32 v18, v16;
	v14 =	vadd.f32 v17, v14  }
0x1f1: {  	v1 =	vmax.f32 v1, $0.0e+00;
	[tilespmem:s25+$0xFFFFFF20] =	vst v8;
	v8 =	vunpack.i.l.bf16.f32 v20;
	v17 =	vunpack.i.l.bf16.f32 v21  }
0x1f2: {  	v18 =	vunpack.i.u.bf16.f32 v21;
	[tilespmem:s25+$0xFFFFFF30] =	vst v1;
	v1 =	vunpack.i.u.bf16.f32 v20;
	v8 =	vadd.f32 v17, v8  }
0x1f3: {  	v9 =	vmax.f32 v9, $0.0e+00;
	v15 =	vmax.f32 v15, $0.0e+00;
	v17 =	vld [tilespmem:s11+$0xFFFFFFA0];
	v1 =	vadd.f32 v18, v1  }
0x1f4: {  	v14 =	vmax.f32 v14, $0.0e+00;
	v18 =	vld [tilespmem:s7+$0xFFFFFFA0];
	[tilespmem:s25+$0xFFFFFFA0] =	vst v9;
	v9 =	vmax.f32 v16, $0.0e+00;
	v8 =	vmax.f32 v8, $0.0e+00  }
0x1f5: {  	[tilespmem:s25+$0xC0] =	vst v8;
	v1 =	vmax.f32 v1, $0.0e+00;
	v8 =	vunpack.i.u.bf16.f32 v7;
	v7 =	vunpack.i.l.bf16.f32 v7  }
0x1f6: {  	v12 =	vadd.f32 v12, v13;
	v13 =	vadd.f32 v2, v6;
	v16 =	vmax.f32 v0, $0.0e+00;
	[tilespmem:s25+$0xD0] =	vst v1  }
0x1f7: {  	v10 =	vadd.f32 v10, v11;
	v3 =	vadd.f32 v3, v4;
	[tilespmem:s25+$0xFFFFFFB0] =	vst v15;
	v15 =	vld [tilespmem:s11+$0x70]  }
0x1f8: {  	v1 =	vadd.f32 v7, v5;
	v4 =	vunpack.i.u.bf16.f32 v17;
	v6 =	vunpack.i.l.bf16.f32 v17;
	[tilespmem:s25+$0x20] =	vst v9;
	v9 =	vld [tilespmem:s7+$0x70]  }
.Ltmp2:
0x1f9: {  	v2 =	vadd.f32 v8, v19;
	v5 =	vunpack.i.u.bf16.f32 v18;
	v7 =	vunpack.i.l.bf16.f32 v18;
	v0 =	vld [tilespmem:s11+$0xFFFFFFE0];
	[tilespmem:s25+$0x30] =	vst v14;
	(pc) =	sbr.rel @p1 .LBB2_7-.Ltmp2, $4  }
0x1fa: {  	v8 =	vadd.f32 v7, v6;
	v5 =	vadd.f32 v5, v4;
	v6 =	vld [tilespmem:s7+$0xFFFFFFE0];
	v4 =	vmax.f32 v12, $0.0e+00;
	[tilespmem:s24+$0xE0] =	vst v16  }
0x1fb: {  	v11 =	vmax.f32 v13, $0.0e+00;
	v3 =	vmax.f32 v3, $0.0e+00;
	v7 =	vld [tilespmem:s11+$0x20];
	[tilespmem:s24+$0xFFFFFF60] =	vst v4;
	v4 =	vmax.f32 v10, $0.0e+00  }
0x1fc: {  	v10 =	vmax.f32 v8, $0.0e+00;
	v12 =	vmax.f32 v5, $0.0e+00;
	v8 =	vld [tilespmem:s7+$0x20];
	v5 =	vunpack.i.l.bf16.f32 v15;
	[tilespmem:s24+$0xFFFFFF70] =	vst v11  }
0x1fd: {  	s11 =	sadd.s32 $0x100, s11;
	[tilespmem:s25+$0xFFFFFF40] =	vst v10;
	v10 =	vunpack.i.u.bf16.f32 v15;
	v11 =	vunpack.i.u.bf16.f32 v9;
	v9 =	vunpack.i.l.bf16.f32 v9  }
0x1fe: {  	_ = 	snop  }
0x1ff: {  	v13 =	vunpack.i.u.bf16.f32 v0;
	v0 =	vunpack.i.l.bf16.f32 v0;
	v14 =	vunpack.i.l.bf16.f32 v6  }
0x200: {  	v6 =	vunpack.i.u.bf16.f32 v6;
	v0 =	vadd.f32 v14, v0  }
0x201: {  	v15 =	vunpack.i.u.bf16.f32 v7;
	v6 =	vadd.f32 v6, v13  }
0x202: {  	[tilespmem:s25+$0xFFFFFF50] =	vst v12;
	v7 =	vunpack.i.l.bf16.f32 v7;
	v14 =	vunpack.i.l.bf16.f32 v8;
	v0 =	vmax.f32 v0, $0.0e+00  }
0x203: {  	v8 =	vunpack.i.u.bf16.f32 v8;
	v7 =	vadd.f32 v14, v7;
	[tilespmem:s25+$0xFFFFFFC0] =	vst v0;
	v0 =	vmax.f32 v6, $0.0e+00;
	v6 =	vld [tilespmem:s15+$0xFFFFFFB0]  }
0x204: {  	v8 =	vadd.f32 v8, v15;
	[tilespmem:s25+$0xFFFFFFD0] =	vst v0;
	v0 =	vld [tilespmem:s9+$0xFFFFFFB0]  }
0x205: {  	v7 =	vmax.f32 v7, $0.0e+00;
	v12 =	vld [tilespmem:s15+$0xFFFFFFF0]  }
0x206: {  	v5 =	vadd.f32 v9, v5;
	[tilespmem:s25+$0x40] =	vst v7;
	v7 =	vmax.f32 v8, $0.0e+00;
	v8 =	vadd.f32 v11, v10;
	v10 =	vld [tilespmem:s9+$0xFFFFFFF0]  }
0x207: {  	[tilespmem:s25+$0x50] =	vst v7  }
0x208: {  	[tilespmem:s24+$0xFFFFFFE0] =	vst v4;
	v1 =	vmax.f32 v1, $0.0e+00;
	v2 =	vmax.f32 v2, $0.0e+00;
	v5 =	vmax.f32 v5, $0.0e+00;
	v7 =	vld [tilespmem:s15+$0x30]  }
0x209: {  	[tilespmem:s24+$0xFFFFFFF0] =	vst v3;
	v4 =	vmax.f32 v8, $0.0e+00;
	v8 =	vld [tilespmem:s9+$0x30];
	v3 =	vunpack.i.u.bf16.f32 v6;
	v6 =	vunpack.i.l.bf16.f32 v6  }
0x20a: {  	[tilespmem:s25+$0xF0] =	vst v4;
	v9 =	vunpack.i.u.bf16.f32 v0;
	v0 =	vunpack.i.l.bf16.f32 v0;
	v4 =	vunpack.i.u.bf16.f32 v12  }
0x20b: {  	[tilespmem:s24+$0x60] =	vst v1;
	v11 =	vunpack.i.l.bf16.f32 v12;
	v1 =	vunpack.i.u.bf16.f32 v10;
	v0 =	vadd.f32 v0, v6  }
0x20c: {  	[tilespmem:s24+$0x70] =	vst v2;
	v10 =	vunpack.i.l.bf16.f32 v10;
	v3 =	vadd.f32 v9, v3;
	v1 =	vadd.f32 v1, v4  }
0x20d: {  	[tilespmem:s25+$0xE0] =	vst v5;
	v2 =	vunpack.i.u.bf16.f32 v7;
	v6 =	vunpack.i.l.bf16.f32 v7;
	v0 =	vmax.f32 v0, $0.0e+00  }
0x20e: {  	v7 =	vadd.f32 v10, v11;
	v5 =	vunpack.i.l.bf16.f32 v8;
	[tilespmem:s25+$0xFFFFFF60] =	vst v0;
	v0 =	vmax.f32 v3, $0.0e+00  }
0x20f: {  	v3 =	vunpack.i.u.bf16.f32 v8;
	v4 =	vadd.f32 v5, v6;
	v1 =	vmax.f32 v1, $0.0e+00;
	[tilespmem:s25+$0xFFFFFF70] =	vst v0  }
0x210: {  	v5 =	vmax.f32 v7, $0.0e+00;
	v0 =	vadd.f32 v3, v2;
	[tilespmem:s25+$0xFFFFFFF0] =	vst v1  }
0x211: {  	[tilespmem:s25+$0xFFFFFFE0] =	vst v5;
	v1 =	vmax.f32 v4, $0.0e+00  }
0x212: {  	[tilespmem:s25+$0x60] =	vst v1;
	v0 =	vmax.f32 v0, $0.0e+00;
	v1 =	vlaneseq.u32 @!p0  }
0x213: {  	[tilespmem:s25+$0x70] =	vst v0;
	v0 =	vmul.u32 @!p0 $0x80, v1  }
0x214: {  	v1 =	vld @!p0 [tilespmem:s20+$0x4E20];
	_ =	sdelay $0x3  }
0x215: {  	s7 =	simm.s32 @!p0 $0x9D40  }
0x216: {  	[tilespmem:v0+s7+$0x0] =	vst.idx.add.f32.msk @!p0 $0xffff, v1  }
0x217: {  	v2 =	vor.u32 @!p0 $0x800, v0;
	v1 =	vld @!p0 [tilespmem:s20+$0x4E30];
	_ =	sdelay $0x4  }
0x218: {  	[tilespmem:v2+s7+$0x0] =	vst.idx.add.f32.msk @!p0 $0xffff, v1  }
0x219: {  	v2 =	vor.u32 @!p0 $0x1000, v0;
	v1 =	vld @!p0 [tilespmem:s20+$0x4E40];
	_ =	sdelay $0x4  }
0x21a: {  	[tilespmem:v2+s7+$0x0] =	vst.idx.add.f32.msk @!p0 $0xffff, v1  }
0x21b: {  	v2 =	vor.u32 @!p0 $0x1800, v0;
	v1 =	vld @!p0 [tilespmem:s20+$0x4E50];
	_ =	sdelay $0x4  }
0x21c: {  	[tilespmem:v2+s7+$0x0] =	vst.idx.add.f32.msk @!p0 $0xffff, v1  }
0x21d: {  	v0 =	vor.u32 @!p0 $0x2000, v0;
	v1 =	vld @!p0 [tilespmem:s20+$0x4E60];
	_ =	sdelay $0x1  }
0x21e: {  	s24 =	sadd.s32 s6, s20  }
0x21f: {  	s9 =	sshll.u32 s24, $0x4  }
0x220: {  	s9 =	sand.u32 $0x1FFFFF00, s9  }
0x221: {  	s25 =	sadd.s32 s1, s9;
	[tilespmem:v0+s7+$0x0] =	vst.idx.add.f32.msk @!p0 $0xffff, v1  }
0x222: {  	[hbm4b:s25+s3] =	stream.linear.scatter [tilespmem:s23], [sflag:$0x3], $0x2800, $0x38;
	[tilespmem:$0x11540] =	vst v63  }
0x223: {  	s9 =	sadd.s32 $0xA0, s20  }
0x224: {  	[tilespmem:s17], [sflag:$0x1] =	stream.indirect.gather [hbm4b:s4+s16], $0x40, s9, s16, $0xb8;
	[tilespmem:$0x11540] =	vst v63  }
0x225: {  	s10 =	sadd.s32 $0x27B0, s20  }
0x226: {  	[tilespmem:s18], [sflag:$0x1] =	stream.indirect.gather [hbm4b:s5+s16], $0x40, s10, s16, $0xb8;
	[tilespmem:$0x11540] =	vst v63  }
0x227: {  	_ =	swait.ge [sflag:s26], $0x1400  }
0x228: {  	[sflag:s26] =	ssyncset.done $0x0  }
0x229: {  	[sflag:s26] =	ssyncadd.s32 $0xFFFFEC00  }
0x22a: {  	_ =	swait.ge [sflag:s26], $0x1400  }
0x22b: {  	[sflag:s26] =	ssyncset.done $0x0  }
0x22c: {  	[sflag:s26] =	ssyncadd.s32 $0xFFFFEC00  }
0x22d: {  	_ =	swait.ge [sflag:s30], $0x2800  }
0x22e: {  	[sflag:s30] =	ssyncset.done $0x0  }
0x22f: {  	s10 =	simm.s32 $0xC5C0;
	[sflag:s30] =	ssyncadd.s32 $0xFFFFD800  }
0x230: {  	s11 =	simm.s32 $0xD9C0;
	v0 =	vld [tilespmem:s10+$0x40]  }
0x231: {  	v1 =	vld [tilespmem:s11+$0x40];
	_ =	sdelay $0x4  }
0x232: {  	v4 =	vld [tilespmem:s11+$0xFFFFFF80];
	v2 =	vunpack.i.l.bf16.f32 v0;
	v3 =	vunpack.i.l.bf16.f32 v1  }
0x233: {  	v5 =	vld [tilespmem:s11+$0xFFFFFFC0];
	v0 =	vunpack.i.u.bf16.f32 v0;
	v1 =	vunpack.i.u.bf16.f32 v1;
	v2 =	vadd.f32 v3, v2  }
0x234: {  	v0 =	vadd.f32 v1, v0;
	v1 =	vld [tilespmem:s10+$0xFFFFFF80]  }
0x235: {  	s24 =	simm.s32 $0xEE40;
	v3 =	vld [tilespmem:s10+$0xFFFFFFC0];
	v2 =	vmax.f32 v2, $0.0e+00  }
0x236: {  	v0 =	vmax.f32 v0, $0.0e+00;
	[tilespmem:s24+$0x80] =	vst v2  }
0x237: {  	[tilespmem:s24+$0x90] =	vst v0  }
0x238: {  	v10 =	vunpack.i.l.bf16.f32 v5;
	v5 =	vunpack.i.u.bf16.f32 v5;
	v2 =	vunpack.i.u.bf16.f32 v4;
	v0 =	vld [tilespmem:s10+$0x50]  }
0x239: {  	v4 =	vunpack.i.l.bf16.f32 v4;
	v6 =	vld [tilespmem:s11+$0x50];
	v8 =	vunpack.i.u.bf16.f32 v1;
	v1 =	vunpack.i.l.bf16.f32 v1  }
0x23a: {  	v7 =	vunpack.i.l.bf16.f32 v3;
	v3 =	vunpack.i.u.bf16.f32 v3;
	v1 =	vadd.f32 v4, v1  }
0x23b: {  	v9 =	vld [tilespmem:s10+$0x0];
	v2 =	vadd.f32 v2, v8;
	v3 =	vadd.f32 v5, v3  }
0x23c: {  	v4 =	vld [tilespmem:s11+$0x0];
	v7 =	vadd.f32 v10, v7  }
0x23d: {  	v1 =	vmax.f32 v1, $0.0e+00;
	v2 =	vmax.f32 v2, $0.0e+00;
	v3 =	vmax.f32 v3, $0.0e+00  }
0x23e: {  	[tilespmem:s24+$0xFFFFFF00] =	vst v1;
	v1 =	vmax.f32 v7, $0.0e+00;
	v5 =	vunpack.i.l.bf16.f32 v0;
	v7 =	vunpack.i.l.bf16.f32 v6  }
0x23f: {  	[tilespmem:s24+$0xFFFFFF10] =	vst v2;
	v0 =	vunpack.i.u.bf16.f32 v0;
	v2 =	vunpack.i.u.bf16.f32 v6;
	v5 =	vadd.f32 v7, v5  }
0x240: {  	v6 =	vunpack.i.u.bf16.f32 v9;
	[tilespmem:s24+$0xFFFFFF90] =	vst v3;
	v0 =	vadd.f32 v2, v0;
	v8 =	vld [tilespmem:s11+$0xFFFFFF90]  }
0x241: {  	v7 =	vld [tilespmem:s10+$0xFFFFFF90];
	[tilespmem:s24+$0xFFFFFF80] =	vst v1;
	v1 =	vunpack.i.l.bf16.f32 v9;
	v2 =	vunpack.i.l.bf16.f32 v4;
	v3 =	vmax.f32 v5, $0.0e+00  }
0x242: {  	v4 =	vunpack.i.u.bf16.f32 v4;
	v1 =	vadd.f32 v2, v1;
	v2 =	vld [tilespmem:s10+$0xFFFFFFD0];
	v0 =	vmax.f32 v0, $0.0e+00;
	[tilespmem:s24+$0xA0] =	vst v3  }
0x243: {  	v3 =	vadd.f32 v4, v6;
	v4 =	vld [tilespmem:s11+$0xFFFFFFD0];
	[tilespmem:s24+$0xB0] =	vst v0  }
0x244: {  	v0 =	vmax.f32 v1, $0.0e+00;
	v1 =	vld [tilespmem:s10+$0x60]  }
0x245: {  	v3 =	vmax.f32 v3, $0.0e+00;
	[tilespmem:s24+$0x0] =	vst v0;
	v0 =	vld [tilespmem:s11+$0x60];
	v5 =	vunpack.i.l.bf16.f32 v8  }
0x246: {  	v8 =	vunpack.i.u.bf16.f32 v8;
	[tilespmem:s24+$0x10] =	vst v3;
	v3 =	vunpack.i.l.bf16.f32 v7;
	v7 =	vunpack.i.u.bf16.f32 v7  }
0x247: {  	v3 =	vadd.f32 v5, v3;
	v5 =	vunpack.i.u.bf16.f32 v2;
	v2 =	vunpack.i.l.bf16.f32 v2  }
0x248: {  	v6 =	vld [tilespmem:s10+$0x10];
	v7 =	vadd.f32 v8, v7;
	v9 =	vunpack.i.u.bf16.f32 v4;
	v4 =	vunpack.i.l.bf16.f32 v4  }
0x249: {  	v8 =	vld [tilespmem:s11+$0x10];
	v3 =	vmax.f32 v3, $0.0e+00;
	v2 =	vadd.f32 v4, v2  }
0x24a: {  	[tilespmem:s24+$0xFFFFFF20] =	vst v3;
	v3 =	vmax.f32 v7, $0.0e+00;
	v7 =	vunpack.i.l.bf16.f32 v1;
	v10 =	vunpack.i.l.bf16.f32 v0  }
0x24b: {  	v1 =	vunpack.i.u.bf16.f32 v1;
	v0 =	vunpack.i.u.bf16.f32 v0;
	[tilespmem:s24+$0xFFFFFF30] =	vst v3;
	v3 =	vadd.f32 v10, v7  }
0x24c: {  	v5 =	vadd.f32 v9, v5;
	v0 =	vadd.f32 v0, v1;
	v7 =	vld [tilespmem:s10+$0xFFFFFFA0]  }
0x24d: {  	v4 =	vunpack.i.u.bf16.f32 v6;
	v1 =	vunpack.i.l.bf16.f32 v6;
	v6 =	vld [tilespmem:s11+$0xFFFFFFA0];
	v3 =	vmax.f32 v3, $0.0e+00  }
0x24e: {  	v9 =	vunpack.i.u.bf16.f32 v8;
	v8 =	vunpack.i.l.bf16.f32 v8;
	v0 =	vmax.f32 v0, $0.0e+00;
	[tilespmem:s24+$0xC0] =	vst v3  }
0x24f: {  	v2 =	vmax.f32 v2, $0.0e+00;
	v1 =	vadd.f32 v8, v1;
	v3 =	vadd.f32 v9, v4;
	[tilespmem:s24+$0xD0] =	vst v0  }
0x250: {  	[tilespmem:s24+$0xFFFFFFA0] =	vst v2;
	v0 =	vmax.f32 v5, $0.0e+00;
	v2 =	vld [tilespmem:s10+$0x70]  }
0x251: {  	v1 =	vmax.f32 v1, $0.0e+00;
	[tilespmem:s24+$0xFFFFFFB0] =	vst v0;
	v4 =	vld [tilespmem:s11+$0x70];
	v3 =	vmax.f32 v3, $0.0e+00;
	v0 =	vunpack.i.u.bf16.f32 v7  }
0x252: {  	[tilespmem:s24+$0x20] =	vst v1;
	v5 =	vunpack.i.l.bf16.f32 v7;
	v1 =	vunpack.i.u.bf16.f32 v6;
	v6 =	vunpack.i.l.bf16.f32 v6;
	v7 =	vld [tilespmem:s10+$0xFFFFFFE0]  }
0x253: {  	[tilespmem:s24+$0x30] =	vst v3;
	v3 =	vadd.f32 v6, v5;
	v0 =	vadd.f32 v1, v0;
	v1 =	vld [tilespmem:s11+$0xFFFFFFE0]  }
0x254: {  	v5 =	vld [tilespmem:s10+$0x20]  }
0x255: {  	s15 =	simm.s32 $0xC6C0;
	v8 =	vld [tilespmem:s11+$0x20];
	v3 =	vmax.f32 v3, $0.0e+00;
	v6 =	vmax.f32 v0, $0.0e+00;
	v0 =	vunpack.i.l.bf16.f32 v2  }
0x256: {  	v14 =	vld [tilespmem:s15+$0xFFFFFFC0];
	v2 =	vunpack.i.u.bf16.f32 v2;
	v9 =	vunpack.i.u.bf16.f32 v4;
	v4 =	vunpack.i.l.bf16.f32 v4  }
0x257: {  	s7 =	simm.s32 $0xDAC0;
	v10 =	vld [tilespmem:s15+$0x40];
	v2 =	vadd.f32 v9, v2;
	v0 =	vadd.f32 v4, v0;
	v11 =	vunpack.i.u.bf16.f32 v7  }
0x258: {  	v9 =	vld [tilespmem:s7+$0x40];
	v7 =	vunpack.i.l.bf16.f32 v7;
	v12 =	vunpack.i.u.bf16.f32 v1;
	v1 =	vunpack.i.l.bf16.f32 v1  }
0x259: {  	v4 =	vld [tilespmem:s7+$0xFFFFFF80];
	v13 =	vunpack.i.u.bf16.f32 v5;
	v5 =	vunpack.i.l.bf16.f32 v5;
	v1 =	vadd.f32 v1, v7  }
0x25a: {  	v15 =	vld [tilespmem:s7+$0xFFFFFFC0];
	v7 =	vunpack.i.u.bf16.f32 v8;
	v8 =	vunpack.i.l.bf16.f32 v8;
	v11 =	vadd.f32 v12, v11  }
0x25b: {  	v17 =	vld [tilespmem:s15+$0xFFFFFF80];
	[tilespmem:s24+$0xFFFFFF50] =	vst v6;
	v6 =	vunpack.i.u.bf16.f32 v14;
	v5 =	vadd.f32 v8, v5;
	v7 =	vadd.f32 v7, v13  }
0x25c: {  	v13 =	vunpack.i.l.bf16.f32 v10;
	v10 =	vunpack.i.u.bf16.f32 v10;
	v1 =	vmax.f32 v1, $0.0e+00  }
0x25d: {  	[tilespmem:s24+$0xFFFFFF40] =	vst v3;
	v12 =	vld [tilespmem:s7+$0x0];
	v16 =	vunpack.i.l.bf16.f32 v9;
	v11 =	vmax.f32 v11, $0.0e+00;
	v9 =	vunpack.i.u.bf16.f32 v9  }
0x25e: {  	v8 =	vld [tilespmem:s15+$0x0];
	v3 =	vunpack.i.u.bf16.f32 v4;
	v4 =	vunpack.i.l.bf16.f32 v4;
	v13 =	vadd.f32 v16, v13;
	[tilespmem:s24+$0xFFFFFFC0] =	vst v1  }
0x25f: {  	v9 =	vadd.f32 v9, v10;
	v10 =	vunpack.i.l.bf16.f32 v14;
	[tilespmem:s24+$0xFFFFFFD0] =	vst v11;
	v5 =	vmax.f32 v5, $0.0e+00  }
0x260: {  	s25 =	simm.s32 $0xF040;
	v14 =	vunpack.i.u.bf16.f32 v15;
	v1 =	vunpack.i.u.bf16.f32 v17;
	[tilespmem:s24+$0x40] =	vst v5;
	v13 =	vmax.f32 v13, $0.0e+00  }
0x261: {  	v15 =	vunpack.i.l.bf16.f32 v15;
	v1 =	vadd.f32 v3, v1;
	v9 =	vmax.f32 v9, $0.0e+00;
	[tilespmem:s25+$0x80] =	vst v13  }
0x262: {  	v6 =	vadd.f32 v14, v6;
	v5 =	vmax.f32 v7, $0.0e+00;
	v7 =	vld [tilespmem:s10+$0xFFFFFFF0];
	v18 =	vunpack.i.u.bf16.f32 v12;
	[tilespmem:s25+$0x90] =	vst v9  }
0x263: {  	v12 =	vunpack.i.l.bf16.f32 v12;
	v53 =	vunpack.i.u.bf16.f32 v8;
	v9 =	vunpack.i.l.bf16.f32 v17;
	v54 =	vld [tilespmem:s15+$0x50]  }
0x264: {  	[tilespmem:s24+$0x50] =	vst v5;
	v8 =	vunpack.i.l.bf16.f32 v8;
	v1 =	vmax.f32 v1, $0.0e+00;
	v4 =	vadd.f32 v4, v9;
	v3 =	vld [tilespmem:s7+$0x50]  }
0x265: {  	v5 =	vld [tilespmem:s11+$0xFFFFFFF0];
	v6 =	vmax.f32 v6, $0.0e+00;
	v8 =	vadd.f32 v12, v8;
	v11 =	vadd.f32 v18, v53;
	[tilespmem:s25+$0xFFFFFF10] =	vst v1  }
0x266: {  	v10 =	vadd.f32 v15, v10;
	v13 =	vld [tilespmem:s10+$0xFFFFFFB0];
	[tilespmem:s25+$0xFFFFFF90] =	vst v6;
	v4 =	vmax.f32 v4, $0.0e+00  }
0x267: {  	v9 =	vld [tilespmem:s11+$0xFFFFFFB0];
	v1 =	vmax.f32 v8, $0.0e+00;
	v8 =	vmax.f32 v11, $0.0e+00;
	[tilespmem:s25+$0xFFFFFF00] =	vst v4  }
0x268: {  	v2 =	vmax.f32 v2, $0.0e+00;
	v4 =	vmax.f32 v10, $0.0e+00;
	v10 =	vld [tilespmem:s10+$0x30];
	[tilespmem:s25+$0x10] =	vst v8  }
0x269: {  	v8 =	vunpack.i.u.bf16.f32 v7;
	v12 =	vld [tilespmem:s15+$0xFFFFFF90];
	[tilespmem:s25+$0xFFFFFF80] =	vst v4;
	v4 =	vunpack.i.l.bf16.f32 v54;
	v14 =	vunpack.i.l.bf16.f32 v3  }
0x26a: {  	[tilespmem:s25+$0x0] =	vst v1;
	v15 =	vld [tilespmem:s7+$0xFFFFFF90];
	v6 =	vunpack.i.u.bf16.f32 v54;
	v3 =	vunpack.i.u.bf16.f32 v3;
	v4 =	vadd.f32 v14, v4  }
0x26b: {  	v7 =	vunpack.i.l.bf16.f32 v7;
	v11 =	vunpack.i.u.bf16.f32 v13;
	v55 =	vld [tilespmem:s15+$0x10];
	v1 =	vadd.f32 v3, v6  }
0x26c: {  	v13 =	vunpack.i.l.bf16.f32 v13;
	v57 =	vld [tilespmem:s7+$0x10];
	v6 =	vunpack.i.l.bf16.f32 v9;
	v4 =	vmax.f32 v4, $0.0e+00  }
0x26d: {  	v14 =	vld [tilespmem:s15+$0xFFFFFFD0];
	v3 =	vunpack.i.u.bf16.f32 v9;
	v6 =	vadd.f32 v6, v13;
	v1 =	vmax.f32 v1, $0.0e+00;
	[tilespmem:s25+$0xA0] =	vst v4  }
0x26e: {  	v9 =	vld [tilespmem:s7+$0xFFFFFFD0];
	v3 =	vadd.f32 v3, v11;
	v11 =	vmax.f32 v0, $0.0e+00;
	v19 =	vunpack.i.u.bf16.f32 v10;
	[tilespmem:s25+$0xB0] =	vst v1  }
0x26f: {  	v10 =	vunpack.i.l.bf16.f32 v10;
	v4 =	vunpack.i.u.bf16.f32 v5;
	v5 =	vunpack.i.l.bf16.f32 v5;
	v20 =	vld [tilespmem:s15+$0x60]  }
0x270: {  	v56 =	vunpack.i.u.bf16.f32 v12;
	v12 =	vunpack.i.l.bf16.f32 v12;
	v1 =	vunpack.i.u.bf16.f32 v15;
	v21 =	vld [tilespmem:s7+$0x60]  }
0x271: {  	v15 =	vunpack.i.l.bf16.f32 v15;
	v59 =	vunpack.i.u.bf16.f32 v55;
	v16 =	vunpack.i.l.bf16.f32 v55  }
0x272: {  	v18 =	vunpack.i.u.bf16.f32 v57;
	v12 =	vadd.f32 v15, v12;
	v1 =	vadd.f32 v1, v56  }
0x273: {  	v15 =	vunpack.i.u.bf16.f32 v14;
	v14 =	vunpack.i.l.bf16.f32 v14;
	v58 =	vunpack.i.l.bf16.f32 v9  }
0x274: {  	[tilespmem:s24+$0xF0] =	vst v2;
	v2 =	vadd.f32 v18, v59;
	v14 =	vadd.f32 v58, v14;
	v12 =	vmax.f32 v12, $0.0e+00  }
0x275: {  	v1 =	vmax.f32 v1, $0.0e+00;
	[tilespmem:s25+$0xFFFFFF20] =	vst v12;
	v12 =	vunpack.i.l.bf16.f32 v20;
	v60 =	vunpack.i.l.bf16.f32 v21  }
0x276: {  	v22 =	vld [tilespmem:s11+$0x30];
	[tilespmem:s25+$0xFFFFFF30] =	vst v1;
	v1 =	vunpack.i.u.bf16.f32 v20;
	v61 =	vunpack.i.u.bf16.f32 v21;
	v12 =	vadd.f32 v60, v12  }
0x277: {  	v9 =	vunpack.i.u.bf16.f32 v9;
	v62 =	vld [tilespmem:s15+$0xFFFFFFA0];
	v14 =	vmax.f32 v14, $0.0e+00;
	v1 =	vadd.f32 v61, v1  }
0x278: {  	v9 =	vadd.f32 v9, v15;
	v15 =	vunpack.i.l.bf16.f32 v57;
	v63 =	vld [tilespmem:s7+$0xFFFFFFA0];
	[tilespmem:s25+$0xFFFFFFA0] =	vst v14;
	v12 =	vmax.f32 v12, $0.0e+00  }
0x279: {  	v5 =	vadd.f32 v5, v7;
	v15 =	vadd.f32 v15, v16;
	v1 =	vmax.f32 v1, $0.0e+00;
	[tilespmem:s25+$0xC0] =	vst v12  }
0x27a: {  	v8 =	vadd.f32 v4, v8;
	v2 =	vmax.f32 v2, $0.0e+00;
	v9 =	vmax.f32 v9, $0.0e+00;
	[tilespmem:s25+$0xD0] =	vst v1  }
0x27b: {  	v14 =	vmax.f32 v15, $0.0e+00;
	v15 =	vunpack.i.l.bf16.f32 v22;
	[tilespmem:s25+$0xFFFFFFB0] =	vst v9;
	v12 =	vunpack.i.u.bf16.f32 v22;
	v9 =	vld [tilespmem:s15+$0x70]  }
0x27c: {  	[tilespmem:s25+$0x30] =	vst v2;
	v4 =	vunpack.i.u.bf16.f32 v62;
	v7 =	vunpack.i.l.bf16.f32 v62;
	v1 =	vadd.f32 v15, v10;
	v13 =	vld [tilespmem:s7+$0x70]  }
0x27d: {  	[tilespmem:s25+$0x20] =	vst v14;
	v0 =	vld [tilespmem:s15+$0xFFFFFFE0];
	v10 =	vunpack.i.u.bf16.f32 v63;
	v14 =	vunpack.i.l.bf16.f32 v63;
	v2 =	vadd.f32 v12, v19  }
0x27e: {  	[tilespmem:s24+$0xE0] =	vst v11;
	v12 =	vadd.f32 v14, v7;
	v10 =	vadd.f32 v10, v4;
	v4 =	vmax.f32 v6, $0.0e+00;
	v7 =	vld [tilespmem:s7+$0xFFFFFFE0]  }
0x27f: {  	v11 =	vmax.f32 v3, $0.0e+00;
	v3 =	vmax.f32 v8, $0.0e+00;
	[tilespmem:s24+$0xFFFFFF60] =	vst v4;
	v4 =	vmax.f32 v5, $0.0e+00;
	v5 =	vld [tilespmem:s15+$0x20]  }
0x280: {  	[tilespmem:s24+$0xFFFFFF70] =	vst v11;
	v8 =	vld [tilespmem:s7+$0x20];
	v14 =	vmax.f32 v12, $0.0e+00;
	v12 =	vmax.f32 v10, $0.0e+00;
	v6 =	vunpack.i.l.bf16.f32 v9  }
0x281: {  	s9 =	simm.s32 $0xDAC0;
	s11 =	simm.s32 $0xC7C0;
	s10 =	simm.s32 $0x4;
	[tilespmem:s25+$0xFFFFFF40] =	vst v14;
	v10 =	vunpack.i.u.bf16.f32 v9;
	v11 =	vunpack.i.u.bf16.f32 v13;
	v9 =	vunpack.i.l.bf16.f32 v13  }
.LBB2_9:
0x282: {  	v13 =	vld [tilespmem:s11+$0x40];
	[tilespmem:s25+$0xFFFFFF50] =	vst v12;
	v12 =	vunpack.i.u.bf16.f32 v0;
	v14 =	vunpack.i.l.bf16.f32 v0;
	v10 =	vadd.f32 v11, v10;
	s7 =	sadd.s32 $0x100, s7  }
0x283: {  	v0 =	vadd.f32 v9, v6;
	v11 =	vld [tilespmem:s7+$0x40];
	v15 =	vunpack.i.u.bf16.f32 v7;
	v7 =	vunpack.i.l.bf16.f32 v7;
	[tilespmem:s24+$0xFFFFFFE0] =	vst v4  }
0x284: {  	v4 =	vld [tilespmem:s7+$0xFFFFFF80];
	v6 =	vunpack.i.u.bf16.f32 v5;
	v5 =	vunpack.i.l.bf16.f32 v5;
	v9 =	vmax.f32 v10, $0.0e+00;
	[tilespmem:s24+$0xFFFFFFF0] =	vst v3  }
0x285: {  	v7 =	vadd.f32 v7, v14;
	v3 =	vld [tilespmem:s11+$0xFFFFFFC0];
	v10 =	vunpack.i.u.bf16.f32 v8;
	v8 =	vunpack.i.l.bf16.f32 v8;
	[tilespmem:s25+$0xF0] =	vst v9  }
0x286: {  	v1 =	vmax.f32 v1, $0.0e+00;
	v12 =	vadd.f32 v15, v12;
	v9 =	vld [tilespmem:s7+$0xFFFFFFC0];
	v5 =	vadd.f32 v8, v5  }
0x287: {  	v7 =	vmax.f32 v7, $0.0e+00;
	v6 =	vadd.f32 v10, v6;
	v8 =	vld [tilespmem:s11+$0x0];
	[tilespmem:s24+$0x60] =	vst v1;
	v1 =	vmax.f32 v2, $0.0e+00  }
0x288: {  	v10 =	vunpack.i.l.bf16.f32 v13;
	v2 =	vld [tilespmem:s7+$0x0];
	v14 =	vunpack.i.l.bf16.f32 v11;
	[tilespmem:s25+$0xFFFFFFC0] =	vst v7;
	v7 =	vmax.f32 v12, $0.0e+00  }
0x289: {  	s10 =	sadd.s32 $0x4, s10;
	v13 =	vunpack.i.u.bf16.f32 v13;
	v11 =	vunpack.i.u.bf16.f32 v11;
	v12 =	vld [tilespmem:s11+$0xFFFFFF80];
	v10 =	vadd.f32 v14, v10;
	[tilespmem:s25+$0xFFFFFFD0] =	vst v7  }
0x28a: {  	p1 =	slt.u32 s10, $0x4C;
	v7 =	vunpack.i.u.bf16.f32 v4;
	v4 =	vunpack.i.l.bf16.f32 v4;
	v11 =	vadd.f32 v11, v13;
	v13 =	vld [tilespmem:s15+$0xFFFFFFB0];
	[tilespmem:s24+$0x70] =	vst v1;
	s24 =	smov.u32 s25  }
0x28b: {  	v1 =	vunpack.i.u.bf16.f32 v3;
	v3 =	vunpack.i.l.bf16.f32 v3;
	s25 =	sadd.s32 $0x200, s25;
	v10 =	vmax.f32 v10, $0.0e+00;
	v14 =	vld [tilespmem:s9+$0xFFFFFFB0]  }
0x28c: {  	v15 =	vunpack.i.u.bf16.f32 v9;
	v9 =	vunpack.i.l.bf16.f32 v9;
	[tilespmem:s25+$0x80] =	vst v10;
	v10 =	vmax.f32 v11, $0.0e+00;
	v11 =	vld [tilespmem:s15+$0xFFFFFFF0]  }
0x28d: {  	v16 =	vunpack.i.u.bf16.f32 v8;
	v8 =	vunpack.i.l.bf16.f32 v8;
	v17 =	vunpack.i.u.bf16.f32 v2;
	[tilespmem:s25+$0x90] =	vst v10;
	v10 =	vld [tilespmem:s9+$0xFFFFFFF0]  }
0x28e: {  	v2 =	vunpack.i.l.bf16.f32 v2;
	v18 =	vunpack.i.u.bf16.f32 v12;
	v12 =	vunpack.i.l.bf16.f32 v12;
	v19 =	vld [tilespmem:s11+$0x50]  }
0x28f: {  	v5 =	vmax.f32 v5, $0.0e+00;
	v4 =	vadd.f32 v4, v12;
	v7 =	vadd.f32 v7, v18;
	v12 =	vld [tilespmem:s7+$0x50]  }
0x290: {  	v3 =	vadd.f32 v9, v3;
	v1 =	vadd.f32 v15, v1;
	[tilespmem:s24+$0x40] =	vst v5;
	v5 =	vmax.f32 v6, $0.0e+00  }
0x291: {  	v2 =	vadd.f32 v2, v8;
	v6 =	vadd.f32 v17, v16;
	v4 =	vmax.f32 v4, $0.0e+00;
	[tilespmem:s24+$0x50] =	vst v5  }
0x292: {  	v3 =	vmax.f32 v3, $0.0e+00;
	v1 =	vmax.f32 v1, $0.0e+00;
	[tilespmem:s25+$0xFFFFFF00] =	vst v4;
	v4 =	vmax.f32 v7, $0.0e+00;
	v5 =	vld [tilespmem:s15+$0x30];
	s15 =	smov.u32 s11  }
0x293: {  	v2 =	vmax.f32 v2, $0.0e+00;
	[tilespmem:s25+$0xFFFFFF10] =	vst v4;
	v4 =	vmax.f32 v6, $0.0e+00;
	v6 =	vunpack.i.u.bf16.f32 v13;
	v7 =	vld [tilespmem:s9+$0x30];
	s9 =	smov.u32 s7  }
0x294: {  	v13 =	vunpack.i.l.bf16.f32 v13;
	v8 =	vld [tilespmem:s11+$0xFFFFFF90];
	[tilespmem:s25+$0xFFFFFF80] =	vst v3;
	v3 =	vunpack.i.l.bf16.f32 v19;
	v9 =	vunpack.i.l.bf16.f32 v12  }
0x295: {  	v12 =	vunpack.i.u.bf16.f32 v12;
	v15 =	vld [tilespmem:s7+$0xFFFFFF90];
	[tilespmem:s25+$0xFFFFFF90] =	vst v1;
	v1 =	vunpack.i.u.bf16.f32 v19;
	v3 =	vadd.f32 v9, v3  }
0x296: {  	v9 =	vld [tilespmem:s11+$0xFFFFFFD0];
	[tilespmem:s25+$0x0] =	vst v2;
	v1 =	vadd.f32 v12, v1;
	v2 =	vunpack.i.u.bf16.f32 v14;
	v12 =	vunpack.i.l.bf16.f32 v14  }
0x297: {  	v14 =	vld [tilespmem:s7+$0xFFFFFFD0];
	[tilespmem:s25+$0x10] =	vst v4;
	v3 =	vmax.f32 v3, $0.0e+00;
	v4 =	vunpack.i.u.bf16.f32 v11;
	v11 =	vunpack.i.l.bf16.f32 v11  }
0x298: {  	v16 =	vld [tilespmem:s11+$0x10];
	[tilespmem:s25+$0xA0] =	vst v3;
	v1 =	vmax.f32 v1, $0.0e+00;
	v3 =	vunpack.i.u.bf16.f32 v10;
	v10 =	vunpack.i.l.bf16.f32 v10  }
0x299: {  	v19 =	vunpack.i.u.bf16.f32 v5;
	v17 =	vunpack.i.u.bf16.f32 v8;
	v8 =	vunpack.i.l.bf16.f32 v8;
	v18 =	vld [tilespmem:s7+$0x10];
	[tilespmem:s25+$0xB0] =	vst v1  }
0x29a: {  	v5 =	vunpack.i.l.bf16.f32 v5;
	v1 =	vunpack.i.u.bf16.f32 v15;
	v15 =	vunpack.i.l.bf16.f32 v15;
	v20 =	vld [tilespmem:s11+$0x60]  }
0x29b: {  	v8 =	vadd.f32 v15, v8;
	v15 =	vunpack.i.u.bf16.f32 v9;
	v9 =	vunpack.i.l.bf16.f32 v9;
	v21 =	vld [tilespmem:s7+$0x60]  }
0x29c: {  	v1 =	vadd.f32 v1, v17;
	v17 =	vunpack.i.u.bf16.f32 v14;
	v14 =	vunpack.i.l.bf16.f32 v14  }
0x29d: {  	v9 =	vadd.f32 v14, v9;
	v14 =	vunpack.i.u.bf16.f32 v16;
	v16 =	vunpack.i.l.bf16.f32 v16  }
0x29e: {  	v15 =	vadd.f32 v17, v15;
	v17 =	vunpack.i.u.bf16.f32 v18;
	v18 =	vunpack.i.l.bf16.f32 v18  }
0x29f: {  	v8 =	vmax.f32 v8, $0.0e+00;
	v16 =	vadd.f32 v18, v16;
	v14 =	vadd.f32 v17, v14  }
0x2a0: {  	v1 =	vmax.f32 v1, $0.0e+00;
	[tilespmem:s25+$0xFFFFFF20] =	vst v8;
	v8 =	vunpack.i.l.bf16.f32 v20;
	v17 =	vunpack.i.l.bf16.f32 v21  }
0x2a1: {  	v18 =	vunpack.i.u.bf16.f32 v21;
	[tilespmem:s25+$0xFFFFFF30] =	vst v1;
	v1 =	vunpack.i.u.bf16.f32 v20;
	v8 =	vadd.f32 v17, v8  }
0x2a2: {  	v9 =	vmax.f32 v9, $0.0e+00;
	v15 =	vmax.f32 v15, $0.0e+00;
	v17 =	vld [tilespmem:s11+$0xFFFFFFA0];
	v1 =	vadd.f32 v18, v1  }
0x2a3: {  	v14 =	vmax.f32 v14, $0.0e+00;
	v18 =	vld [tilespmem:s7+$0xFFFFFFA0];
	[tilespmem:s25+$0xFFFFFFA0] =	vst v9;
	v9 =	vmax.f32 v16, $0.0e+00;
	v8 =	vmax.f32 v8, $0.0e+00  }
0x2a4: {  	[tilespmem:s25+$0xC0] =	vst v8;
	v1 =	vmax.f32 v1, $0.0e+00;
	v8 =	vunpack.i.u.bf16.f32 v7;
	v7 =	vunpack.i.l.bf16.f32 v7  }
0x2a5: {  	v12 =	vadd.f32 v12, v13;
	v6 =	vadd.f32 v2, v6;
	v13 =	vmax.f32 v0, $0.0e+00;
	[tilespmem:s25+$0xD0] =	vst v1  }
0x2a6: {  	v10 =	vadd.f32 v10, v11;
	v3 =	vadd.f32 v3, v4;
	[tilespmem:s25+$0xFFFFFFB0] =	vst v15;
	v15 =	vld [tilespmem:s11+$0x70]  }
0x2a7: {  	v1 =	vadd.f32 v7, v5;
	v4 =	vunpack.i.u.bf16.f32 v17;
	v11 =	vunpack.i.l.bf16.f32 v17;
	[tilespmem:s25+$0x20] =	vst v9;
	v9 =	vld [tilespmem:s7+$0x70]  }
.Ltmp3:
0x2a8: {  	v2 =	vadd.f32 v8, v19;
	v5 =	vunpack.i.u.bf16.f32 v18;
	v7 =	vunpack.i.l.bf16.f32 v18;
	v0 =	vld [tilespmem:s11+$0xFFFFFFE0];
	[tilespmem:s25+$0x30] =	vst v14;
	(pc) =	sbr.rel @p1 .LBB2_9-.Ltmp3, $4  }
0x2a9: {  	v8 =	vadd.f32 v7, v11;
	v11 =	vadd.f32 v5, v4;
	v7 =	vld [tilespmem:s7+$0xFFFFFFE0];
	v4 =	vmax.f32 v12, $0.0e+00;
	[tilespmem:s24+$0xE0] =	vst v13  }
0x2aa: {  	v3 =	vmax.f32 v3, $0.0e+00;
	v13 =	vmax.f32 v6, $0.0e+00;
	v5 =	vld [tilespmem:s11+$0x20];
	[tilespmem:s24+$0xFFFFFF60] =	vst v4;
	v4 =	vmax.f32 v10, $0.0e+00  }
0x2ab: {  	v10 =	vmax.f32 v8, $0.0e+00;
	v12 =	vmax.f32 v11, $0.0e+00;
	v8 =	vld [tilespmem:s7+$0x20];
	v6 =	vunpack.i.l.bf16.f32 v15;
	[tilespmem:s24+$0xFFFFFF70] =	vst v13  }
0x2ac: {  	s11 =	sadd.s32 $0x100, s11;
	[tilespmem:s25+$0xFFFFFF40] =	vst v10;
	v10 =	vunpack.i.u.bf16.f32 v15;
	v11 =	vunpack.i.u.bf16.f32 v9;
	v9 =	vunpack.i.l.bf16.f32 v9  }
0x2ad: {  	_ = 	snop  }
0x2ae: {  	v13 =	vunpack.i.u.bf16.f32 v0;
	v35 =	vunpack.i.l.bf16.f32 v0;
	v36 =	vunpack.i.l.bf16.f32 v7  }
0x2af: {  	[tilespmem:s25+$0xFFFFFF50] =	vst v12;
	v14 =	vunpack.i.u.bf16.f32 v7;
	v15 =	vunpack.i.l.bf16.f32 v5;
	v0 =	vadd.f32 v36, v35  }
0x2b0: {  	v41 =	vld [tilespmem:s15+$0xFFFFFFB0];
	v13 =	vadd.f32 v14, v13;
	v38 =	vunpack.i.u.bf16.f32 v5;
	v37 =	vunpack.i.l.bf16.f32 v8  }
0x2b1: {  	v42 =	vld [tilespmem:s9+$0xFFFFFFB0];
	v39 =	vunpack.i.u.bf16.f32 v8;
	v7 =	vadd.f32 v37, v15;
	v0 =	vmax.f32 v0, $0.0e+00  }
0x2b2: {  	v5 =	vadd.f32 v39, v38;
	v40 =	vmax.f32 v13, $0.0e+00;
	[tilespmem:s25+$0xFFFFFFC0] =	vst v0  }
0x2b3: {  	[tilespmem:s25+$0xFFFFFFD0] =	vst v40;
	v7 =	vmax.f32 v7, $0.0e+00  }
0x2b4: {  	v43 =	vld [tilespmem:s15+$0xFFFFFFF0];
	v5 =	vmax.f32 v5, $0.0e+00;
	[tilespmem:s25+$0x40] =	vst v7  }
0x2b5: {  	v44 =	vadd.f32 v11, v10;
	v46 =	vadd.f32 v9, v6;
	v45 =	vld [tilespmem:s9+$0xFFFFFFF0];
	[tilespmem:s25+$0x50] =	vst v5  }
0x2b6: {  	[tilespmem:s24+$0xFFFFFFE0] =	vst v4;
	v1 =	vmax.f32 v1, $0.0e+00;
	v8 =	vunpack.i.l.bf16.f32 v41;
	v0 =	vunpack.i.l.bf16.f32 v42;
	v47 =	vld [tilespmem:s15+$0x30]  }
0x2b7: {  	[tilespmem:s24+$0xFFFFFFF0] =	vst v3;
	v49 =	vunpack.i.u.bf16.f32 v41;
	v51 =	vunpack.i.u.bf16.f32 v42;
	v0 =	vadd.f32 v0, v8;
	v50 =	vld [tilespmem:s9+$0x30]  }
0x2b8: {  	v2 =	vmax.f32 v2, $0.0e+00;
	[tilespmem:s24+$0x60] =	vst v1;
	v48 =	vmax.f32 v44, $0.0e+00;
	v3 =	vadd.f32 v51, v49  }
0x2b9: {  	[tilespmem:s24+$0x70] =	vst v2;
	v5 =	vmax.f32 v46, $0.0e+00;
	v0 =	vmax.f32 v0, $0.0e+00;
	v52 =	vunpack.i.u.bf16.f32 v43  }
0x2ba: {  	[tilespmem:s25+$0xF0] =	vst v48;
	v53 =	vunpack.i.l.bf16.f32 v43;
	v54 =	vunpack.i.u.bf16.f32 v45;
	v10 =	vunpack.i.l.bf16.f32 v45  }
0x2bb: {  	[tilespmem:s25+$0xE0] =	vst v5;
	v58 =	vmax.f32 v3, $0.0e+00;
	v56 =	vadd.f32 v10, v53;
	v1 =	vadd.f32 v54, v52  }
0x2bc: {  	[tilespmem:s25+$0xFFFFFF60] =	vst v0;
	v55 =	vunpack.i.u.bf16.f32 v47;
	v6 =	vunpack.i.l.bf16.f32 v47;
	v57 =	vunpack.i.l.bf16.f32 v50  }
0x2bd: {  	[tilespmem:s25+$0xFFFFFF70] =	vst v58;
	v59 =	vunpack.i.u.bf16.f32 v50;
	v60 =	vadd.f32 v57, v6;
	v61 =	vmax.f32 v56, $0.0e+00  }
0x2be: {  	v62 =	vadd.f32 v59, v55;
	v1 =	vmax.f32 v1, $0.0e+00;
	[tilespmem:s25+$0xFFFFFFE0] =	vst v61  }
0x2bf: {  	[tilespmem:s25+$0xFFFFFFF0] =	vst v1;
	v63 =	vmax.f32 v60, $0.0e+00  }
0x2c0: {  	v1 =	vlaneseq.u32 @!p0;
	v0 =	vmax.f32 v62, $0.0e+00;
	[tilespmem:s25+$0x60] =	vst v63  }
0x2c1: {  	[tilespmem:s25+$0x70] =	vst v0;
	v0 =	vmul.u32 @!p0 $0x80, v1  }
0x2c2: {  	v1 =	vld @!p0 [tilespmem:s2+$0x4E20];
	_ =	sdelay $0x3  }
0x2c3: {  	s7 =	simm.s32 @!p0 $0xED40  }
0x2c4: {  	[tilespmem:v0+s7+$0x0] =	vst.idx.add.f32.msk @!p0 $0xffff, v1  }
0x2c5: {  	v2 =	vor.u32 @!p0 $0x800, v0;
	v1 =	vld @!p0 [tilespmem:s20+$0x4E80];
	_ =	sdelay $0x4  }
0x2c6: {  	[tilespmem:v2+s7+$0x0] =	vst.idx.add.f32.msk @!p0 $0xffff, v1  }
0x2c7: {  	v2 =	vor.u32 @!p0 $0x1000, v0;
	v1 =	vld @!p0 [tilespmem:s20+$0x4E90];
	_ =	sdelay $0x4  }
0x2c8: {  	[tilespmem:v2+s7+$0x0] =	vst.idx.add.f32.msk @!p0 $0xffff, v1  }
0x2c9: {  	v2 =	vor.u32 @!p0 $0x1800, v0;
	v1 =	vld @!p0 [tilespmem:s20+$0x4EA0];
	_ =	sdelay $0x4  }
0x2ca: {  	[tilespmem:v2+s7+$0x0] =	vst.idx.add.f32.msk @!p0 $0xffff, v1  }
0x2cb: {  	s0 =	sadd.s32 $0x1, s0;
	v0 =	vor.u32 @!p0 $0x2000, v0;
	v1 =	vld @!p0 [tilespmem:s20+$0x4EB0]  }
0x2cc: {  	p1 =	sne.s32 s0, $0x3E  }
.Ltmp4:
0x2cd: {  	s25 =	sadd.s32 s6, s2;
	(pc) =	sbr.rel @p1 .LBB2_6-.Ltmp4, $4  }
0x2ce: {  	s2 =	sshll.u32 s25, $0x4  }
0x2cf: {  	s2 =	sand.u32 $0x1FFFFF00, s2  }
0x2d0: {  	s2 =	sadd.s32 s1, s2;
	[tilespmem:v0+s7+$0x0] =	vst.idx.add.f32.msk @!p0 $0xffff, v1  }
0x2d1: {  	[hbm4b:s2+s3] =	stream.linear.scatter [tilespmem:s28], [sflag:$0x4], $0x2800, $0x38;
	[tilespmem:$0x11540] =	vst v63  }
0x2d2: {  	_ =	swait.ge [sflag:s22], $0x1400  }
0x2d3: {  	[sflag:s22] =	ssyncset.done $0x0  }
0x2d4: {  	[sflag:s22] =	ssyncadd.s32 $0xFFFFEC00  }
0x2d5: {  	_ =	swait.ge [sflag:s22], $0x1400  }
0x2d6: {  	[sflag:s22] =	ssyncset.done $0x0  }
0x2d7: {  	[sflag:s22] =	ssyncadd.s32 $0xFFFFEC00  }
0x2d8: {  	_ =	swait.ge [sflag:s29], $0x2800  }
0x2d9: {  	[sflag:s29] =	ssyncset.done $0x0  }
0x2da: {  	s10 =	simm.s32 $0x75C0;
	[sflag:s29] =	ssyncadd.s32 $0xFFFFD800  }
0x2db: {  	s9 =	simm.s32 $0x89C0;
	v0 =	vld [tilespmem:s10+$0x40]  }
0x2dc: {  	v1 =	vld [tilespmem:s9+$0x40];
	_ =	sdelay $0x4  }
0x2dd: {  	v4 =	vld [tilespmem:s9+$0xFFFFFF80];
	v2 =	vunpack.i.l.bf16.f32 v0;
	v3 =	vunpack.i.l.bf16.f32 v1  }
0x2de: {  	v5 =	vld [tilespmem:s9+$0xFFFFFFC0];
	v0 =	vunpack.i.u.bf16.f32 v0;
	v1 =	vunpack.i.u.bf16.f32 v1;
	v2 =	vadd.f32 v3, v2  }
0x2df: {  	v0 =	vadd.f32 v1, v0;
	v1 =	vld [tilespmem:s10+$0xFFFFFF80]  }
0x2e0: {  	s0 =	simm.s32 $0x9E40;
	v3 =	vld [tilespmem:s10+$0xFFFFFFC0];
	v2 =	vmax.f32 v2, $0.0e+00  }
0x2e1: {  	v0 =	vmax.f32 v0, $0.0e+00;
	[tilespmem:s0+$0x80] =	vst v2  }
0x2e2: {  	[tilespmem:s0+$0x90] =	vst v0  }
0x2e3: {  	v10 =	vunpack.i.l.bf16.f32 v5;
	v5 =	vunpack.i.u.bf16.f32 v5;
	v2 =	vunpack.i.u.bf16.f32 v4;
	v0 =	vld [tilespmem:s10+$0x50]  }
0x2e4: {  	v4 =	vunpack.i.l.bf16.f32 v4;
	v6 =	vld [tilespmem:s9+$0x50];
	v8 =	vunpack.i.u.bf16.f32 v1;
	v1 =	vunpack.i.l.bf16.f32 v1  }
0x2e5: {  	v7 =	vunpack.i.l.bf16.f32 v3;
	v3 =	vunpack.i.u.bf16.f32 v3;
	v1 =	vadd.f32 v4, v1  }
0x2e6: {  	v9 =	vld [tilespmem:s10+$0x0];
	v2 =	vadd.f32 v2, v8;
	v3 =	vadd.f32 v5, v3  }
0x2e7: {  	v4 =	vld [tilespmem:s9+$0x0];
	v7 =	vadd.f32 v10, v7  }
0x2e8: {  	v1 =	vmax.f32 v1, $0.0e+00;
	v2 =	vmax.f32 v2, $0.0e+00;
	v3 =	vmax.f32 v3, $0.0e+00  }
0x2e9: {  	[tilespmem:s0+$0xFFFFFF00] =	vst v1;
	v1 =	vmax.f32 v7, $0.0e+00;
	v5 =	vunpack.i.l.bf16.f32 v0;
	v7 =	vunpack.i.l.bf16.f32 v6  }
0x2ea: {  	[tilespmem:s0+$0xFFFFFF10] =	vst v2;
	v0 =	vunpack.i.u.bf16.f32 v0;
	v2 =	vunpack.i.u.bf16.f32 v6;
	v5 =	vadd.f32 v7, v5  }
0x2eb: {  	v6 =	vunpack.i.u.bf16.f32 v9;
	[tilespmem:s0+$0xFFFFFF90] =	vst v3;
	v0 =	vadd.f32 v2, v0;
	v8 =	vld [tilespmem:s9+$0xFFFFFF90]  }
0x2ec: {  	v7 =	vld [tilespmem:s10+$0xFFFFFF90];
	[tilespmem:s0+$0xFFFFFF80] =	vst v1;
	v1 =	vunpack.i.l.bf16.f32 v9;
	v2 =	vunpack.i.l.bf16.f32 v4;
	v3 =	vmax.f32 v5, $0.0e+00  }
0x2ed: {  	v4 =	vunpack.i.u.bf16.f32 v4;
	v1 =	vadd.f32 v2, v1;
	v2 =	vld [tilespmem:s10+$0xFFFFFFD0];
	v0 =	vmax.f32 v0, $0.0e+00;
	[tilespmem:s0+$0xA0] =	vst v3  }
0x2ee: {  	v3 =	vadd.f32 v4, v6;
	v4 =	vld [tilespmem:s9+$0xFFFFFFD0];
	[tilespmem:s0+$0xB0] =	vst v0  }
0x2ef: {  	v0 =	vmax.f32 v1, $0.0e+00;
	v1 =	vld [tilespmem:s10+$0x60]  }
0x2f0: {  	v3 =	vmax.f32 v3, $0.0e+00;
	[tilespmem:s0+$0x0] =	vst v0;
	v0 =	vld [tilespmem:s9+$0x60];
	v5 =	vunpack.i.l.bf16.f32 v8  }
0x2f1: {  	v8 =	vunpack.i.u.bf16.f32 v8;
	[tilespmem:s0+$0x10] =	vst v3;
	v3 =	vunpack.i.l.bf16.f32 v7;
	v7 =	vunpack.i.u.bf16.f32 v7  }
0x2f2: {  	v3 =	vadd.f32 v5, v3;
	v5 =	vunpack.i.u.bf16.f32 v2;
	v2 =	vunpack.i.l.bf16.f32 v2  }
0x2f3: {  	v6 =	vld [tilespmem:s10+$0x10];
	v7 =	vadd.f32 v8, v7;
	v9 =	vunpack.i.u.bf16.f32 v4;
	v4 =	vunpack.i.l.bf16.f32 v4  }
0x2f4: {  	v8 =	vld [tilespmem:s9+$0x10];
	v3 =	vmax.f32 v3, $0.0e+00;
	v2 =	vadd.f32 v4, v2  }
0x2f5: {  	[tilespmem:s0+$0xFFFFFF20] =	vst v3;
	v3 =	vmax.f32 v7, $0.0e+00;
	v7 =	vunpack.i.l.bf16.f32 v1;
	v10 =	vunpack.i.l.bf16.f32 v0  }
0x2f6: {  	v1 =	vunpack.i.u.bf16.f32 v1;
	v0 =	vunpack.i.u.bf16.f32 v0;
	[tilespmem:s0+$0xFFFFFF30] =	vst v3;
	v3 =	vadd.f32 v10, v7  }
0x2f7: {  	v5 =	vadd.f32 v9, v5;
	v0 =	vadd.f32 v0, v1;
	v7 =	vld [tilespmem:s10+$0xFFFFFFA0]  }
0x2f8: {  	v4 =	vunpack.i.u.bf16.f32 v6;
	v1 =	vunpack.i.l.bf16.f32 v6;
	v6 =	vld [tilespmem:s9+$0xFFFFFFA0];
	v3 =	vmax.f32 v3, $0.0e+00  }
0x2f9: {  	v9 =	vunpack.i.u.bf16.f32 v8;
	v8 =	vunpack.i.l.bf16.f32 v8;
	v0 =	vmax.f32 v0, $0.0e+00;
	[tilespmem:s0+$0xC0] =	vst v3  }
0x2fa: {  	v2 =	vmax.f32 v2, $0.0e+00;
	v1 =	vadd.f32 v8, v1;
	v3 =	vadd.f32 v9, v4;
	[tilespmem:s0+$0xD0] =	vst v0  }
0x2fb: {  	[tilespmem:s0+$0xFFFFFFA0] =	vst v2;
	v0 =	vmax.f32 v5, $0.0e+00;
	v2 =	vld [tilespmem:s10+$0x70]  }
0x2fc: {  	v1 =	vmax.f32 v1, $0.0e+00;
	[tilespmem:s0+$0xFFFFFFB0] =	vst v0;
	v4 =	vld [tilespmem:s9+$0x70];
	v3 =	vmax.f32 v3, $0.0e+00;
	v0 =	vunpack.i.u.bf16.f32 v7  }
0x2fd: {  	[tilespmem:s0+$0x20] =	vst v1;
	v5 =	vunpack.i.l.bf16.f32 v7;
	v1 =	vunpack.i.u.bf16.f32 v6;
	v6 =	vunpack.i.l.bf16.f32 v6;
	v7 =	vld [tilespmem:s10+$0xFFFFFFE0]  }
0x2fe: {  	[tilespmem:s0+$0x30] =	vst v3;
	v3 =	vadd.f32 v6, v5;
	v0 =	vadd.f32 v1, v0;
	v1 =	vld [tilespmem:s9+$0xFFFFFFE0]  }
0x2ff: {  	v5 =	vld [tilespmem:s10+$0x20]  }
0x300: {  	s15 =	simm.s32 $0x76C0;
	v8 =	vld [tilespmem:s9+$0x20];
	v3 =	vmax.f32 v3, $0.0e+00;
	v6 =	vmax.f32 v0, $0.0e+00;
	v0 =	vunpack.i.l.bf16.f32 v2  }
0x301: {  	v14 =	vld [tilespmem:s15+$0xFFFFFFC0];
	v2 =	vunpack.i.u.bf16.f32 v2;
	v9 =	vunpack.i.u.bf16.f32 v4;
	v4 =	vunpack.i.l.bf16.f32 v4  }
0x302: {  	s7 =	simm.s32 $0x8AC0;
	v10 =	vld [tilespmem:s15+$0x40];
	v2 =	vadd.f32 v9, v2;
	v0 =	vadd.f32 v4, v0;
	v11 =	vunpack.i.u.bf16.f32 v7  }
0x303: {  	v9 =	vld [tilespmem:s7+$0x40];
	v7 =	vunpack.i.l.bf16.f32 v7;
	v12 =	vunpack.i.u.bf16.f32 v1;
	v1 =	vunpack.i.l.bf16.f32 v1  }
0x304: {  	v4 =	vld [tilespmem:s7+$0xFFFFFF80];
	v13 =	vunpack.i.u.bf16.f32 v5;
	v5 =	vunpack.i.l.bf16.f32 v5;
	v1 =	vadd.f32 v1, v7  }
0x305: {  	v15 =	vld [tilespmem:s7+$0xFFFFFFC0];
	v7 =	vunpack.i.u.bf16.f32 v8;
	v8 =	vunpack.i.l.bf16.f32 v8;
	v11 =	vadd.f32 v12, v11  }
0x306: {  	v17 =	vld [tilespmem:s15+$0xFFFFFF80];
	[tilespmem:s0+$0xFFFFFF50] =	vst v6;
	v6 =	vunpack.i.u.bf16.f32 v14;
	v5 =	vadd.f32 v8, v5;
	v7 =	vadd.f32 v7, v13  }
0x307: {  	v13 =	vunpack.i.l.bf16.f32 v10;
	v10 =	vunpack.i.u.bf16.f32 v10;
	v1 =	vmax.f32 v1, $0.0e+00  }
0x308: {  	[tilespmem:s0+$0xFFFFFF40] =	vst v3;
	v12 =	vld [tilespmem:s7+$0x0];
	v16 =	vunpack.i.l.bf16.f32 v9;
	v11 =	vmax.f32 v11, $0.0e+00;
	v9 =	vunpack.i.u.bf16.f32 v9  }
0x309: {  	v8 =	vld [tilespmem:s15+$0x0];
	v3 =	vunpack.i.u.bf16.f32 v4;
	v4 =	vunpack.i.l.bf16.f32 v4;
	v13 =	vadd.f32 v16, v13;
	[tilespmem:s0+$0xFFFFFFC0] =	vst v1  }
0x30a: {  	v9 =	vadd.f32 v9, v10;
	v10 =	vunpack.i.l.bf16.f32 v14;
	[tilespmem:s0+$0xFFFFFFD0] =	vst v11;
	v5 =	vmax.f32 v5, $0.0e+00  }
0x30b: {  	s2 =	simm.s32 $0xA040;
	v14 =	vunpack.i.u.bf16.f32 v15;
	v1 =	vunpack.i.u.bf16.f32 v17;
	[tilespmem:s0+$0x40] =	vst v5;
	v13 =	vmax.f32 v13, $0.0e+00  }
0x30c: {  	v15 =	vunpack.i.l.bf16.f32 v15;
	v1 =	vadd.f32 v3, v1;
	v9 =	vmax.f32 v9, $0.0e+00;
	[tilespmem:s2+$0x80] =	vst v13  }
0x30d: {  	v6 =	vadd.f32 v14, v6;
	v5 =	vmax.f32 v7, $0.0e+00;
	v7 =	vld [tilespmem:s10+$0xFFFFFFF0];
	v18 =	vunpack.i.u.bf16.f32 v12;
	[tilespmem:s2+$0x90] =	vst v9  }
0x30e: {  	v12 =	vunpack.i.l.bf16.f32 v12;
	v53 =	vunpack.i.u.bf16.f32 v8;
	v9 =	vunpack.i.l.bf16.f32 v17;
	v54 =	vld [tilespmem:s15+$0x50]  }
0x30f: {  	[tilespmem:s0+$0x50] =	vst v5;
	v8 =	vunpack.i.l.bf16.f32 v8;
	v1 =	vmax.f32 v1, $0.0e+00;
	v4 =	vadd.f32 v4, v9;
	v3 =	vld [tilespmem:s7+$0x50]  }
0x310: {  	v5 =	vld [tilespmem:s9+$0xFFFFFFF0];
	v6 =	vmax.f32 v6, $0.0e+00;
	v8 =	vadd.f32 v12, v8;
	v11 =	vadd.f32 v18, v53;
	[tilespmem:s2+$0xFFFFFF10] =	vst v1  }
0x311: {  	v10 =	vadd.f32 v15, v10;
	v13 =	vld [tilespmem:s10+$0xFFFFFFB0];
	[tilespmem:s2+$0xFFFFFF90] =	vst v6;
	v4 =	vmax.f32 v4, $0.0e+00  }
0x312: {  	v9 =	vld [tilespmem:s9+$0xFFFFFFB0];
	v1 =	vmax.f32 v8, $0.0e+00;
	v8 =	vmax.f32 v11, $0.0e+00;
	[tilespmem:s2+$0xFFFFFF00] =	vst v4  }
0x313: {  	v2 =	vmax.f32 v2, $0.0e+00;
	v4 =	vmax.f32 v10, $0.0e+00;
	v10 =	vld [tilespmem:s10+$0x30];
	[tilespmem:s2+$0x10] =	vst v8  }
0x314: {  	v8 =	vunpack.i.u.bf16.f32 v7;
	v12 =	vld [tilespmem:s15+$0xFFFFFF90];
	[tilespmem:s2+$0xFFFFFF80] =	vst v4;
	v4 =	vunpack.i.l.bf16.f32 v54;
	v14 =	vunpack.i.l.bf16.f32 v3  }
0x315: {  	[tilespmem:s2+$0x0] =	vst v1;
	v15 =	vld [tilespmem:s7+$0xFFFFFF90];
	v6 =	vunpack.i.u.bf16.f32 v54;
	v3 =	vunpack.i.u.bf16.f32 v3;
	v4 =	vadd.f32 v14, v4  }
0x316: {  	v7 =	vunpack.i.l.bf16.f32 v7;
	v11 =	vunpack.i.u.bf16.f32 v13;
	v55 =	vld [tilespmem:s15+$0x10];
	v1 =	vadd.f32 v3, v6  }
0x317: {  	v13 =	vunpack.i.l.bf16.f32 v13;
	v57 =	vld [tilespmem:s7+$0x10];
	v6 =	vunpack.i.l.bf16.f32 v9;
	v4 =	vmax.f32 v4, $0.0e+00  }
0x318: {  	v14 =	vld [tilespmem:s15+$0xFFFFFFD0];
	v3 =	vunpack.i.u.bf16.f32 v9;
	v6 =	vadd.f32 v6, v13;
	v1 =	vmax.f32 v1, $0.0e+00;
	[tilespmem:s2+$0xA0] =	vst v4  }
0x319: {  	v9 =	vld [tilespmem:s7+$0xFFFFFFD0];
	v3 =	vadd.f32 v3, v11;
	v11 =	vmax.f32 v0, $0.0e+00;
	v19 =	vunpack.i.u.bf16.f32 v10;
	[tilespmem:s2+$0xB0] =	vst v1  }
0x31a: {  	v10 =	vunpack.i.l.bf16.f32 v10;
	v4 =	vunpack.i.u.bf16.f32 v5;
	v5 =	vunpack.i.l.bf16.f32 v5;
	v20 =	vld [tilespmem:s15+$0x60]  }
0x31b: {  	v56 =	vunpack.i.u.bf16.f32 v12;
	v12 =	vunpack.i.l.bf16.f32 v12;
	v1 =	vunpack.i.u.bf16.f32 v15;
	v21 =	vld [tilespmem:s7+$0x60]  }
0x31c: {  	v15 =	vunpack.i.l.bf16.f32 v15;
	v59 =	vunpack.i.u.bf16.f32 v55;
	v16 =	vunpack.i.l.bf16.f32 v55  }
0x31d: {  	v18 =	vunpack.i.u.bf16.f32 v57;
	v12 =	vadd.f32 v15, v12;
	v1 =	vadd.f32 v1, v56  }
0x31e: {  	v15 =	vunpack.i.u.bf16.f32 v14;
	v14 =	vunpack.i.l.bf16.f32 v14;
	v58 =	vunpack.i.l.bf16.f32 v9  }
0x31f: {  	[tilespmem:s0+$0xF0] =	vst v2;
	v2 =	vadd.f32 v18, v59;
	v14 =	vadd.f32 v58, v14;
	v12 =	vmax.f32 v12, $0.0e+00  }
0x320: {  	v1 =	vmax.f32 v1, $0.0e+00;
	[tilespmem:s2+$0xFFFFFF20] =	vst v12;
	v12 =	vunpack.i.l.bf16.f32 v20;
	v60 =	vunpack.i.l.bf16.f32 v21  }
0x321: {  	v22 =	vld [tilespmem:s9+$0x30];
	[tilespmem:s2+$0xFFFFFF30] =	vst v1;
	v1 =	vunpack.i.u.bf16.f32 v20;
	v61 =	vunpack.i.u.bf16.f32 v21;
	v12 =	vadd.f32 v60, v12  }
0x322: {  	v9 =	vunpack.i.u.bf16.f32 v9;
	v62 =	vld [tilespmem:s15+$0xFFFFFFA0];
	v14 =	vmax.f32 v14, $0.0e+00;
	v1 =	vadd.f32 v61, v1  }
0x323: {  	v9 =	vadd.f32 v9, v15;
	v15 =	vunpack.i.l.bf16.f32 v57;
	v63 =	vld [tilespmem:s7+$0xFFFFFFA0];
	[tilespmem:s2+$0xFFFFFFA0] =	vst v14;
	v12 =	vmax.f32 v12, $0.0e+00  }
0x324: {  	v5 =	vadd.f32 v5, v7;
	v15 =	vadd.f32 v15, v16;
	v1 =	vmax.f32 v1, $0.0e+00;
	[tilespmem:s2+$0xC0] =	vst v12  }
0x325: {  	v8 =	vadd.f32 v4, v8;
	v2 =	vmax.f32 v2, $0.0e+00;
	v9 =	vmax.f32 v9, $0.0e+00;
	[tilespmem:s2+$0xD0] =	vst v1  }
0x326: {  	v14 =	vmax.f32 v15, $0.0e+00;
	v15 =	vunpack.i.l.bf16.f32 v22;
	[tilespmem:s2+$0xFFFFFFB0] =	vst v9;
	v12 =	vunpack.i.u.bf16.f32 v22;
	v9 =	vld [tilespmem:s15+$0x70]  }
0x327: {  	[tilespmem:s2+$0x30] =	vst v2;
	v4 =	vunpack.i.u.bf16.f32 v62;
	v7 =	vunpack.i.l.bf16.f32 v62;
	v1 =	vadd.f32 v15, v10;
	v13 =	vld [tilespmem:s7+$0x70]  }
0x328: {  	[tilespmem:s2+$0x20] =	vst v14;
	v0 =	vld [tilespmem:s15+$0xFFFFFFE0];
	v10 =	vunpack.i.u.bf16.f32 v63;
	v14 =	vunpack.i.l.bf16.f32 v63;
	v2 =	vadd.f32 v12, v19  }
0x329: {  	[tilespmem:s0+$0xE0] =	vst v11;
	v12 =	vadd.f32 v14, v7;
	v10 =	vadd.f32 v10, v4;
	v4 =	vmax.f32 v6, $0.0e+00;
	v7 =	vld [tilespmem:s7+$0xFFFFFFE0]  }
0x32a: {  	v11 =	vmax.f32 v3, $0.0e+00;
	v3 =	vmax.f32 v8, $0.0e+00;
	[tilespmem:s0+$0xFFFFFF60] =	vst v4;
	v4 =	vmax.f32 v5, $0.0e+00;
	v5 =	vld [tilespmem:s15+$0x20]  }
0x32b: {  	[tilespmem:s0+$0xFFFFFF70] =	vst v11;
	v8 =	vld [tilespmem:s7+$0x20];
	v14 =	vmax.f32 v12, $0.0e+00;
	v12 =	vmax.f32 v10, $0.0e+00;
	v6 =	vunpack.i.l.bf16.f32 v9  }
0x32c: {  	s11 =	simm.s32 $0x77C0;
	s9 =	simm.s32 $0x8AC0;
	s10 =	simm.s32 $0x4;
	[tilespmem:s2+$0xFFFFFF40] =	vst v14;
	v10 =	vunpack.i.u.bf16.f32 v9;
	v11 =	vunpack.i.u.bf16.f32 v13;
	v9 =	vunpack.i.l.bf16.f32 v13  }
.LBB2_12:
0x32d: {  	v13 =	vld [tilespmem:s11+$0x40];
	[tilespmem:s2+$0xFFFFFF50] =	vst v12;
	v12 =	vunpack.i.u.bf16.f32 v0;
	v14 =	vunpack.i.l.bf16.f32 v0;
	v10 =	vadd.f32 v11, v10;
	s7 =	sadd.s32 $0x100, s7  }
0x32e: {  	v0 =	vadd.f32 v9, v6;
	v11 =	vld [tilespmem:s7+$0x40];
	v15 =	vunpack.i.u.bf16.f32 v7;
	v7 =	vunpack.i.l.bf16.f32 v7;
	[tilespmem:s0+$0xFFFFFFE0] =	vst v4  }
0x32f: {  	v4 =	vld [tilespmem:s7+$0xFFFFFF80];
	v6 =	vunpack.i.u.bf16.f32 v5;
	v5 =	vunpack.i.l.bf16.f32 v5;
	v9 =	vmax.f32 v10, $0.0e+00;
	[tilespmem:s0+$0xFFFFFFF0] =	vst v3  }
0x330: {  	v7 =	vadd.f32 v7, v14;
	v3 =	vld [tilespmem:s11+$0xFFFFFFC0];
	v10 =	vunpack.i.u.bf16.f32 v8;
	v8 =	vunpack.i.l.bf16.f32 v8;
	[tilespmem:s2+$0xF0] =	vst v9  }
0x331: {  	v1 =	vmax.f32 v1, $0.0e+00;
	v12 =	vadd.f32 v15, v12;
	v9 =	vld [tilespmem:s7+$0xFFFFFFC0];
	v5 =	vadd.f32 v8, v5  }
0x332: {  	v7 =	vmax.f32 v7, $0.0e+00;
	v6 =	vadd.f32 v10, v6;
	v8 =	vld [tilespmem:s11+$0x0];
	[tilespmem:s0+$0x60] =	vst v1;
	v1 =	vmax.f32 v2, $0.0e+00  }
0x333: {  	v10 =	vunpack.i.l.bf16.f32 v13;
	v2 =	vld [tilespmem:s7+$0x0];
	v14 =	vunpack.i.l.bf16.f32 v11;
	[tilespmem:s2+$0xFFFFFFC0] =	vst v7;
	v7 =	vmax.f32 v12, $0.0e+00  }
0x334: {  	s10 =	sadd.s32 $0x4, s10;
	v13 =	vunpack.i.u.bf16.f32 v13;
	v11 =	vunpack.i.u.bf16.f32 v11;
	v12 =	vld [tilespmem:s11+$0xFFFFFF80];
	v10 =	vadd.f32 v14, v10;
	[tilespmem:s2+$0xFFFFFFD0] =	vst v7  }
0x335: {  	p1 =	slt.u32 s10, $0x4C;
	v7 =	vunpack.i.u.bf16.f32 v4;
	v4 =	vunpack.i.l.bf16.f32 v4;
	v11 =	vadd.f32 v11, v13;
	v13 =	vld [tilespmem:s15+$0xFFFFFFB0];
	[tilespmem:s0+$0x70] =	vst v1;
	s0 =	smov.u32 s2  }
0x336: {  	v1 =	vunpack.i.u.bf16.f32 v3;
	v3 =	vunpack.i.l.bf16.f32 v3;
	s2 =	sadd.s32 $0x200, s2;
	v10 =	vmax.f32 v10, $0.0e+00;
	v14 =	vld [tilespmem:s9+$0xFFFFFFB0]  }
0x337: {  	v15 =	vunpack.i.u.bf16.f32 v9;
	v9 =	vunpack.i.l.bf16.f32 v9;
	[tilespmem:s2+$0x80] =	vst v10;
	v10 =	vmax.f32 v11, $0.0e+00;
	v11 =	vld [tilespmem:s15+$0xFFFFFFF0]  }
0x338: {  	v16 =	vunpack.i.u.bf16.f32 v8;
	v8 =	vunpack.i.l.bf16.f32 v8;
	v17 =	vunpack.i.u.bf16.f32 v2;
	[tilespmem:s2+$0x90] =	vst v10;
	v10 =	vld [tilespmem:s9+$0xFFFFFFF0]  }
0x339: {  	v2 =	vunpack.i.l.bf16.f32 v2;
	v18 =	vunpack.i.u.bf16.f32 v12;
	v12 =	vunpack.i.l.bf16.f32 v12;
	v19 =	vld [tilespmem:s11+$0x50]  }
0x33a: {  	v5 =	vmax.f32 v5, $0.0e+00;
	v4 =	vadd.f32 v4, v12;
	v7 =	vadd.f32 v7, v18;
	v12 =	vld [tilespmem:s7+$0x50]  }
0x33b: {  	v3 =	vadd.f32 v9, v3;
	v1 =	vadd.f32 v15, v1;
	[tilespmem:s0+$0x40] =	vst v5;
	v5 =	vmax.f32 v6, $0.0e+00  }
0x33c: {  	v2 =	vadd.f32 v2, v8;
	v6 =	vadd.f32 v17, v16;
	v4 =	vmax.f32 v4, $0.0e+00;
	[tilespmem:s0+$0x50] =	vst v5  }
0x33d: {  	v3 =	vmax.f32 v3, $0.0e+00;
	v1 =	vmax.f32 v1, $0.0e+00;
	[tilespmem:s2+$0xFFFFFF00] =	vst v4;
	v4 =	vmax.f32 v7, $0.0e+00;
	v5 =	vld [tilespmem:s15+$0x30];
	s15 =	smov.u32 s11  }
0x33e: {  	v2 =	vmax.f32 v2, $0.0e+00;
	[tilespmem:s2+$0xFFFFFF10] =	vst v4;
	v4 =	vmax.f32 v6, $0.0e+00;
	v6 =	vunpack.i.u.bf16.f32 v13;
	v7 =	vld [tilespmem:s9+$0x30];
	s9 =	smov.u32 s7  }
0x33f: {  	v13 =	vunpack.i.l.bf16.f32 v13;
	v8 =	vld [tilespmem:s11+$0xFFFFFF90];
	[tilespmem:s2+$0xFFFFFF80] =	vst v3;
	v3 =	vunpack.i.l.bf16.f32 v19;
	v9 =	vunpack.i.l.bf16.f32 v12  }
0x340: {  	v12 =	vunpack.i.u.bf16.f32 v12;
	v15 =	vld [tilespmem:s7+$0xFFFFFF90];
	[tilespmem:s2+$0xFFFFFF90] =	vst v1;
	v1 =	vunpack.i.u.bf16.f32 v19;
	v3 =	vadd.f32 v9, v3  }
0x341: {  	v9 =	vld [tilespmem:s11+$0xFFFFFFD0];
	[tilespmem:s2+$0x0] =	vst v2;
	v1 =	vadd.f32 v12, v1;
	v2 =	vunpack.i.u.bf16.f32 v14;
	v12 =	vunpack.i.l.bf16.f32 v14  }
0x342: {  	v14 =	vld [tilespmem:s7+$0xFFFFFFD0];
	[tilespmem:s2+$0x10] =	vst v4;
	v3 =	vmax.f32 v3, $0.0e+00;
	v4 =	vunpack.i.u.bf16.f32 v11;
	v11 =	vunpack.i.l.bf16.f32 v11  }
0x343: {  	v16 =	vld [tilespmem:s11+$0x10];
	[tilespmem:s2+$0xA0] =	vst v3;
	v1 =	vmax.f32 v1, $0.0e+00;
	v3 =	vunpack.i.u.bf16.f32 v10;
	v10 =	vunpack.i.l.bf16.f32 v10  }
0x344: {  	v19 =	vunpack.i.u.bf16.f32 v5;
	v17 =	vunpack.i.u.bf16.f32 v8;
	v8 =	vunpack.i.l.bf16.f32 v8;
	v18 =	vld [tilespmem:s7+$0x10];
	[tilespmem:s2+$0xB0] =	vst v1  }
0x345: {  	v5 =	vunpack.i.l.bf16.f32 v5;
	v1 =	vunpack.i.u.bf16.f32 v15;
	v15 =	vunpack.i.l.bf16.f32 v15;
	v20 =	vld [tilespmem:s11+$0x60]  }
0x346: {  	v8 =	vadd.f32 v15, v8;
	v15 =	vunpack.i.u.bf16.f32 v9;
	v9 =	vunpack.i.l.bf16.f32 v9;
	v21 =	vld [tilespmem:s7+$0x60]  }
0x347: {  	v1 =	vadd.f32 v1, v17;
	v17 =	vunpack.i.u.bf16.f32 v14;
	v14 =	vunpack.i.l.bf16.f32 v14  }
0x348: {  	v9 =	vadd.f32 v14, v9;
	v14 =	vunpack.i.u.bf16.f32 v16;
	v16 =	vunpack.i.l.bf16.f32 v16  }
0x349: {  	v15 =	vadd.f32 v17, v15;
	v17 =	vunpack.i.u.bf16.f32 v18;
	v18 =	vunpack.i.l.bf16.f32 v18  }
0x34a: {  	v8 =	vmax.f32 v8, $0.0e+00;
	v16 =	vadd.f32 v18, v16;
	v14 =	vadd.f32 v17, v14  }
0x34b: {  	v1 =	vmax.f32 v1, $0.0e+00;
	[tilespmem:s2+$0xFFFFFF20] =	vst v8;
	v8 =	vunpack.i.l.bf16.f32 v20;
	v17 =	vunpack.i.l.bf16.f32 v21  }
0x34c: {  	v18 =	vunpack.i.u.bf16.f32 v21;
	[tilespmem:s2+$0xFFFFFF30] =	vst v1;
	v1 =	vunpack.i.u.bf16.f32 v20;
	v8 =	vadd.f32 v17, v8  }
0x34d: {  	v9 =	vmax.f32 v9, $0.0e+00;
	v15 =	vmax.f32 v15, $0.0e+00;
	v17 =	vld [tilespmem:s11+$0xFFFFFFA0];
	v1 =	vadd.f32 v18, v1  }
0x34e: {  	v14 =	vmax.f32 v14, $0.0e+00;
	v18 =	vld [tilespmem:s7+$0xFFFFFFA0];
	[tilespmem:s2+$0xFFFFFFA0] =	vst v9;
	v9 =	vmax.f32 v16, $0.0e+00;
	v8 =	vmax.f32 v8, $0.0e+00  }
0x34f: {  	[tilespmem:s2+$0xC0] =	vst v8;
	v1 =	vmax.f32 v1, $0.0e+00;
	v8 =	vunpack.i.u.bf16.f32 v7;
	v7 =	vunpack.i.l.bf16.f32 v7  }
0x350: {  	v12 =	vadd.f32 v12, v13;
	v6 =	vadd.f32 v2, v6;
	v13 =	vmax.f32 v0, $0.0e+00;
	[tilespmem:s2+$0xD0] =	vst v1  }
0x351: {  	v10 =	vadd.f32 v10, v11;
	v3 =	vadd.f32 v3, v4;
	[tilespmem:s2+$0xFFFFFFB0] =	vst v15;
	v15 =	vld [tilespmem:s11+$0x70]  }
0x352: {  	v1 =	vadd.f32 v7, v5;
	v4 =	vunpack.i.u.bf16.f32 v17;
	v11 =	vunpack.i.l.bf16.f32 v17;
	[tilespmem:s2+$0x20] =	vst v9;
	v9 =	vld [tilespmem:s7+$0x70]  }
.Ltmp5:
0x353: {  	v2 =	vadd.f32 v8, v19;
	v5 =	vunpack.i.u.bf16.f32 v18;
	v7 =	vunpack.i.l.bf16.f32 v18;
	v0 =	vld [tilespmem:s11+$0xFFFFFFE0];
	[tilespmem:s2+$0x30] =	vst v14;
	(pc) =	sbr.rel @p1 .LBB2_12-.Ltmp5, $4  }
0x354: {  	v8 =	vadd.f32 v7, v11;
	v11 =	vadd.f32 v5, v4;
	v7 =	vld [tilespmem:s7+$0xFFFFFFE0];
	v4 =	vmax.f32 v12, $0.0e+00;
	[tilespmem:s0+$0xE0] =	vst v13  }
0x355: {  	v3 =	vmax.f32 v3, $0.0e+00;
	v13 =	vmax.f32 v6, $0.0e+00;
	v5 =	vld [tilespmem:s11+$0x20];
	[tilespmem:s0+$0xFFFFFF60] =	vst v4;
	v4 =	vmax.f32 v10, $0.0e+00  }
0x356: {  	v10 =	vmax.f32 v8, $0.0e+00;
	v12 =	vmax.f32 v11, $0.0e+00;
	v8 =	vld [tilespmem:s7+$0x20];
	v6 =	vunpack.i.l.bf16.f32 v15;
	[tilespmem:s0+$0xFFFFFF70] =	vst v13  }
0x357: {  	s11 =	sadd.s32 $0x100, s11;
	[tilespmem:s2+$0xFFFFFF40] =	vst v10;
	v10 =	vunpack.i.u.bf16.f32 v15;
	v11 =	vunpack.i.u.bf16.f32 v9;
	v9 =	vunpack.i.l.bf16.f32 v9  }
0x358: {  	_ = 	snop  }
0x359: {  	v13 =	vunpack.i.u.bf16.f32 v0;
	v35 =	vunpack.i.l.bf16.f32 v0;
	v36 =	vunpack.i.l.bf16.f32 v7  }
0x35a: {  	[tilespmem:s2+$0xFFFFFF50] =	vst v12;
	v14 =	vunpack.i.u.bf16.f32 v7;
	v15 =	vunpack.i.l.bf16.f32 v5;
	v0 =	vadd.f32 v36, v35  }
0x35b: {  	v41 =	vld [tilespmem:s15+$0xFFFFFFB0];
	v13 =	vadd.f32 v14, v13;
	v38 =	vunpack.i.u.bf16.f32 v5;
	v37 =	vunpack.i.l.bf16.f32 v8  }
0x35c: {  	v42 =	vld [tilespmem:s9+$0xFFFFFFB0];
	v39 =	vunpack.i.u.bf16.f32 v8;
	v7 =	vadd.f32 v37, v15;
	v0 =	vmax.f32 v0, $0.0e+00  }
0x35d: {  	v5 =	vadd.f32 v39, v38;
	v40 =	vmax.f32 v13, $0.0e+00;
	[tilespmem:s2+$0xFFFFFFC0] =	vst v0  }
0x35e: {  	[tilespmem:s2+$0xFFFFFFD0] =	vst v40;
	v7 =	vmax.f32 v7, $0.0e+00  }
0x35f: {  	v43 =	vld [tilespmem:s15+$0xFFFFFFF0];
	v5 =	vmax.f32 v5, $0.0e+00;
	[tilespmem:s2+$0x40] =	vst v7  }
0x360: {  	v44 =	vadd.f32 v11, v10;
	v46 =	vadd.f32 v9, v6;
	v45 =	vld [tilespmem:s9+$0xFFFFFFF0];
	[tilespmem:s2+$0x50] =	vst v5  }
0x361: {  	[tilespmem:s0+$0xFFFFFFE0] =	vst v4;
	v1 =	vmax.f32 v1, $0.0e+00;
	v8 =	vunpack.i.l.bf16.f32 v41;
	v0 =	vunpack.i.l.bf16.f32 v42;
	v47 =	vld [tilespmem:s15+$0x30]  }
0x362: {  	[tilespmem:s0+$0xFFFFFFF0] =	vst v3;
	v49 =	vunpack.i.u.bf16.f32 v41;
	v51 =	vunpack.i.u.bf16.f32 v42;
	v0 =	vadd.f32 v0, v8;
	v50 =	vld [tilespmem:s9+$0x30]  }
0x363: {  	v2 =	vmax.f32 v2, $0.0e+00;
	[tilespmem:s0+$0x60] =	vst v1;
	v48 =	vmax.f32 v44, $0.0e+00;
	v3 =	vadd.f32 v51, v49  }
0x364: {  	[tilespmem:s0+$0x70] =	vst v2;
	v5 =	vmax.f32 v46, $0.0e+00;
	v0 =	vmax.f32 v0, $0.0e+00;
	v52 =	vunpack.i.u.bf16.f32 v43  }
0x365: {  	[tilespmem:s2+$0xF0] =	vst v48;
	v53 =	vunpack.i.l.bf16.f32 v43;
	v54 =	vunpack.i.u.bf16.f32 v45;
	v10 =	vunpack.i.l.bf16.f32 v45  }
0x366: {  	[tilespmem:s2+$0xE0] =	vst v5;
	v58 =	vmax.f32 v3, $0.0e+00;
	v56 =	vadd.f32 v10, v53;
	v1 =	vadd.f32 v54, v52  }
0x367: {  	[tilespmem:s2+$0xFFFFFF60] =	vst v0;
	v55 =	vunpack.i.u.bf16.f32 v47;
	v6 =	vunpack.i.l.bf16.f32 v47;
	v57 =	vunpack.i.l.bf16.f32 v50  }
0x368: {  	[tilespmem:s2+$0xFFFFFF70] =	vst v58;
	v59 =	vunpack.i.u.bf16.f32 v50;
	v60 =	vadd.f32 v57, v6;
	v61 =	vmax.f32 v56, $0.0e+00  }
0x369: {  	v62 =	vadd.f32 v59, v55;
	v1 =	vmax.f32 v1, $0.0e+00;
	[tilespmem:s2+$0xFFFFFFE0] =	vst v61  }
0x36a: {  	[tilespmem:s2+$0xFFFFFFF0] =	vst v1;
	v63 =	vmax.f32 v60, $0.0e+00  }
0x36b: {  	v1 =	vlaneseq.u32 @!p0;
	v0 =	vmax.f32 v62, $0.0e+00;
	[tilespmem:s2+$0x60] =	vst v63  }
0x36c: {  	[tilespmem:s2+$0x70] =	vst v0;
	v0 =	vmul.u32 @!p0 $0x80, v1  }
0x36d: {  	v1 =	vld @!p0 [tilespmem:$0x74E0];
	_ =	sdelay $0x3  }
0x36e: {  	s0 =	simm.s32 @!p0 $0x9D40  }
0x36f: {  	[tilespmem:v0+s0+$0x0] =	vst.idx.add.f32.msk @!p0 $0xffff, v1  }
0x370: {  	v2 =	vor.u32 @!p0 $0x800, v0;
	v1 =	vld @!p0 [tilespmem:$0x74F0];
	_ =	sdelay $0x4  }
0x371: {  	[tilespmem:v2+s0+$0x0] =	vst.idx.add.f32.msk @!p0 $0xffff, v1  }
0x372: {  	v2 =	vor.u32 @!p0 $0x1000, v0;
	v1 =	vld @!p0 [tilespmem:$0x7500];
	_ =	sdelay $0x4  }
0x373: {  	[tilespmem:v2+s0+$0x0] =	vst.idx.add.f32.msk @!p0 $0xffff, v1  }
0x374: {  	v2 =	vor.u32 @!p0 $0x1800, v0;
	v1 =	vld @!p0 [tilespmem:$0x7510];
	_ =	sdelay $0x4  }
0x375: {  	[tilespmem:v2+s0+$0x0] =	vst.idx.add.f32.msk @!p0 $0xffff, v1  }
0x376: {  	v0 =	vor.u32 @!p0 $0x2000, v0;
	v1 =	vld @!p0 [tilespmem:$0x7520];
	_ =	sdelay $0x4  }
0x377: {  	s31 =	sadd.s32 $0x1, s31;
	[tilespmem:v0+s0+$0x0] =	vst.idx.add.f32.msk @!p0 $0xffff, v1  }
0x378: {  	[hbm4b:s12+s3] =	stream.linear.scatter [tilespmem:s23], [sflag:$0x3], $0x2800, $0x38;
	[tilespmem:$0x11540] =	vst v63  }
0x379: {  	p1 =	sne.s32 s31, s13;
	_ =	swait.ge [sflag:s29], $0x2800  }
.Ltmp6:
0x37a: {  	[sflag:s29] =	ssyncset.done $0x0;
	(pc) =	sbr.rel @p1 .LBB2_1-.Ltmp6, $4  }
0x37b: {  	[sflag:s29] =	ssyncadd.s32 $0xFFFFD800  }
0x37c: {  	_ =	swait.ge [sflag:s30], $0x2800  }
0x37d: {  	[sflag:s30] =	ssyncset.done $0x0  }
0x37e: {  	[sflag:s30] =	ssyncadd.s32 $0xFFFFD800  }
0x37f: {  	_ =	sfence.sel $0x180000  }
0x380: {  	[bflag:$0x0] =	sbarrier.arrive $0xFFFF  }
0x381: {  	_ =	strace $0x9000004A  }
0x382: {  	s0 =	stileid.u32;
	[bflag:$0x2] =	sbarrier.arrive $0xFFFF  }
0x383: {  	p0 =	sne.s32 s0, $0x0;
	s0 =	rddreg [dreg:$0x2]  }
0x384: {  	s0 =	sadd.s32 @!p0 $0x100000, s0  }
0x385: {  	[sflag:s0] =	ssyncadd.tile.s32 @!p0 $0x1;
	_ =	shalt  }
.Lfunc_end2:
_tile_overlayer_lowered:
.L_overlay_start_2:
0x386: {  	(tag) =	ssettag $0x2  }
0x387: {  	s0 =	rddreg [dreg:$0x0];
	s2 =	stileid.u32  }
0x388: {  	s1 =	rddreg [dreg:$0x1];
	p0 =	sne.s32 s2, $0x0  }
0x389: {  	s3 =	rddreg [dreg:$0x2];
	[bflag:$0x3] =	sbarrier.arrive $0xFFFF;
	s2 =	simm.s32 @!p0 $0x1C05  }
0x38a: {  	[timem:s3], [sflag:s2] =	dma.local @!p0 [hbm:s0], s1  }
0x38b: {  	s0 =	simm.s32 @!p0 $0x5  }
0x38c: {  	_ =	swait.ge @!p0 [sflag:s0], s1  }
0x38d: {  	s1 =	ssub.s32 @!p0 $0x0, s1;
	[sflag:s0] =	ssyncset.done @!p0 $0x0  }
0x38e: {  	[sflag:s0] =	ssyncadd.s32 @!p0 s1  }
0x38f: {  	[bflag:$0x3] =	sbarrier.arrive $0xFFFF  }
0x390: {  	_ =	shalt  }

</sc_bundles>
